<compile_context>
chip_gen: v7x
topology: tpu7x:2x2x1
jax: 0.10.2.dev20260603
libtpu: 0.0.44.dev20260713+nightly
codegen_flags: <defaults>
</compile_context>

<pallas_src>
import functools

import jax
import jax.numpy as jnp
from jax import lax
from jax.experimental import pallas as pl
from jax.experimental.pallas import tpu as pltpu
from jax.experimental.pallas import tpu_sc as plsc

_NC = 2
_NS = 16
_NW = _NC * _NS
_G = 128
_K = 128


def _sc_mesh():
  return plsc.VectorSubcoreMesh(core_axis_name="c", subcore_axis_name="s",
                                num_cores=_NC, num_subcores=_NS)


@functools.cache
def _deg_kernel(nchunks, NP):
  rpt = NP // _NS

  @functools.partial(
      pl.kernel,
      out_type=jax.ShapeDtypeStruct((_NC, NP), jnp.float32),
      mesh=_sc_mesh(),
      scratch_types=[
          pltpu.VMEM((nchunks, _K), jnp.int32),
          pltpu.VMEM((_K,), jnp.float32),
          pltpu.VMEM((rpt,), jnp.float32),
          pltpu.VMEM_SHARED((NP,), jnp.float32),
      ],
  )
  def deg(dsti_hbm, out_hbm, idx_v, ones_v, zbuf, acc):
    cid = lax.axis_index("c")
    sid = lax.axis_index("s")
    wid = sid * _NC + cid
    r0 = sid * rpt

    @pl.loop(0, rpt // 16)
    def _z(i):
      zbuf[pl.ds(i * 16, 16)] = jnp.zeros((16,), jnp.float32)

    @pl.loop(0, _K // 16)
    def _o(i):
      ones_v[pl.ds(i * 16, 16)] = jnp.ones((16,), jnp.float32)

    pltpu.sync_copy(dsti_hbm.at[wid], idx_v)
    pltpu.sync_copy(zbuf, acc.at[pl.ds(r0, rpt)])
    plsc.subcore_barrier()

    @pl.loop(0, nchunks)
    def _c(c):
      pltpu.sync_copy(ones_v, acc.at[idx_v.at[c]], add=True)

    plsc.subcore_barrier()
    pltpu.sync_copy(acc.at[pl.ds(r0, rpt)], out_hbm.at[cid, pl.ds(r0, rpt)])

  return deg


@functools.cache
def _agg_kernel(nchunks, NP, F):
  rpt = NP // _NS
  epw = nchunks * _K

  @functools.partial(
      pl.kernel,
      out_type=jax.ShapeDtypeStruct((_NC, NP, F), jnp.float32),
      mesh=_sc_mesh(),
      compiler_params=pltpu.CompilerParams(use_tc_tiling_on_sc=False),
      scratch_types=[
          pltpu.VMEM((2, _K), jnp.int32),
          pltpu.VMEM((2, _K), jnp.int32),
          pltpu.VMEM((2, _K), jnp.int32),
          pltpu.VMEM((2, _K), jnp.int32),
          pltpu.VMEM((_K, F), jnp.float32),
          pltpu.VMEM((_K, F), jnp.float32),
          pltpu.VMEM_SHARED((NP, F), jnp.float32),
          pltpu.SemaphoreType.DMA,
          pltpu.SemaphoreType.DMA,
          pltpu.SemaphoreType.DMA,
          pltpu.SemaphoreType.DMA,
          pltpu.SemaphoreType.DMA,
          pltpu.SemaphoreType.DMA,
      ],
  )
  def agg(rows_hbm, eidx_hbm, out_hbm, ia0, ib0, ia1, ib1, ra, rb, acc,
          sia0, sib0, sia1, sib1, sra, srb):
    cid = lax.axis_index("c")
    sid = lax.axis_index("s")
    wid = sid * _NC + cid
    r0 = sid * rpt

    pltpu.sync_copy(rows_hbm.at[pl.ds(r0, rpt)], acc.at[pl.ds(r0, rpt)])
    plsc.subcore_barrier()

    ews = eidx_hbm.at[0]
    ewd = eidx_hbm.at[1]
    base = wid * epw

    def stage_idx(c, stg, sem):
      pltpu.async_copy(ews.at[pl.ds(base + c * _K, _K)], stg.at[0], sem)
      pltpu.async_copy(ewd.at[pl.ds(base + c * _K, _K)], stg.at[1], sem)

    def wait_idx(c, stg, sem):
      pltpu.make_async_copy(ews.at[pl.ds(base + c * _K, _K)], stg.at[0],
                            sem).wait()
      pltpu.make_async_copy(ewd.at[pl.ds(base + c * _K, _K)], stg.at[1],
                            sem).wait()

    stage_idx(0, ia0, sia0)
    stage_idx(1, ib0, sib0)
    stage_idx(2, ia1, sia1)
    stage_idx(3, ib1, sib1)
    wait_idx(0, ia0, sia0)
    pltpu.async_copy(rows_hbm.at[ia0.at[0]], ra, sra)
    wait_idx(1, ib0, sib0)
    pltpu.async_copy(rows_hbm.at[ib0.at[0]], rb, srb)

    slots = ((0, lambda: (ia0, sia0, ia1, sia1)),
             (1, lambda: (ib0, sib0, ib1, sib1)),
             (2, lambda: (ia1, sia1, ia0, sia0)),
             (3, lambda: (ib1, sib1, ib0, sib0)))

    @pl.loop(0, nchunks // 4)
    def _i(i):
      c0 = i * 4
      for off, get in slots:
        stg, ssem, par, psem = get()
        rows, rsem = (ra, sra) if off % 2 == 0 else (rb, srb)
        c = c0 + off
        pltpu.make_async_copy(rows_hbm.at[stg.at[0]], rows, rsem).wait()
        pltpu.sync_copy(rows, acc.at[stg.at[1]], add=True)

        @pl.when(c + 4 < nchunks)
        def _pf(stg=stg, ssem=ssem, c=c):
          stage_idx(c + 4, stg, ssem)

        @pl.when(c + 2 < nchunks)
        def _g(par=par, psem=psem, rows=rows, rsem=rsem, c=c):
          wait_idx(c + 2, par, psem)
          pltpu.async_copy(rows_hbm.at[par.at[0]], rows, rsem)

    plsc.subcore_barrier()
    pltpu.sync_copy(acc.at[pl.ds(r0, rpt)], out_hbm.at[cid, pl.ds(r0, rpt)])

  return agg


def _tc_a(x, W1, deg, NP):
  D = x.shape[1]
  H = W1.shape[1]
  BR = 1280
  NB = NP // BR

  def body(x_r, w_r, d_r, h_r):
    dv = lax.rsqrt(d_r[0] + d_r[1] + 1.0)[:, None]
    h = jnp.dot(x_r[...], w_r[...], preferred_element_type=jnp.float32)
    h_r[...] = h * dv

  return pl.pallas_call(
      body,
      grid=(NB,),
      in_specs=[
          pl.BlockSpec((BR, D), lambda i: (i, 0)),
          pl.BlockSpec((D, H), lambda i: (0, 0)),
          pl.BlockSpec((2, BR), lambda i: (0, i)),
      ],
      out_specs=pl.BlockSpec((BR, H), lambda i: (i, 0)),
      out_shape=jax.ShapeDtypeStruct((NP, H), jnp.float32),
  )(x, W1, deg)


def _tc_b(p, h1s, deg, b1r, W2p, NP):
  H = h1s.shape[1]
  F2 = W2p.shape[1]
  BR = 1280
  NB = NP // BR

  def body(p_r, h_r, d_r, b1_r, w2_r, o_r):
    dv = lax.rsqrt(d_r[0] + d_r[1] + 1.0)[:, None]
    z = jnp.maximum(dv * (p_r[0] + p_r[1] - h_r[...]) + b1_r[...], 0.0)
    o_r[...] = jnp.dot(z, w2_r[...], preferred_element_type=jnp.float32) * dv

  return pl.pallas_call(
      body,
      grid=(NB,),
      in_specs=[
          pl.BlockSpec((2, BR, H), lambda i: (0, i, 0)),
          pl.BlockSpec((BR, H), lambda i: (i, 0)),
          pl.BlockSpec((2, BR), lambda i: (0, i)),
          pl.BlockSpec((1, H), lambda i: (0, 0)),
          pl.BlockSpec((H, F2), lambda i: (0, 0)),
      ],
      out_specs=pl.BlockSpec((BR, F2), lambda i: (i, 0)),
      out_shape=jax.ShapeDtypeStruct((NP, F2), jnp.float32),
  )(p, h1s, deg, b1r, W2p)


def _tc_c(q, h2s, deg, b2p, pmask, batch3, N):
  F2 = h2s.shape[1]
  BR = 2000
  NB = N // BR
  degc = deg[:, :N].reshape(2, NB, 1, BR)

  def body(q_r, h_r, d_r, b2_r, pm_r, bt_r, o_r, sums, cnts):
    i = pl.program_id(0)

    @pl.when(i == 0)
    def _():
      sums[...] = jnp.zeros_like(sums)
      cnts[...] = jnp.zeros_like(cnts)

    dv = lax.rsqrt(d_r[0, 0, 0] + d_r[1, 0, 0] + 1.0)[:, None]
    out2 = dv * (q_r[0] + q_r[1] - h_r[...]) + b2_r[...]
    bi = bt_r[0, 0, :]
    oh = (bi[:, None] == lax.broadcasted_iota(jnp.int32, (BR, _G), 1)
          ).astype(jnp.float32)
    sums[...] += lax.dot_general(oh, out2, (((0,), (0,)), ((), ())),
                                 preferred_element_type=jnp.float32)
    cnts[...] += lax.dot_general(oh, jnp.ones((BR, 1), jnp.float32),
                                 (((0,), (0,)), ((), ())),
                                 preferred_element_type=jnp.float32)

    @pl.when(i == NB - 1)
    def _():
      m = sums[...] / jnp.maximum(cnts[...], 1.0) + pm_r[...]
      mx = jnp.max(m, axis=1, keepdims=True)
      lse = jnp.log(jnp.sum(jnp.exp(m - mx), axis=1, keepdims=True)) + mx
      o_r[...] = m - lse

  return pl.pallas_call(
      body,
      grid=(NB,),
      in_specs=[
          pl.BlockSpec((2, BR, F2), lambda i: (0, i, 0)),
          pl.BlockSpec((BR, F2), lambda i: (i, 0)),
          pl.BlockSpec((2, 1, 1, BR), lambda i: (0, i, 0, 0)),
          pl.BlockSpec((1, F2), lambda i: (0, 0)),
          pl.BlockSpec((1, F2), lambda i: (0, 0)),
          pl.BlockSpec((1, 1, BR), lambda i: (i, 0, 0)),
      ],
      out_specs=pl.BlockSpec((_G, F2), lambda i: (0, 0)),
      out_shape=jax.ShapeDtypeStruct((_G, F2), jnp.float32),
      scratch_shapes=[
          pltpu.VMEM((_G, F2), jnp.float32),
          pltpu.VMEM((_G, 1), jnp.float32),
      ],
  )(q, h2s, degc, b2p, pmask, batch3)


def kernel(x, edge_index, batch, W1, b1, W2, b2):
  N, D = x.shape
  H = W1.shape[1]
  C = W2.shape[1]
  E = edge_index.shape[1]
  F2 = 48
  NP = -(-N // 640) * 640

  nchunks = -(-E // (_NW * _K))
  nchunks += (-nchunks) % 4
  EP = _NW * nchunks * _K
  pad_ids = N + (jnp.arange(EP - E, dtype=jnp.int32) % (NP - N))
  epad = jnp.stack([pad_ids, pad_ids])
  eidxf = jnp.concatenate([edge_index, epad], axis=1)
  dsti = eidxf[1].reshape(_NW, nchunks, _K)

  deg = _deg_kernel(nchunks, NP)(dsti)
  h1s = _tc_a(x, W1, deg, NP)

  p = _agg_kernel(nchunks, NP, H)(h1s, eidxf)
  b1r = b1.reshape(1, H)
  W2p = jnp.pad(W2, ((0, 0), (0, F2 - C)))
  h2s = _tc_b(p, h1s, deg, b1r, W2p, NP)

  q = _agg_kernel(nchunks, NP, F2)(h2s, eidxf)
  b2p = jnp.pad(b2, (0, F2 - C)).reshape(1, F2)
  pmask = jnp.concatenate(
      [jnp.zeros((C,), jnp.float32),
       jnp.full((F2 - C,), -1e9, jnp.float32)]).reshape(1, F2)
  batch3 = batch.reshape(N // 2000, 1, 2000)
  out = _tc_c(q, h2s, deg, b2p, pmask, batch3, N)
  return out[:, :C]

# --- scband reference (transcript-rebuilt; emitter-appended) ---
"""Pipeline reference for scband-gcn-82205674046056 (READ-ONLY COPY).

The authoritative reference and input builder live on the scoring server;
editing this copy changes nothing except your own understanding.
"""

import jax, jax.numpy as jnp
import numpy as np

N = 10000
E = 320000
D = 128
H = 128
C = 40
G = 128


def setup_inputs(seed: int = 0) -> dict:
    key = jax.random.key(seed)
    k1, k2, k3, k4, k5, k6, k7 = jax.random.split(key, 7)
    x = jax.random.normal(k1, (N, D), dtype=jnp.float32)
    edge_index = jax.random.randint(k2, (2, E), 0, N, dtype=jnp.int32)
    batch = jnp.sort(jax.random.randint(k3, (N,), 0, G, dtype=jnp.int32))
    s1 = float(np.sqrt(2.0 / (D + H)))
    s2 = float(np.sqrt(2.0 / (H + C)))
    W1 = jax.random.normal(k4, (D, H), dtype=jnp.float32) * s1
    b1 = jnp.zeros((H,), dtype=jnp.float32)
    W2 = jax.random.normal(k5, (H, C), dtype=jnp.float32) * s2
    b2 = jnp.zeros((C,), dtype=jnp.float32)
    return {"x": x, "edge_index": edge_index, "batch": batch,
            "W1": W1, "b1": b1, "W2": W2, "b2": b2}


def _gcn_conv(x, edge_index, W, b):
    n = x.shape[0]
    src = edge_index[0]
    dst = edge_index[1]
    sl = jnp.arange(n, dtype=src.dtype)
    src = jnp.concatenate([src, sl])
    dst = jnp.concatenate([dst, sl])
    deg = jnp.zeros((n,), dtype=x.dtype).at[dst].add(1.0)
    dinv = jax.lax.rsqrt(jnp.maximum(deg, 1e-12))
    norm = dinv[src] * dinv[dst]
    h = x @ W
    msg = h[src] * norm[:, None]
    out = jnp.zeros((n, h.shape[1]), dtype=x.dtype).at[dst].add(msg)
    return out + b


def reference(x, edge_index, batch, W1, b1, W2, b2):
    h = _gcn_conv(x, edge_index, W1, b1)
    h = jax.nn.relu(h)
    # dropout is identity in eval / deterministic reference
    h = _gcn_conv(h, edge_index, W2, b2)
    sums = jax.ops.segment_sum(h, batch, num_segments=G)
    cnts = jax.ops.segment_sum(jnp.ones((h.shape[0],), dtype=h.dtype), batch, num_segments=G)
    pooled = sums / jnp.maximum(cnts, 1.0)[:, None]
    return jax.nn.log_softmax(pooled, axis=1)

if __name__ == "__main__":
    import jax
    _d = setup_inputs()
    print(jax.jit(kernel)(*tuple(_d.values())))

</pallas_src>

<mosaic_0001>
#map = affine_map<(d0, d1) -> (0, 0)>
#map1 = affine_map<(d0, d1) -> (0, 0, 0)>
module attributes {stable_mosaic.version = 14 : i64} {
  func.func @agg(%arg0: i32, %arg1: i32, %arg2: memref<10240x48xf32, #tpu.memory_space<hbm>>, %arg3: memref<2x327680xi32, #tpu.memory_space<hbm>>, %arg4: memref<2x10240x48xf32, #tpu.memory_space<hbm>>, %arg5: memref<2x128xi32, #tpu.memory_space<vmem>>, %arg6: memref<2x128xi32, #tpu.memory_space<vmem>>, %arg7: memref<2x128xi32, #tpu.memory_space<vmem>>, %arg8: memref<2x128xi32, #tpu.memory_space<vmem>>, %arg9: memref<128x48xf32, #tpu.memory_space<vmem>>, %arg10: memref<128x48xf32, #tpu.memory_space<vmem>>, %arg11: memref<10240x48xf32, #tpu.memory_space<vmem_shared>>, %arg12: memref<!tpu.dma_semaphore, #tpu.memory_space<semaphore_mem>>, %arg13: memref<!tpu.dma_semaphore, #tpu.memory_space<semaphore_mem>>, %arg14: memref<!tpu.dma_semaphore, #tpu.memory_space<semaphore_mem>>, %arg15: memref<!tpu.dma_semaphore, #tpu.memory_space<semaphore_mem>>, %arg16: memref<!tpu.dma_semaphore, #tpu.memory_space<semaphore_mem>>, %arg17: memref<!tpu.dma_semaphore, #tpu.memory_space<semaphore_mem>>) attributes {dimension_semantics = [#tpu.dimension_semantics<core_parallel>, #tpu.dimension_semantics<subcore_parallel>], iteration_bounds = array<i64: 2, 16>, scalar_prefetch = 0 : i64, scratch_operands = 13 : i64, tpu.core_type = #tpu.core_type<sc_vector_subcore>, window_params = [{transform_indices = #map}, {transform_indices = #map}, {transform_indices = #map1}]} {
    %mul3A = arith.constant 2 : i32
    %mul3A_0 = arith.muli %arg1, %mul3A : i32
    %add3A = arith.addi %mul3A_0, %arg0 : i32
    %mul3A_1 = arith.constant 640 : i32
    %mul3A_2 = arith.muli %arg1, %mul3A_1 : i32
    "tpu.region"() ({
      %run_scoped3A = tpu.sem_alloc : memref<!tpu.dma_semaphore, #tpu.memory_space<semaphore_mem>>
      %dma_start3A_240 = arith.constant 0 : i32
      %dma_start3A_241 = tpu.memref_slice %arg11[%mul3A_2, %dma_start3A_240] : memref<10240x48xf32, #tpu.memory_space<vmem_shared>> -> memref<640x48xf32, #tpu.memory_space<vmem_shared>>
      %dma_start3A_242 = arith.constant 0 : i32
      %dma_start3A_243 = tpu.memref_slice %arg2[%mul3A_2, %dma_start3A_242] : memref<10240x48xf32, #tpu.memory_space<hbm>> -> memref<640x48xf32, #tpu.memory_space<hbm>>
      tpu.enqueue_dma source(%dma_start3A_243 : memref<640x48xf32, #tpu.memory_space<hbm>>) target(%dma_start3A_241 : memref<640x48xf32, #tpu.memory_space<vmem_shared>>) target_semaphore(%run_scoped3A : memref<!tpu.dma_semaphore, #tpu.memory_space<semaphore_mem>>)
      %dma_wait3A_244 = arith.constant 0 : i32
      %dma_wait3A_245 = tpu.memref_slice %arg11[%mul3A_2, %dma_wait3A_244] : memref<10240x48xf32, #tpu.memory_space<vmem_shared>> -> memref<640x48xf32, #tpu.memory_space<vmem_shared>>
      %dma_wait3A_246 = arith.constant 0 : i32
      %dma_wait3A_247 = tpu.memref_slice %arg2[%mul3A_2, %dma_wait3A_246] : memref<10240x48xf32, #tpu.memory_space<hbm>> -> memref<640x48xf32, #tpu.memory_space<hbm>>
      tpu.wait_dma2 semaphore(%run_scoped3A : memref<!tpu.dma_semaphore, #tpu.memory_space<semaphore_mem>>) src(%dma_wait3A_247 : memref<640x48xf32, #tpu.memory_space<hbm>>) dst(%dma_wait3A_245 : memref<640x48xf32, #tpu.memory_space<vmem_shared>>)
      tpu.yield
    }) : () -> ()
    %barrier3A = arith.constant 0 : index
    tpu.barrier barrier_id(%barrier3A)
    %mul3A_3 = arith.constant 10240 : i32
    %mul3A_4 = arith.muli %add3A, %mul3A_3 : i32
    %add3A_5 = arith.constant 0 : i32
    %add3A_6 = arith.addi %mul3A_4, %add3A_5 : i32
    %dma_start3A = arith.constant 0 : i32
    %dma_start3A_7 = arith.constant 0 : i32
    %dma_start3A_8 = arith.constant 0 : i32
    %dma_start3A_9 = tpu.memref_slice %arg5[%dma_start3A_7, %dma_start3A_8] : memref<2x128xi32, #tpu.memory_space<vmem>> -> memref<1x128xi32, #tpu.memory_space<vmem>>
    %dma_start3A_10 = tpu.memref_squeeze %dma_start3A_9 : memref<1x128xi32, #tpu.memory_space<vmem>> -> memref<128xi32, #tpu.memory_space<vmem>>
    %dma_start3A_11 = arith.constant 0 : i32
    %dma_start3A_12 = tpu.memref_slice %arg3[%dma_start3A, %dma_start3A_11] : memref<2x327680xi32, #tpu.memory_space<hbm>> -> memref<1x327680xi32, #tpu.memory_space<hbm>>
    %dma_start3A_13 = tpu.memref_squeeze %dma_start3A_12 : memref<1x327680xi32, #tpu.memory_space<hbm>> -> memref<327680xi32, #tpu.memory_space<hbm>>
    %dma_start3A_14 = tpu.memref_slice %dma_start3A_13[%add3A_6] : memref<327680xi32, #tpu.memory_space<hbm>> -> memref<128xi32, #tpu.memory_space<hbm>>
    %dma_start3A_15 = arith.constant 0 : i32
    %dma_start3A_16 = tpu.memref_slice %arg5[%dma_start3A_7, %dma_start3A_15] : memref<2x128xi32, #tpu.memory_space<vmem>> -> memref<1x128xi32, #tpu.memory_space<vmem>>
    %dma_start3A_17 = tpu.memref_squeeze %dma_start3A_16 : memref<1x128xi32, #tpu.memory_space<vmem>> -> memref<128xi32, #tpu.memory_space<vmem>>
    %dma_start3A_18 = arith.constant 0 : i32
    %dma_start3A_19 = tpu.memref_slice %arg3[%dma_start3A, %dma_start3A_18] : memref<2x327680xi32, #tpu.memory_space<hbm>> -> memref<1x327680xi32, #tpu.memory_space<hbm>>
    %dma_start3A_20 = tpu.memref_squeeze %dma_start3A_19 : memref<1x327680xi32, #tpu.memory_space<hbm>> -> memref<327680xi32, #tpu.memory_space<hbm>>
    %dma_start3A_21 = tpu.memref_slice %dma_start3A_20[%add3A_6] : memref<327680xi32, #tpu.memory_space<hbm>> -> memref<128xi32, #tpu.memory_space<hbm>>
    tpu.enqueue_dma source(%dma_start3A_21 : memref<128xi32, #tpu.memory_space<hbm>>) target(%dma_start3A_17 : memref<128xi32, #tpu.memory_space<vmem>>) target_semaphore(%arg12 : memref<!tpu.dma_semaphore, #tpu.memory_space<semaphore_mem>>)
    %add3A_22 = arith.constant 0 : i32
    %add3A_23 = arith.addi %mul3A_4, %add3A_22 : i32
    %dma_start3A_24 = arith.constant 1 : i32
    %dma_start3A_25 = arith.constant 1 : i32
    %dma_start3A_26 = arith.constant 0 : i32
    %dma_start3A_27 = tpu.memref_slice %arg5[%dma_start3A_25, %dma_start3A_26] : memref<2x128xi32, #tpu.memory_space<vmem>> -> memref<1x128xi32, #tpu.memory_space<vmem>>
    %dma_start3A_28 = tpu.memref_squeeze %dma_start3A_27 : memref<1x128xi32, #tpu.memory_space<vmem>> -> memref<128xi32, #tpu.memory_space<vmem>>
    %dma_start3A_29 = arith.constant 0 : i32
    %dma_start3A_30 = tpu.memref_slice %arg3[%dma_start3A_24, %dma_start3A_29] : memref<2x327680xi32, #tpu.memory_space<hbm>> -> memref<1x327680xi32, #tpu.memory_space<hbm>>
    %dma_start3A_31 = tpu.memref_squeeze %dma_start3A_30 : memref<1x327680xi32, #tpu.memory_space<hbm>> -> memref<327680xi32, #tpu.memory_space<hbm>>
    %dma_start3A_32 = tpu.memref_slice %dma_start3A_31[%add3A_23] : memref<327680xi32, #tpu.memory_space<hbm>> -> memref<128xi32, #tpu.memory_space<hbm>>
    %dma_start3A_33 = arith.constant 0 : i32
    %dma_start3A_34 = tpu.memref_slice %arg5[%dma_start3A_25, %dma_start3A_33] : memref<2x128xi32, #tpu.memory_space<vmem>> -> memref<1x128xi32, #tpu.memory_space<vmem>>
    %dma_start3A_35 = tpu.memref_squeeze %dma_start3A_34 : memref<1x128xi32, #tpu.memory_space<vmem>> -> memref<128xi32, #tpu.memory_space<vmem>>
    %dma_start3A_36 = arith.constant 0 : i32
    %dma_start3A_37 = tpu.memref_slice %arg3[%dma_start3A_24, %dma_start3A_36] : memref<2x327680xi32, #tpu.memory_space<hbm>> -> memref<1x327680xi32, #tpu.memory_space<hbm>>
    %dma_start3A_38 = tpu.memref_squeeze %dma_start3A_37 : memref<1x327680xi32, #tpu.memory_space<hbm>> -> memref<327680xi32, #tpu.memory_space<hbm>>
    %dma_start3A_39 = tpu.memref_slice %dma_start3A_38[%add3A_23] : memref<327680xi32, #tpu.memory_space<hbm>> -> memref<128xi32, #tpu.memory_space<hbm>>
    tpu.enqueue_dma source(%dma_start3A_39 : memref<128xi32, #tpu.memory_space<hbm>>) target(%dma_start3A_35 : memref<128xi32, #tpu.memory_space<vmem>>) target_semaphore(%arg12 : memref<!tpu.dma_semaphore, #tpu.memory_space<semaphore_mem>>)
    %add3A_40 = arith.constant 128 : i32
    %add3A_41 = arith.addi %mul3A_4, %add3A_40 : i32
    %dma_start3A_42 = arith.constant 0 : i32
    %dma_start3A_43 = arith.constant 0 : i32
    %dma_start3A_44 = arith.constant 0 : i32
    %dma_start3A_45 = tpu.memref_slice %arg6[%dma_start3A_43, %dma_start3A_44] : memref<2x128xi32, #tpu.memory_space<vmem>> -> memref<1x128xi32, #tpu.memory_space<vmem>>
    %dma_start3A_46 = tpu.memref_squeeze %dma_start3A_45 : memref<1x128xi32, #tpu.memory_space<vmem>> -> memref<128xi32, #tpu.memory_space<vmem>>
    %dma_start3A_47 = arith.constant 0 : i32
    %dma_start3A_48 = tpu.memref_slice %arg3[%dma_start3A_42, %dma_start3A_47] : memref<2x327680xi32, #tpu.memory_space<hbm>> -> memref<1x327680xi32, #tpu.memory_space<hbm>>
    %dma_start3A_49 = tpu.memref_squeeze %dma_start3A_48 : memref<1x327680xi32, #tpu.memory_space<hbm>> -> memref<327680xi32, #tpu.memory_space<hbm>>
    %dma_start3A_50 = tpu.memref_slice %dma_start3A_49[%add3A_41] : memref<327680xi32, #tpu.memory_space<hbm>> -> memref<128xi32, #tpu.memory_space<hbm>>
    %dma_start3A_51 = arith.constant 0 : i32
    %dma_start3A_52 = tpu.memref_slice %arg6[%dma_start3A_43, %dma_start3A_51] : memref<2x128xi32, #tpu.memory_space<vmem>> -> memref<1x128xi32, #tpu.memory_space<vmem>>
    %dma_start3A_53 = tpu.memref_squeeze %dma_start3A_52 : memref<1x128xi32, #tpu.memory_space<vmem>> -> memref<128xi32, #tpu.memory_space<vmem>>
    %dma_start3A_54 = arith.constant 0 : i32
    %dma_start3A_55 = tpu.memref_slice %arg3[%dma_start3A_42, %dma_start3A_54] : memref<2x327680xi32, #tpu.memory_space<hbm>> -> memref<1x327680xi32, #tpu.memory_space<hbm>>
    %dma_start3A_56 = tpu.memref_squeeze %dma_start3A_55 : memref<1x327680xi32, #tpu.memory_space<hbm>> -> memref<327680xi32, #tpu.memory_space<hbm>>
    %dma_start3A_57 = tpu.memref_slice %dma_start3A_56[%add3A_41] : memref<327680xi32, #tpu.memory_space<hbm>> -> memref<128xi32, #tpu.memory_space<hbm>>
    tpu.enqueue_dma source(%dma_start3A_57 : memref<128xi32, #tpu.memory_space<hbm>>) target(%dma_start3A_53 : memref<128xi32, #tpu.memory_space<vmem>>) target_semaphore(%arg13 : memref<!tpu.dma_semaphore, #tpu.memory_space<semaphore_mem>>)
    %add3A_58 = arith.constant 128 : i32
    %add3A_59 = arith.addi %mul3A_4, %add3A_58 : i32
    %dma_start3A_60 = arith.constant 1 : i32
    %dma_start3A_61 = arith.constant 1 : i32
    %dma_start3A_62 = arith.constant 0 : i32
    %dma_start3A_63 = tpu.memref_slice %arg6[%dma_start3A_61, %dma_start3A_62] : memref<2x128xi32, #tpu.memory_space<vmem>> -> memref<1x128xi32, #tpu.memory_space<vmem>>
    %dma_start3A_64 = tpu.memref_squeeze %dma_start3A_63 : memref<1x128xi32, #tpu.memory_space<vmem>> -> memref<128xi32, #tpu.memory_space<vmem>>
    %dma_start3A_65 = arith.constant 0 : i32
    %dma_start3A_66 = tpu.memref_slice %arg3[%dma_start3A_60, %dma_start3A_65] : memref<2x327680xi32, #tpu.memory_space<hbm>> -> memref<1x327680xi32, #tpu.memory_space<hbm>>
    %dma_start3A_67 = tpu.memref_squeeze %dma_start3A_66 : memref<1x327680xi32, #tpu.memory_space<hbm>> -> memref<327680xi32, #tpu.memory_space<hbm>>
    %dma_start3A_68 = tpu.memref_slice %dma_start3A_67[%add3A_59] : memref<327680xi32, #tpu.memory_space<hbm>> -> memref<128xi32, #tpu.memory_space<hbm>>
    %dma_start3A_69 = arith.constant 0 : i32
    %dma_start3A_70 = tpu.memref_slice %arg6[%dma_start3A_61, %dma_start3A_69] : memref<2x128xi32, #tpu.memory_space<vmem>> -> memref<1x128xi32, #tpu.memory_space<vmem>>
    %dma_start3A_71 = tpu.memref_squeeze %dma_start3A_70 : memref<1x128xi32, #tpu.memory_space<vmem>> -> memref<128xi32, #tpu.memory_space<vmem>>
    %dma_start3A_72 = arith.constant 0 : i32
    %dma_start3A_73 = tpu.memref_slice %arg3[%dma_start3A_60, %dma_start3A_72] : memref<2x327680xi32, #tpu.memory_space<hbm>> -> memref<1x327680xi32, #tpu.memory_space<hbm>>
    %dma_start3A_74 = tpu.memref_squeeze %dma_start3A_73 : memref<1x327680xi32, #tpu.memory_space<hbm>> -> memref<327680xi32, #tpu.memory_space<hbm>>
    %dma_start3A_75 = tpu.memref_slice %dma_start3A_74[%add3A_59] : memref<327680xi32, #tpu.memory_space<hbm>> -> memref<128xi32, #tpu.memory_space<hbm>>
    tpu.enqueue_dma source(%dma_start3A_75 : memref<128xi32, #tpu.memory_space<hbm>>) target(%dma_start3A_71 : memref<128xi32, #tpu.memory_space<vmem>>) target_semaphore(%arg13 : memref<!tpu.dma_semaphore, #tpu.memory_space<semaphore_mem>>)
    %add3A_76 = arith.constant 256 : i32
    %add3A_77 = arith.addi %mul3A_4, %add3A_76 : i32
    %dma_start3A_78 = arith.constant 0 : i32
    %dma_start3A_79 = arith.constant 0 : i32
    %dma_start3A_80 = arith.constant 0 : i32
    %dma_start3A_81 = tpu.memref_slice %arg7[%dma_start3A_79, %dma_start3A_80] : memref<2x128xi32, #tpu.memory_space<vmem>> -> memref<1x128xi32, #tpu.memory_space<vmem>>
    %dma_start3A_82 = tpu.memref_squeeze %dma_start3A_81 : memref<1x128xi32, #tpu.memory_space<vmem>> -> memref<128xi32, #tpu.memory_space<vmem>>
    %dma_start3A_83 = arith.constant 0 : i32
    %dma_start3A_84 = tpu.memref_slice %arg3[%dma_start3A_78, %dma_start3A_83] : memref<2x327680xi32, #tpu.memory_space<hbm>> -> memref<1x327680xi32, #tpu.memory_space<hbm>>
    %dma_start3A_85 = tpu.memref_squeeze %dma_start3A_84 : memref<1x327680xi32, #tpu.memory_space<hbm>> -> memref<327680xi32, #tpu.memory_space<hbm>>
    %dma_start3A_86 = tpu.memref_slice %dma_start3A_85[%add3A_77] : memref<327680xi32, #tpu.memory_space<hbm>> -> memref<128xi32, #tpu.memory_space<hbm>>
    %dma_start3A_87 = arith.constant 0 : i32
    %dma_start3A_88 = tpu.memref_slice %arg7[%dma_start3A_79, %dma_start3A_87] : memref<2x128xi32, #tpu.memory_space<vmem>> -> memref<1x128xi32, #tpu.memory_space<vmem>>
    %dma_start3A_89 = tpu.memref_squeeze %dma_start3A_88 : memref<1x128xi32, #tpu.memory_space<vmem>> -> memref<128xi32, #tpu.memory_space<vmem>>
    %dma_start3A_90 = arith.constant 0 : i32
    %dma_start3A_91 = tpu.memref_slice %arg3[%dma_start3A_78, %dma_start3A_90] : memref<2x327680xi32, #tpu.memory_space<hbm>> -> memref<1x327680xi32, #tpu.memory_space<hbm>>
    %dma_start3A_92 = tpu.memref_squeeze %dma_start3A_91 : memref<1x327680xi32, #tpu.memory_space<hbm>> -> memref<327680xi32, #tpu.memory_space<hbm>>
    %dma_start3A_93 = tpu.memref_slice %dma_start3A_92[%add3A_77] : memref<327680xi32, #tpu.memory_space<hbm>> -> memref<128xi32, #tpu.memory_space<hbm>>
    tpu.enqueue_dma source(%dma_start3A_93 : memref<128xi32, #tpu.memory_space<hbm>>) target(%dma_start3A_89 : memref<128xi32, #tpu.memory_space<vmem>>) target_semaphore(%arg14 : memref<!tpu.dma_semaphore, #tpu.memory_space<semaphore_mem>>)
    %add3A_94 = arith.constant 256 : i32
    %add3A_95 = arith.addi %mul3A_4, %add3A_94 : i32
    %dma_start3A_96 = arith.constant 1 : i32
    %dma_start3A_97 = arith.constant 1 : i32
    %dma_start3A_98 = arith.constant 0 : i32
    %dma_start3A_99 = tpu.memref_slice %arg7[%dma_start3A_97, %dma_start3A_98] : memref<2x128xi32, #tpu.memory_space<vmem>> -> memref<1x128xi32, #tpu.memory_space<vmem>>
    %dma_start3A_100 = tpu.memref_squeeze %dma_start3A_99 : memref<1x128xi32, #tpu.memory_space<vmem>> -> memref<128xi32, #tpu.memory_space<vmem>>
    %dma_start3A_101 = arith.constant 0 : i32
    %dma_start3A_102 = tpu.memref_slice %arg3[%dma_start3A_96, %dma_start3A_101] : memref<2x327680xi32, #tpu.memory_space<hbm>> -> memref<1x327680xi32, #tpu.memory_space<hbm>>
    %dma_start3A_103 = tpu.memref_squeeze %dma_start3A_102 : memref<1x327680xi32, #tpu.memory_space<hbm>> -> memref<327680xi32, #tpu.memory_space<hbm>>
    %dma_start3A_104 = tpu.memref_slice %dma_start3A_103[%add3A_95] : memref<327680xi32, #tpu.memory_space<hbm>> -> memref<128xi32, #tpu.memory_space<hbm>>
    %dma_start3A_105 = arith.constant 0 : i32
    %dma_start3A_106 = tpu.memref_slice %arg7[%dma_start3A_97, %dma_start3A_105] : memref<2x128xi32, #tpu.memory_space<vmem>> -> memref<1x128xi32, #tpu.memory_space<vmem>>
    %dma_start3A_107 = tpu.memref_squeeze %dma_start3A_106 : memref<1x128xi32, #tpu.memory_space<vmem>> -> memref<128xi32, #tpu.memory_space<vmem>>
    %dma_start3A_108 = arith.constant 0 : i32
    %dma_start3A_109 = tpu.memref_slice %arg3[%dma_start3A_96, %dma_start3A_108] : memref<2x327680xi32, #tpu.memory_space<hbm>> -> memref<1x327680xi32, #tpu.memory_space<hbm>>
    %dma_start3A_110 = tpu.memref_squeeze %dma_start3A_109 : memref<1x327680xi32, #tpu.memory_space<hbm>> -> memref<327680xi32, #tpu.memory_space<hbm>>
    %dma_start3A_111 = tpu.memref_slice %dma_start3A_110[%add3A_95] : memref<327680xi32, #tpu.memory_space<hbm>> -> memref<128xi32, #tpu.memory_space<hbm>>
    tpu.enqueue_dma source(%dma_start3A_111 : memref<128xi32, #tpu.memory_space<hbm>>) target(%dma_start3A_107 : memref<128xi32, #tpu.memory_space<vmem>>) target_semaphore(%arg14 : memref<!tpu.dma_semaphore, #tpu.memory_space<semaphore_mem>>)
    %add3A_112 = arith.constant 384 : i32
    %add3A_113 = arith.addi %mul3A_4, %add3A_112 : i32
    %dma_start3A_114 = arith.constant 0 : i32
    %dma_start3A_115 = arith.constant 0 : i32
    %dma_start3A_116 = arith.constant 0 : i32
    %dma_start3A_117 = tpu.memref_slice %arg8[%dma_start3A_115, %dma_start3A_116] : memref<2x128xi32, #tpu.memory_space<vmem>> -> memref<1x128xi32, #tpu.memory_space<vmem>>
    %dma_start3A_118 = tpu.memref_squeeze %dma_start3A_117 : memref<1x128xi32, #tpu.memory_space<vmem>> -> memref<128xi32, #tpu.memory_space<vmem>>
    %dma_start3A_119 = arith.constant 0 : i32
    %dma_start3A_120 = tpu.memref_slice %arg3[%dma_start3A_114, %dma_start3A_119] : memref<2x327680xi32, #tpu.memory_space<hbm>> -> memref<1x327680xi32, #tpu.memory_space<hbm>>
    %dma_start3A_121 = tpu.memref_squeeze %dma_start3A_120 : memref<1x327680xi32, #tpu.memory_space<hbm>> -> memref<327680xi32, #tpu.memory_space<hbm>>
    %dma_start3A_122 = tpu.memref_slice %dma_start3A_121[%add3A_113] : memref<327680xi32, #tpu.memory_space<hbm>> -> memref<128xi32, #tpu.memory_space<hbm>>
    %dma_start3A_123 = arith.constant 0 : i32
    %dma_start3A_124 = tpu.memref_slice %arg8[%dma_start3A_115, %dma_start3A_123] : memref<2x128xi32, #tpu.memory_space<vmem>> -> memref<1x128xi32, #tpu.memory_space<vmem>>
    %dma_start3A_125 = tpu.memref_squeeze %dma_start3A_124 : memref<1x128xi32, #tpu.memory_space<vmem>> -> memref<128xi32, #tpu.memory_space<vmem>>
    %dma_start3A_126 = arith.constant 0 : i32
    %dma_start3A_127 = tpu.memref_slice %arg3[%dma_start3A_114, %dma_start3A_126] : memref<2x327680xi32, #tpu.memory_space<hbm>> -> memref<1x327680xi32, #tpu.memory_space<hbm>>
    %dma_start3A_128 = tpu.memref_squeeze %dma_start3A_127 : memref<1x327680xi32, #tpu.memory_space<hbm>> -> memref<327680xi32, #tpu.memory_space<hbm>>
    %dma_start3A_129 = tpu.memref_slice %dma_start3A_128[%add3A_113] : memref<327680xi32, #tpu.memory_space<hbm>> -> memref<128xi32, #tpu.memory_space<hbm>>
    tpu.enqueue_dma source(%dma_start3A_129 : memref<128xi32, #tpu.memory_space<hbm>>) target(%dma_start3A_125 : memref<128xi32, #tpu.memory_space<vmem>>) target_semaphore(%arg15 : memref<!tpu.dma_semaphore, #tpu.memory_space<semaphore_mem>>)
    %add3A_130 = arith.constant 384 : i32
    %add3A_131 = arith.addi %mul3A_4, %add3A_130 : i32
    %dma_start3A_132 = arith.constant 1 : i32
    %dma_start3A_133 = arith.constant 1 : i32
    %dma_start3A_134 = arith.constant 0 : i32
    %dma_start3A_135 = tpu.memref_slice %arg8[%dma_start3A_133, %dma_start3A_134] : memref<2x128xi32, #tpu.memory_space<vmem>> -> memref<1x128xi32, #tpu.memory_space<vmem>>
    %dma_start3A_136 = tpu.memref_squeeze %dma_start3A_135 : memref<1x128xi32, #tpu.memory_space<vmem>> -> memref<128xi32, #tpu.memory_space<vmem>>
    %dma_start3A_137 = arith.constant 0 : i32
    %dma_start3A_138 = tpu.memref_slice %arg3[%dma_start3A_132, %dma_start3A_137] : memref<2x327680xi32, #tpu.memory_space<hbm>> -> memref<1x327680xi32, #tpu.memory_space<hbm>>
    %dma_start3A_139 = tpu.memref_squeeze %dma_start3A_138 : memref<1x327680xi32, #tpu.memory_space<hbm>> -> memref<327680xi32, #tpu.memory_space<hbm>>
    %dma_start3A_140 = tpu.memref_slice %dma_start3A_139[%add3A_131] : memref<327680xi32, #tpu.memory_space<hbm>> -> memref<128xi32, #tpu.memory_space<hbm>>
    %dma_start3A_141 = arith.constant 0 : i32
    %dma_start3A_142 = tpu.memref_slice %arg8[%dma_start3A_133, %dma_start3A_141] : memref<2x128xi32, #tpu.memory_space<vmem>> -> memref<1x128xi32, #tpu.memory_space<vmem>>
    %dma_start3A_143 = tpu.memref_squeeze %dma_start3A_142 : memref<1x128xi32, #tpu.memory_space<vmem>> -> memref<128xi32, #tpu.memory_space<vmem>>
    %dma_start3A_144 = arith.constant 0 : i32
    %dma_start3A_145 = tpu.memref_slice %arg3[%dma_start3A_132, %dma_start3A_144] : memref<2x327680xi32, #tpu.memory_space<hbm>> -> memref<1x327680xi32, #tpu.memory_space<hbm>>
    %dma_start3A_146 = tpu.memref_squeeze %dma_start3A_145 : memref<1x327680xi32, #tpu.memory_space<hbm>> -> memref<327680xi32, #tpu.memory_space<hbm>>
    %dma_start3A_147 = tpu.memref_slice %dma_start3A_146[%add3A_131] : memref<327680xi32, #tpu.memory_space<hbm>> -> memref<128xi32, #tpu.memory_space<hbm>>
    tpu.enqueue_dma source(%dma_start3A_147 : memref<128xi32, #tpu.memory_space<hbm>>) target(%dma_start3A_143 : memref<128xi32, #tpu.memory_space<vmem>>) target_semaphore(%arg15 : memref<!tpu.dma_semaphore, #tpu.memory_space<semaphore_mem>>)
    %add3A_148 = arith.constant 0 : i32
    %add3A_149 = arith.addi %mul3A_4, %add3A_148 : i32
    %dma_wait3A = arith.constant 0 : i32
    %dma_wait3A_150 = arith.constant 0 : i32
    %dma_wait3A_151 = arith.constant 0 : i32
    %dma_wait3A_152 = tpu.memref_slice %arg5[%dma_wait3A_150, %dma_wait3A_151] : memref<2x128xi32, #tpu.memory_space<vmem>> -> memref<1x128xi32, #tpu.memory_space<vmem>>
    %dma_wait3A_153 = tpu.memref_squeeze %dma_wait3A_152 : memref<1x128xi32, #tpu.memory_space<vmem>> -> memref<128xi32, #tpu.memory_space<vmem>>
    %dma_wait3A_154 = arith.constant 0 : i32
    %dma_wait3A_155 = tpu.memref_slice %arg3[%dma_wait3A, %dma_wait3A_154] : memref<2x327680xi32, #tpu.memory_space<hbm>> -> memref<1x327680xi32, #tpu.memory_space<hbm>>
    %dma_wait3A_156 = tpu.memref_squeeze %dma_wait3A_155 : memref<1x327680xi32, #tpu.memory_space<hbm>> -> memref<327680xi32, #tpu.memory_space<hbm>>
    %dma_wait3A_157 = tpu.memref_slice %dma_wait3A_156[%add3A_149] : memref<327680xi32, #tpu.memory_space<hbm>> -> memref<128xi32, #tpu.memory_space<hbm>>
    %dma_wait3A_158 = arith.constant 0 : i32
    %dma_wait3A_159 = tpu.memref_slice %arg5[%dma_wait3A_150, %dma_wait3A_158] : memref<2x128xi32, #tpu.memory_space<vmem>> -> memref<1x128xi32, #tpu.memory_space<vmem>>
    %dma_wait3A_160 = tpu.memref_squeeze %dma_wait3A_159 : memref<1x128xi32, #tpu.memory_space<vmem>> -> memref<128xi32, #tpu.memory_space<vmem>>
    %dma_wait3A_161 = arith.constant 0 : i32
    %dma_wait3A_162 = tpu.memref_slice %arg3[%dma_wait3A, %dma_wait3A_161] : memref<2x327680xi32, #tpu.memory_space<hbm>> -> memref<1x327680xi32, #tpu.memory_space<hbm>>
    %dma_wait3A_163 = tpu.memref_squeeze %dma_wait3A_162 : memref<1x327680xi32, #tpu.memory_space<hbm>> -> memref<327680xi32, #tpu.memory_space<hbm>>
    %dma_wait3A_164 = tpu.memref_slice %dma_wait3A_163[%add3A_149] : memref<327680xi32, #tpu.memory_space<hbm>> -> memref<128xi32, #tpu.memory_space<hbm>>
    tpu.wait_dma2 semaphore(%arg12 : memref<!tpu.dma_semaphore, #tpu.memory_space<semaphore_mem>>) src(%dma_wait3A_164 : memref<128xi32, #tpu.memory_space<hbm>>) dst(%dma_wait3A_160 : memref<128xi32, #tpu.memory_space<vmem>>)
    %add3A_165 = arith.constant 0 : i32
    %add3A_166 = arith.addi %mul3A_4, %add3A_165 : i32
    %dma_wait3A_167 = arith.constant 1 : i32
    %dma_wait3A_168 = arith.constant 1 : i32
    %dma_wait3A_169 = arith.constant 0 : i32
    %dma_wait3A_170 = tpu.memref_slice %arg5[%dma_wait3A_168, %dma_wait3A_169] : memref<2x128xi32, #tpu.memory_space<vmem>> -> memref<1x128xi32, #tpu.memory_space<vmem>>
    %dma_wait3A_171 = tpu.memref_squeeze %dma_wait3A_170 : memref<1x128xi32, #tpu.memory_space<vmem>> -> memref<128xi32, #tpu.memory_space<vmem>>
    %dma_wait3A_172 = arith.constant 0 : i32
    %dma_wait3A_173 = tpu.memref_slice %arg3[%dma_wait3A_167, %dma_wait3A_172] : memref<2x327680xi32, #tpu.memory_space<hbm>> -> memref<1x327680xi32, #tpu.memory_space<hbm>>
    %dma_wait3A_174 = tpu.memref_squeeze %dma_wait3A_173 : memref<1x327680xi32, #tpu.memory_space<hbm>> -> memref<327680xi32, #tpu.memory_space<hbm>>
    %dma_wait3A_175 = tpu.memref_slice %dma_wait3A_174[%add3A_166] : memref<327680xi32, #tpu.memory_space<hbm>> -> memref<128xi32, #tpu.memory_space<hbm>>
    %dma_wait3A_176 = arith.constant 0 : i32
    %dma_wait3A_177 = tpu.memref_slice %arg5[%dma_wait3A_168, %dma_wait3A_176] : memref<2x128xi32, #tpu.memory_space<vmem>> -> memref<1x128xi32, #tpu.memory_space<vmem>>
    %dma_wait3A_178 = tpu.memref_squeeze %dma_wait3A_177 : memref<1x128xi32, #tpu.memory_space<vmem>> -> memref<128xi32, #tpu.memory_space<vmem>>
    %dma_wait3A_179 = arith.constant 0 : i32
    %dma_wait3A_180 = tpu.memref_slice %arg3[%dma_wait3A_167, %dma_wait3A_179] : memref<2x327680xi32, #tpu.memory_space<hbm>> -> memref<1x327680xi32, #tpu.memory_space<hbm>>
    %dma_wait3A_181 = tpu.memref_squeeze %dma_wait3A_180 : memref<1x327680xi32, #tpu.memory_space<hbm>> -> memref<327680xi32, #tpu.memory_space<hbm>>
    %dma_wait3A_182 = tpu.memref_slice %dma_wait3A_181[%add3A_166] : memref<327680xi32, #tpu.memory_space<hbm>> -> memref<128xi32, #tpu.memory_space<hbm>>
    tpu.wait_dma2 semaphore(%arg12 : memref<!tpu.dma_semaphore, #tpu.memory_space<semaphore_mem>>) src(%dma_wait3A_182 : memref<128xi32, #tpu.memory_space<hbm>>) dst(%dma_wait3A_178 : memref<128xi32, #tpu.memory_space<vmem>>)
    %dma_start3A_183 = arith.constant 0 : i32
    %dma_start3A_184 = arith.constant 0 : i32
    %dma_start3A_185 = tpu.memref_slice %arg5[%dma_start3A_183, %dma_start3A_184] : memref<2x128xi32, #tpu.memory_space<vmem>> -> memref<1x128xi32, #tpu.memory_space<vmem>>
    %dma_start3A_186 = tpu.memref_squeeze %dma_start3A_185 : memref<1x128xi32, #tpu.memory_space<vmem>> -> memref<128xi32, #tpu.memory_space<vmem>>
    %dma_start3A_187 = arith.constant 0 : i32
    %dma_start3A_188 = arith.constant 0 : i32
    %dma_start3A_189 = tpu.memref_slice %arg2[%dma_start3A_187, %dma_start3A_188] : memref<10240x48xf32, #tpu.memory_space<hbm>> -> memref<10240x48xf32, #tpu.memory_space<hbm>>
    tpu.enqueue_indirect_dma source(%dma_start3A_189 : memref<10240x48xf32, #tpu.memory_space<hbm>>) target(%arg9 : memref<128x48xf32, #tpu.memory_space<vmem>>) offsets(%dma_start3A_186 : memref<128xi32, #tpu.memory_space<vmem>>) semaphore(%arg16 : memref<!tpu.dma_semaphore, #tpu.memory_space<semaphore_mem>>)
    %add3A_190 = arith.constant 128 : i32
    %add3A_191 = arith.addi %mul3A_4, %add3A_190 : i32
    %dma_wait3A_192 = arith.constant 0 : i32
    %dma_wait3A_193 = arith.constant 0 : i32
    %dma_wait3A_194 = arith.constant 0 : i32
    %dma_wait3A_195 = tpu.memref_slice %arg6[%dma_wait3A_193, %dma_wait3A_194] : memref<2x128xi32, #tpu.memory_space<vmem>> -> memref<1x128xi32, #tpu.memory_space<vmem>>
    %dma_wait3A_196 = tpu.memref_squeeze %dma_wait3A_195 : memref<1x128xi32, #tpu.memory_space<vmem>> -> memref<128xi32, #tpu.memory_space<vmem>>
    %dma_wait3A_197 = arith.constant 0 : i32
    %dma_wait3A_198 = tpu.memref_slice %arg3[%dma_wait3A_192, %dma_wait3A_197] : memref<2x327680xi32, #tpu.memory_space<hbm>> -> memref<1x327680xi32, #tpu.memory_space<hbm>>
    %dma_wait3A_199 = tpu.memref_squeeze %dma_wait3A_198 : memref<1x327680xi32, #tpu.memory_space<hbm>> -> memref<327680xi32, #tpu.memory_space<hbm>>
    %dma_wait3A_200 = tpu.memref_slice %dma_wait3A_199[%add3A_191] : memref<327680xi32, #tpu.memory_space<hbm>> -> memref<128xi32, #tpu.memory_space<hbm>>
    %dma_wait3A_201 = arith.constant 0 : i32
    %dma_wait3A_202 = tpu.memref_slice %arg6[%dma_wait3A_193, %dma_wait3A_201] : memref<2x128xi32, #tpu.memory_space<vmem>> -> memref<1x128xi32, #tpu.memory_space<vmem>>
    %dma_wait3A_203 = tpu.memref_squeeze %dma_wait3A_202 : memref<1x128xi32, #tpu.memory_space<vmem>> -> memref<128xi32, #tpu.memory_space<vmem>>
    %dma_wait3A_204 = arith.constant 0 : i32
    %dma_wait3A_205 = tpu.memref_slice %arg3[%dma_wait3A_192, %dma_wait3A_204] : memref<2x327680xi32, #tpu.memory_space<hbm>> -> memref<1x327680xi32, #tpu.memory_space<hbm>>
    %dma_wait3A_206 = tpu.memref_squeeze %dma_wait3A_205 : memref<1x327680xi32, #tpu.memory_space<hbm>> -> memref<327680xi32, #tpu.memory_space<hbm>>
    %dma_wait3A_207 = tpu.memref_slice %dma_wait3A_206[%add3A_191] : memref<327680xi32, #tpu.memory_space<hbm>> -> memref<128xi32, #tpu.memory_space<hbm>>
    tpu.wait_dma2 semaphore(%arg13 : memref<!tpu.dma_semaphore, #tpu.memory_space<semaphore_mem>>) src(%dma_wait3A_207 : memref<128xi32, #tpu.memory_space<hbm>>) dst(%dma_wait3A_203 : memref<128xi32, #tpu.memory_space<vmem>>)
    %add3A_208 = arith.constant 128 : i32
    %add3A_209 = arith.addi %mul3A_4, %add3A_208 : i32
    %dma_wait3A_210 = arith.constant 1 : i32
    %dma_wait3A_211 = arith.constant 1 : i32
    %dma_wait3A_212 = arith.constant 0 : i32
    %dma_wait3A_213 = tpu.memref_slice %arg6[%dma_wait3A_211, %dma_wait3A_212] : memref<2x128xi32, #tpu.memory_space<vmem>> -> memref<1x128xi32, #tpu.memory_space<vmem>>
    %dma_wait3A_214 = tpu.memref_squeeze %dma_wait3A_213 : memref<1x128xi32, #tpu.memory_space<vmem>> -> memref<128xi32, #tpu.memory_space<vmem>>
    %dma_wait3A_215 = arith.constant 0 : i32
    %dma_wait3A_216 = tpu.memref_slice %arg3[%dma_wait3A_210, %dma_wait3A_215] : memref<2x327680xi32, #tpu.memory_space<hbm>> -> memref<1x327680xi32, #tpu.memory_space<hbm>>
    %dma_wait3A_217 = tpu.memref_squeeze %dma_wait3A_216 : memref<1x327680xi32, #tpu.memory_space<hbm>> -> memref<327680xi32, #tpu.memory_space<hbm>>
    %dma_wait3A_218 = tpu.memref_slice %dma_wait3A_217[%add3A_209] : memref<327680xi32, #tpu.memory_space<hbm>> -> memref<128xi32, #tpu.memory_space<hbm>>
    %dma_wait3A_219 = arith.constant 0 : i32
    %dma_wait3A_220 = tpu.memref_slice %arg6[%dma_wait3A_211, %dma_wait3A_219] : memref<2x128xi32, #tpu.memory_space<vmem>> -> memref<1x128xi32, #tpu.memory_space<vmem>>
    %dma_wait3A_221 = tpu.memref_squeeze %dma_wait3A_220 : memref<1x128xi32, #tpu.memory_space<vmem>> -> memref<128xi32, #tpu.memory_space<vmem>>
    %dma_wait3A_222 = arith.constant 0 : i32
    %dma_wait3A_223 = tpu.memref_slice %arg3[%dma_wait3A_210, %dma_wait3A_222] : memref<2x327680xi32, #tpu.memory_space<hbm>> -> memref<1x327680xi32, #tpu.memory_space<hbm>>
    %dma_wait3A_224 = tpu.memref_squeeze %dma_wait3A_223 : memref<1x327680xi32, #tpu.memory_space<hbm>> -> memref<327680xi32, #tpu.memory_space<hbm>>
    %dma_wait3A_225 = tpu.memref_slice %dma_wait3A_224[%add3A_209] : memref<327680xi32, #tpu.memory_space<hbm>> -> memref<128xi32, #tpu.memory_space<hbm>>
    tpu.wait_dma2 semaphore(%arg13 : memref<!tpu.dma_semaphore, #tpu.memory_space<semaphore_mem>>) src(%dma_wait3A_225 : memref<128xi32, #tpu.memory_space<hbm>>) dst(%dma_wait3A_221 : memref<128xi32, #tpu.memory_space<vmem>>)
    %dma_start3A_226 = arith.constant 0 : i32
    %dma_start3A_227 = arith.constant 0 : i32
    %dma_start3A_228 = tpu.memref_slice %arg6[%dma_start3A_226, %dma_start3A_227] : memref<2x128xi32, #tpu.memory_space<vmem>> -> memref<1x128xi32, #tpu.memory_space<vmem>>
    %dma_start3A_229 = tpu.memref_squeeze %dma_start3A_228 : memref<1x128xi32, #tpu.memory_space<vmem>> -> memref<128xi32, #tpu.memory_space<vmem>>
    %dma_start3A_230 = arith.constant 0 : i32
    %dma_start3A_231 = arith.constant 0 : i32
    %dma_start3A_232 = tpu.memref_slice %arg2[%dma_start3A_230, %dma_start3A_231] : memref<10240x48xf32, #tpu.memory_space<hbm>> -> memref<10240x48xf32, #tpu.memory_space<hbm>>
    tpu.enqueue_indirect_dma source(%dma_start3A_232 : memref<10240x48xf32, #tpu.memory_space<hbm>>) target(%arg10 : memref<128x48xf32, #tpu.memory_space<vmem>>) offsets(%dma_start3A_229 : memref<128xi32, #tpu.memory_space<vmem>>) semaphore(%arg17 : memref<!tpu.dma_semaphore, #tpu.memory_space<semaphore_mem>>)
    %scan3A = arith.constant 0 : i32
    %scan3A_233 = arith.constant 1 : i32
    %scan3A_234 = arith.constant 0 : i32
    %scan3A_235 = arith.constant 20 : i32
    %scan3A_236 = arith.addi %scan3A_234, %scan3A_235 : i32
    %scan3A_237 = arith.constant 1 : i32
    scf.for %scan3A_240 = %scan3A_234 to %scan3A_236 step %scan3A_237  : i32 {
      %mul3A_241 = arith.constant 1 : i32
      %mul3A_242 = arith.muli %scan3A_240, %mul3A_241 : i32
      %add3A_243 = arith.constant 0 : i32
      %add3A_244 = arith.addi %add3A_243, %mul3A_242 : i32
      %mul3A_245 = arith.constant 4 : i32
      %mul3A_246 = arith.muli %add3A_244, %mul3A_245 : i32
      %add3A_247 = arith.constant 0 : i32
      %add3A_248 = arith.addi %mul3A_246, %add3A_247 : i32
      %dma_wait3A_249 = arith.constant 0 : i32
      %dma_wait3A_250 = arith.constant 0 : i32
      %dma_wait3A_251 = tpu.memref_slice %arg5[%dma_wait3A_249, %dma_wait3A_250] : memref<2x128xi32, #tpu.memory_space<vmem>> -> memref<1x128xi32, #tpu.memory_space<vmem>>
      %dma_wait3A_252 = tpu.memref_squeeze %dma_wait3A_251 : memref<1x128xi32, #tpu.memory_space<vmem>> -> memref<128xi32, #tpu.memory_space<vmem>>
      %dma_wait3A_253 = arith.constant 0 : i32
      %dma_wait3A_254 = arith.constant 0 : i32
      %dma_wait3A_255 = tpu.memref_slice %arg2[%dma_wait3A_253, %dma_wait3A_254] : memref<10240x48xf32, #tpu.memory_space<hbm>> -> memref<10240x48xf32, #tpu.memory_space<hbm>>
      tpu.wait_indirect_dma semaphore(%arg16 : memref<!tpu.dma_semaphore, #tpu.memory_space<semaphore_mem>>) src(%dma_wait3A_255 : memref<10240x48xf32, #tpu.memory_space<hbm>>) dst(%arg9 : memref<128x48xf32, #tpu.memory_space<vmem>>)
      %run_scoped3A = arith.constant 1 : i32
      "tpu.region"() ({
        %run_scoped3A_339 = tpu.sem_alloc : memref<!tpu.dma_semaphore, #tpu.memory_space<semaphore_mem>>
        %dma_start3A_340 = arith.constant 0 : i32
        %dma_start3A_341 = tpu.memref_slice %arg5[%run_scoped3A, %dma_start3A_340] : memref<2x128xi32, #tpu.memory_space<vmem>> -> memref<1x128xi32, #tpu.memory_space<vmem>>
        %dma_start3A_342 = tpu.memref_squeeze %dma_start3A_341 : memref<1x128xi32, #tpu.memory_space<vmem>> -> memref<128xi32, #tpu.memory_space<vmem>>
        %dma_start3A_343 = arith.constant 0 : i32
        %dma_start3A_344 = arith.constant 0 : i32
        %dma_start3A_345 = tpu.memref_slice %arg11[%dma_start3A_343, %dma_start3A_344] : memref<10240x48xf32, #tpu.memory_space<vmem_shared>> -> memref<10240x48xf32, #tpu.memory_space<vmem_shared>>
        tpu.enqueue_indirect_dma source(%arg9 : memref<128x48xf32, #tpu.memory_space<vmem>>) target(%dma_start3A_345 : memref<10240x48xf32, #tpu.memory_space<vmem_shared>>) offsets(%dma_start3A_342 : memref<128xi32, #tpu.memory_space<vmem>>) semaphore(%run_scoped3A_339 : memref<!tpu.dma_semaphore, #tpu.memory_space<semaphore_mem>>) {add = true}
        %dma_wait3A_346 = arith.constant 0 : i32
        %dma_wait3A_347 = tpu.memref_slice %arg5[%run_scoped3A, %dma_wait3A_346] : memref<2x128xi32, #tpu.memory_space<vmem>> -> memref<1x128xi32, #tpu.memory_space<vmem>>
        %dma_wait3A_348 = tpu.memref_squeeze %dma_wait3A_347 : memref<1x128xi32, #tpu.memory_space<vmem>> -> memref<128xi32, #tpu.memory_space<vmem>>
        %dma_wait3A_349 = arith.constant 0 : i32
        %dma_wait3A_350 = arith.constant 0 : i32
        %dma_wait3A_351 = tpu.memref_slice %arg11[%dma_wait3A_349, %dma_wait3A_350] : memref<10240x48xf32, #tpu.memory_space<vmem_shared>> -> memref<10240x48xf32, #tpu.memory_space<vmem_shared>>
        tpu.wait_indirect_dma semaphore(%run_scoped3A_339 : memref<!tpu.dma_semaphore, #tpu.memory_space<semaphore_mem>>) src(%arg9 : memref<128x48xf32, #tpu.memory_space<vmem>>) dst(%dma_wait3A_351 : memref<10240x48xf32, #tpu.memory_space<vmem_shared>>)
        tpu.yield
      }) : () -> ()
      %add3A_256 = arith.constant 4 : i32
      %add3A_257 = arith.addi %add3A_248, %add3A_256 : i32
      %lt3A = arith.constant 80 : i32
      %lt3A_258 = arith.cmpi slt, %add3A_257, %lt3A : i32
      %convert_element_type3A = arith.extui %lt3A_258 : i1 to i32
      %cond3A = arith.constant 0 : i32
      %cond3A_259 = arith.cmpi ne, %convert_element_type3A, %cond3A : i32
      scf.if %cond3A_259 {
        %add3A_339 = arith.constant 4 : i32
        %add3A_340 = arith.addi %add3A_248, %add3A_339 : i32
        %mul3A_341 = arith.constant 128 : i32
        %mul3A_342 = arith.muli %add3A_340, %mul3A_341 : i32
        %add3A_343 = arith.addi %mul3A_4, %mul3A_342 : i32
        %dma_start3A_344 = arith.constant 0 : i32
        %dma_start3A_345 = arith.constant 0 : i32
        %dma_start3A_346 = tpu.memref_slice %arg5[%dma_start3A_344, %dma_start3A_345] : memref<2x128xi32, #tpu.memory_space<vmem>> -> memref<1x128xi32, #tpu.memory_space<vmem>>
        %dma_start3A_347 = tpu.memref_squeeze %dma_start3A_346 : memref<1x128xi32, #tpu.memory_space<vmem>> -> memref<128xi32, #tpu.memory_space<vmem>>
        %dma_start3A_348 = arith.constant 0 : i32
        %dma_start3A_349 = tpu.memref_slice %arg3[%scan3A, %dma_start3A_348] : memref<2x327680xi32, #tpu.memory_space<hbm>> -> memref<1x327680xi32, #tpu.memory_space<hbm>>
        %dma_start3A_350 = tpu.memref_squeeze %dma_start3A_349 : memref<1x327680xi32, #tpu.memory_space<hbm>> -> memref<327680xi32, #tpu.memory_space<hbm>>
        %dma_start3A_351 = tpu.memref_slice %dma_start3A_350[%add3A_343] : memref<327680xi32, #tpu.memory_space<hbm>> -> memref<128xi32, #tpu.memory_space<hbm>>
        %dma_start3A_352 = arith.constant 0 : i32
        %dma_start3A_353 = tpu.memref_slice %arg5[%dma_start3A_344, %dma_start3A_352] : memref<2x128xi32, #tpu.memory_space<vmem>> -> memref<1x128xi32, #tpu.memory_space<vmem>>
        %dma_start3A_354 = tpu.memref_squeeze %dma_start3A_353 : memref<1x128xi32, #tpu.memory_space<vmem>> -> memref<128xi32, #tpu.memory_space<vmem>>
        %dma_start3A_355 = arith.constant 0 : i32
        %dma_start3A_356 = tpu.memref_slice %arg3[%scan3A, %dma_start3A_355] : memref<2x327680xi32, #tpu.memory_space<hbm>> -> memref<1x327680xi32, #tpu.memory_space<hbm>>
        %dma_start3A_357 = tpu.memref_squeeze %dma_start3A_356 : memref<1x327680xi32, #tpu.memory_space<hbm>> -> memref<327680xi32, #tpu.memory_space<hbm>>
        %dma_start3A_358 = tpu.memref_slice %dma_start3A_357[%add3A_343] : memref<327680xi32, #tpu.memory_space<hbm>> -> memref<128xi32, #tpu.memory_space<hbm>>
        tpu.enqueue_dma source(%dma_start3A_358 : memref<128xi32, #tpu.memory_space<hbm>>) target(%dma_start3A_354 : memref<128xi32, #tpu.memory_space<vmem>>) target_semaphore(%arg12 : memref<!tpu.dma_semaphore, #tpu.memory_space<semaphore_mem>>)
        %mul3A_359 = arith.constant 128 : i32
        %mul3A_360 = arith.muli %add3A_340, %mul3A_359 : i32
        %add3A_361 = arith.addi %mul3A_4, %mul3A_360 : i32
        %dma_start3A_362 = arith.constant 1 : i32
        %dma_start3A_363 = arith.constant 0 : i32
        %dma_start3A_364 = tpu.memref_slice %arg5[%dma_start3A_362, %dma_start3A_363] : memref<2x128xi32, #tpu.memory_space<vmem>> -> memref<1x128xi32, #tpu.memory_space<vmem>>
        %dma_start3A_365 = tpu.memref_squeeze %dma_start3A_364 : memref<1x128xi32, #tpu.memory_space<vmem>> -> memref<128xi32, #tpu.memory_space<vmem>>
        %dma_start3A_366 = arith.constant 0 : i32
        %dma_start3A_367 = tpu.memref_slice %arg3[%scan3A_233, %dma_start3A_366] : memref<2x327680xi32, #tpu.memory_space<hbm>> -> memref<1x327680xi32, #tpu.memory_space<hbm>>
        %dma_start3A_368 = tpu.memref_squeeze %dma_start3A_367 : memref<1x327680xi32, #tpu.memory_space<hbm>> -> memref<327680xi32, #tpu.memory_space<hbm>>
        %dma_start3A_369 = tpu.memref_slice %dma_start3A_368[%add3A_361] : memref<327680xi32, #tpu.memory_space<hbm>> -> memref<128xi32, #tpu.memory_space<hbm>>
        %dma_start3A_370 = arith.constant 0 : i32
        %dma_start3A_371 = tpu.memref_slice %arg5[%dma_start3A_362, %dma_start3A_370] : memref<2x128xi32, #tpu.memory_space<vmem>> -> memref<1x128xi32, #tpu.memory_space<vmem>>
        %dma_start3A_372 = tpu.memref_squeeze %dma_start3A_371 : memref<1x128xi32, #tpu.memory_space<vmem>> -> memref<128xi32, #tpu.memory_space<vmem>>
        %dma_start3A_373 = arith.constant 0 : i32
        %dma_start3A_374 = tpu.memref_slice %arg3[%scan3A_233, %dma_start3A_373] : memref<2x327680xi32, #tpu.memory_space<hbm>> -> memref<1x327680xi32, #tpu.memory_space<hbm>>
        %dma_start3A_375 = tpu.memref_squeeze %dma_start3A_374 : memref<1x327680xi32, #tpu.memory_space<hbm>> -> memref<327680xi32, #tpu.memory_space<hbm>>
        %dma_start3A_376 = tpu.memref_slice %dma_start3A_375[%add3A_361] : memref<327680xi32, #tpu.memory_space<hbm>> -> memref<128xi32, #tpu.memory_space<hbm>>
        tpu.enqueue_dma source(%dma_start3A_376 : memref<128xi32, #tpu.memory_space<hbm>>) target(%dma_start3A_372 : memref<128xi32, #tpu.memory_space<vmem>>) target_semaphore(%arg12 : memref<!tpu.dma_semaphore, #tpu.memory_space<semaphore_mem>>)
      } else {
      }
      %add3A_260 = arith.constant 2 : i32
      %add3A_261 = arith.addi %add3A_248, %add3A_260 : i32
      %lt3A_262 = arith.constant 80 : i32
      %lt3A_263 = arith.cmpi slt, %add3A_261, %lt3A_262 : i32
      %convert_element_type3A_264 = arith.extui %lt3A_263 : i1 to i32
      %cond3A_265 = arith.constant 0 : i32
      %cond3A_266 = arith.cmpi ne, %convert_element_type3A_264, %cond3A_265 : i32
      scf.if %cond3A_266 {
        %add3A_339 = arith.constant 2 : i32
        %add3A_340 = arith.addi %add3A_248, %add3A_339 : i32
        %mul3A_341 = arith.constant 128 : i32
        %mul3A_342 = arith.muli %add3A_340, %mul3A_341 : i32
        %add3A_343 = arith.addi %mul3A_4, %mul3A_342 : i32
        %dma_wait3A_344 = arith.constant 0 : i32
        %dma_wait3A_345 = arith.constant 0 : i32
        %dma_wait3A_346 = tpu.memref_slice %arg7[%dma_wait3A_344, %dma_wait3A_345] : memref<2x128xi32, #tpu.memory_space<vmem>> -> memref<1x128xi32, #tpu.memory_space<vmem>>
        %dma_wait3A_347 = tpu.memref_squeeze %dma_wait3A_346 : memref<1x128xi32, #tpu.memory_space<vmem>> -> memref<128xi32, #tpu.memory_space<vmem>>
        %dma_wait3A_348 = arith.constant 0 : i32
        %dma_wait3A_349 = tpu.memref_slice %arg3[%scan3A, %dma_wait3A_348] : memref<2x327680xi32, #tpu.memory_space<hbm>> -> memref<1x327680xi32, #tpu.memory_space<hbm>>
        %dma_wait3A_350 = tpu.memref_squeeze %dma_wait3A_349 : memref<1x327680xi32, #tpu.memory_space<hbm>> -> memref<327680xi32, #tpu.memory_space<hbm>>
        %dma_wait3A_351 = tpu.memref_slice %dma_wait3A_350[%add3A_343] : memref<327680xi32, #tpu.memory_space<hbm>> -> memref<128xi32, #tpu.memory_space<hbm>>
        %dma_wait3A_352 = arith.constant 0 : i32
        %dma_wait3A_353 = tpu.memref_slice %arg7[%dma_wait3A_344, %dma_wait3A_352] : memref<2x128xi32, #tpu.memory_space<vmem>> -> memref<1x128xi32, #tpu.memory_space<vmem>>
        %dma_wait3A_354 = tpu.memref_squeeze %dma_wait3A_353 : memref<1x128xi32, #tpu.memory_space<vmem>> -> memref<128xi32, #tpu.memory_space<vmem>>
        %dma_wait3A_355 = arith.constant 0 : i32
        %dma_wait3A_356 = tpu.memref_slice %arg3[%scan3A, %dma_wait3A_355] : memref<2x327680xi32, #tpu.memory_space<hbm>> -> memref<1x327680xi32, #tpu.memory_space<hbm>>
        %dma_wait3A_357 = tpu.memref_squeeze %dma_wait3A_356 : memref<1x327680xi32, #tpu.memory_space<hbm>> -> memref<327680xi32, #tpu.memory_space<hbm>>
        %dma_wait3A_358 = tpu.memref_slice %dma_wait3A_357[%add3A_343] : memref<327680xi32, #tpu.memory_space<hbm>> -> memref<128xi32, #tpu.memory_space<hbm>>
        tpu.wait_dma2 semaphore(%arg14 : memref<!tpu.dma_semaphore, #tpu.memory_space<semaphore_mem>>) src(%dma_wait3A_358 : memref<128xi32, #tpu.memory_space<hbm>>) dst(%dma_wait3A_354 : memref<128xi32, #tpu.memory_space<vmem>>)
        %mul3A_359 = arith.constant 128 : i32
        %mul3A_360 = arith.muli %add3A_340, %mul3A_359 : i32
        %add3A_361 = arith.addi %mul3A_4, %mul3A_360 : i32
        %dma_wait3A_362 = arith.constant 1 : i32
        %dma_wait3A_363 = arith.constant 0 : i32
        %dma_wait3A_364 = tpu.memref_slice %arg7[%dma_wait3A_362, %dma_wait3A_363] : memref<2x128xi32, #tpu.memory_space<vmem>> -> memref<1x128xi32, #tpu.memory_space<vmem>>
        %dma_wait3A_365 = tpu.memref_squeeze %dma_wait3A_364 : memref<1x128xi32, #tpu.memory_space<vmem>> -> memref<128xi32, #tpu.memory_space<vmem>>
        %dma_wait3A_366 = arith.constant 0 : i32
        %dma_wait3A_367 = tpu.memref_slice %arg3[%scan3A_233, %dma_wait3A_366] : memref<2x327680xi32, #tpu.memory_space<hbm>> -> memref<1x327680xi32, #tpu.memory_space<hbm>>
        %dma_wait3A_368 = tpu.memref_squeeze %dma_wait3A_367 : memref<1x327680xi32, #tpu.memory_space<hbm>> -> memref<327680xi32, #tpu.memory_space<hbm>>
        %dma_wait3A_369 = tpu.memref_slice %dma_wait3A_368[%add3A_361] : memref<327680xi32, #tpu.memory_space<hbm>> -> memref<128xi32, #tpu.memory_space<hbm>>
        %dma_wait3A_370 = arith.constant 0 : i32
        %dma_wait3A_371 = tpu.memref_slice %arg7[%dma_wait3A_362, %dma_wait3A_370] : memref<2x128xi32, #tpu.memory_space<vmem>> -> memref<1x128xi32, #tpu.memory_space<vmem>>
        %dma_wait3A_372 = tpu.memref_squeeze %dma_wait3A_371 : memref<1x128xi32, #tpu.memory_space<vmem>> -> memref<128xi32, #tpu.memory_space<vmem>>
        %dma_wait3A_373 = arith.constant 0 : i32
        %dma_wait3A_374 = tpu.memref_slice %arg3[%scan3A_233, %dma_wait3A_373] : memref<2x327680xi32, #tpu.memory_space<hbm>> -> memref<1x327680xi32, #tpu.memory_space<hbm>>
        %dma_wait3A_375 = tpu.memref_squeeze %dma_wait3A_374 : memref<1x327680xi32, #tpu.memory_space<hbm>> -> memref<327680xi32, #tpu.memory_space<hbm>>
        %dma_wait3A_376 = tpu.memref_slice %dma_wait3A_375[%add3A_361] : memref<327680xi32, #tpu.memory_space<hbm>> -> memref<128xi32, #tpu.memory_space<hbm>>
        tpu.wait_dma2 semaphore(%arg14 : memref<!tpu.dma_semaphore, #tpu.memory_space<semaphore_mem>>) src(%dma_wait3A_376 : memref<128xi32, #tpu.memory_space<hbm>>) dst(%dma_wait3A_372 : memref<128xi32, #tpu.memory_space<vmem>>)
        %dma_start3A_377 = arith.constant 0 : i32
        %dma_start3A_378 = arith.constant 0 : i32
        %dma_start3A_379 = tpu.memref_slice %arg7[%dma_start3A_377, %dma_start3A_378] : memref<2x128xi32, #tpu.memory_space<vmem>> -> memref<1x128xi32, #tpu.memory_space<vmem>>
        %dma_start3A_380 = tpu.memref_squeeze %dma_start3A_379 : memref<1x128xi32, #tpu.memory_space<vmem>> -> memref<128xi32, #tpu.memory_space<vmem>>
        %dma_start3A_381 = arith.constant 0 : i32
        %dma_start3A_382 = arith.constant 0 : i32
        %dma_start3A_383 = tpu.memref_slice %arg2[%dma_start3A_381, %dma_start3A_382] : memref<10240x48xf32, #tpu.memory_space<hbm>> -> memref<10240x48xf32, #tpu.memory_space<hbm>>
        tpu.enqueue_indirect_dma source(%dma_start3A_383 : memref<10240x48xf32, #tpu.memory_space<hbm>>) target(%arg9 : memref<128x48xf32, #tpu.memory_space<vmem>>) offsets(%dma_start3A_380 : memref<128xi32, #tpu.memory_space<vmem>>) semaphore(%arg16 : memref<!tpu.dma_semaphore, #tpu.memory_space<semaphore_mem>>)
      } else {
      }
      %add3A_267 = arith.constant 1 : i32
      %add3A_268 = arith.addi %mul3A_246, %add3A_267 : i32
      %dma_wait3A_269 = arith.constant 0 : i32
      %dma_wait3A_270 = arith.constant 0 : i32
      %dma_wait3A_271 = tpu.memref_slice %arg6[%dma_wait3A_269, %dma_wait3A_270] : memref<2x128xi32, #tpu.memory_space<vmem>> -> memref<1x128xi32, #tpu.memory_space<vmem>>
      %dma_wait3A_272 = tpu.memref_squeeze %dma_wait3A_271 : memref<1x128xi32, #tpu.memory_space<vmem>> -> memref<128xi32, #tpu.memory_space<vmem>>
      %dma_wait3A_273 = arith.constant 0 : i32
      %dma_wait3A_274 = arith.constant 0 : i32
      %dma_wait3A_275 = tpu.memref_slice %arg2[%dma_wait3A_273, %dma_wait3A_274] : memref<10240x48xf32, #tpu.memory_space<hbm>> -> memref<10240x48xf32, #tpu.memory_space<hbm>>
      tpu.wait_indirect_dma semaphore(%arg17 : memref<!tpu.dma_semaphore, #tpu.memory_space<semaphore_mem>>) src(%dma_wait3A_275 : memref<10240x48xf32, #tpu.memory_space<hbm>>) dst(%arg10 : memref<128x48xf32, #tpu.memory_space<vmem>>)
      %run_scoped3A_276 = arith.constant 1 : i32
      "tpu.region"() ({
        %run_scoped3A_339 = tpu.sem_alloc : memref<!tpu.dma_semaphore, #tpu.memory_space<semaphore_mem>>
        %dma_start3A_340 = arith.constant 0 : i32
        %dma_start3A_341 = tpu.memref_slice %arg6[%run_scoped3A_276, %dma_start3A_340] : memref<2x128xi32, #tpu.memory_space<vmem>> -> memref<1x128xi32, #tpu.memory_space<vmem>>
        %dma_start3A_342 = tpu.memref_squeeze %dma_start3A_341 : memref<1x128xi32, #tpu.memory_space<vmem>> -> memref<128xi32, #tpu.memory_space<vmem>>
        %dma_start3A_343 = arith.constant 0 : i32
        %dma_start3A_344 = arith.constant 0 : i32
        %dma_start3A_345 = tpu.memref_slice %arg11[%dma_start3A_343, %dma_start3A_344] : memref<10240x48xf32, #tpu.memory_space<vmem_shared>> -> memref<10240x48xf32, #tpu.memory_space<vmem_shared>>
        tpu.enqueue_indirect_dma source(%arg10 : memref<128x48xf32, #tpu.memory_space<vmem>>) target(%dma_start3A_345 : memref<10240x48xf32, #tpu.memory_space<vmem_shared>>) offsets(%dma_start3A_342 : memref<128xi32, #tpu.memory_space<vmem>>) semaphore(%run_scoped3A_339 : memref<!tpu.dma_semaphore, #tpu.memory_space<semaphore_mem>>) {add = true}
        %dma_wait3A_346 = arith.constant 0 : i32
        %dma_wait3A_347 = tpu.memref_slice %arg6[%run_scoped3A_276, %dma_wait3A_346] : memref<2x128xi32, #tpu.memory_space<vmem>> -> memref<1x128xi32, #tpu.memory_space<vmem>>
        %dma_wait3A_348 = tpu.memref_squeeze %dma_wait3A_347 : memref<1x128xi32, #tpu.memory_space<vmem>> -> memref<128xi32, #tpu.memory_space<vmem>>
        %dma_wait3A_349 = arith.constant 0 : i32
        %dma_wait3A_350 = arith.constant 0 : i32
        %dma_wait3A_351 = tpu.memref_slice %arg11[%dma_wait3A_349, %dma_wait3A_350] : memref<10240x48xf32, #tpu.memory_space<vmem_shared>> -> memref<10240x48xf32, #tpu.memory_space<vmem_shared>>
        tpu.wait_indirect_dma semaphore(%run_scoped3A_339 : memref<!tpu.dma_semaphore, #tpu.memory_space<semaphore_mem>>) src(%arg10 : memref<128x48xf32, #tpu.memory_space<vmem>>) dst(%dma_wait3A_351 : memref<10240x48xf32, #tpu.memory_space<vmem_shared>>)
        tpu.yield
      }) : () -> ()
      %add3A_277 = arith.constant 4 : i32
      %add3A_278 = arith.addi %add3A_268, %add3A_277 : i32
      %lt3A_279 = arith.constant 80 : i32
      %lt3A_280 = arith.cmpi slt, %add3A_278, %lt3A_279 : i32
      %convert_element_type3A_281 = arith.extui %lt3A_280 : i1 to i32
      %cond3A_282 = arith.constant 0 : i32
      %cond3A_283 = arith.cmpi ne, %convert_element_type3A_281, %cond3A_282 : i32
      scf.if %cond3A_283 {
        %add3A_339 = arith.constant 4 : i32
        %add3A_340 = arith.addi %add3A_268, %add3A_339 : i32
        %mul3A_341 = arith.constant 128 : i32
        %mul3A_342 = arith.muli %add3A_340, %mul3A_341 : i32
        %add3A_343 = arith.addi %mul3A_4, %mul3A_342 : i32
        %dma_start3A_344 = arith.constant 0 : i32
        %dma_start3A_345 = arith.constant 0 : i32
        %dma_start3A_346 = tpu.memref_slice %arg6[%dma_start3A_344, %dma_start3A_345] : memref<2x128xi32, #tpu.memory_space<vmem>> -> memref<1x128xi32, #tpu.memory_space<vmem>>
        %dma_start3A_347 = tpu.memref_squeeze %dma_start3A_346 : memref<1x128xi32, #tpu.memory_space<vmem>> -> memref<128xi32, #tpu.memory_space<vmem>>
        %dma_start3A_348 = arith.constant 0 : i32
        %dma_start3A_349 = tpu.memref_slice %arg3[%scan3A, %dma_start3A_348] : memref<2x327680xi32, #tpu.memory_space<hbm>> -> memref<1x327680xi32, #tpu.memory_space<hbm>>
        %dma_start3A_350 = tpu.memref_squeeze %dma_start3A_349 : memref<1x327680xi32, #tpu.memory_space<hbm>> -> memref<327680xi32, #tpu.memory_space<hbm>>
        %dma_start3A_351 = tpu.memref_slice %dma_start3A_350[%add3A_343] : memref<327680xi32, #tpu.memory_space<hbm>> -> memref<128xi32, #tpu.memory_space<hbm>>
        %dma_start3A_352 = arith.constant 0 : i32
        %dma_start3A_353 = tpu.memref_slice %arg6[%dma_start3A_344, %dma_start3A_352] : memref<2x128xi32, #tpu.memory_space<vmem>> -> memref<1x128xi32, #tpu.memory_space<vmem>>
        %dma_start3A_354 = tpu.memref_squeeze %dma_start3A_353 : memref<1x128xi32, #tpu.memory_space<vmem>> -> memref<128xi32, #tpu.memory_space<vmem>>
        %dma_start3A_355 = arith.constant 0 : i32
        %dma_start3A_356 = tpu.memref_slice %arg3[%scan3A, %dma_start3A_355] : memref<2x327680xi32, #tpu.memory_space<hbm>> -> memref<1x327680xi32, #tpu.memory_space<hbm>>
        %dma_start3A_357 = tpu.memref_squeeze %dma_start3A_356 : memref<1x327680xi32, #tpu.memory_space<hbm>> -> memref<327680xi32, #tpu.memory_space<hbm>>
        %dma_start3A_358 = tpu.memref_slice %dma_start3A_357[%add3A_343] : memref<327680xi32, #tpu.memory_space<hbm>> -> memref<128xi32, #tpu.memory_space<hbm>>
        tpu.enqueue_dma source(%dma_start3A_358 : memref<128xi32, #tpu.memory_space<hbm>>) target(%dma_start3A_354 : memref<128xi32, #tpu.memory_space<vmem>>) target_semaphore(%arg13 : memref<!tpu.dma_semaphore, #tpu.memory_space<semaphore_mem>>)
        %mul3A_359 = arith.constant 128 : i32
        %mul3A_360 = arith.muli %add3A_340, %mul3A_359 : i32
        %add3A_361 = arith.addi %mul3A_4, %mul3A_360 : i32
        %dma_start3A_362 = arith.constant 1 : i32
        %dma_start3A_363 = arith.constant 0 : i32
        %dma_start3A_364 = tpu.memref_slice %arg6[%dma_start3A_362, %dma_start3A_363] : memref<2x128xi32, #tpu.memory_space<vmem>> -> memref<1x128xi32, #tpu.memory_space<vmem>>
        %dma_start3A_365 = tpu.memref_squeeze %dma_start3A_364 : memref<1x128xi32, #tpu.memory_space<vmem>> -> memref<128xi32, #tpu.memory_space<vmem>>
        %dma_start3A_366 = arith.constant 0 : i32
        %dma_start3A_367 = tpu.memref_slice %arg3[%scan3A_233, %dma_start3A_366] : memref<2x327680xi32, #tpu.memory_space<hbm>> -> memref<1x327680xi32, #tpu.memory_space<hbm>>
        %dma_start3A_368 = tpu.memref_squeeze %dma_start3A_367 : memref<1x327680xi32, #tpu.memory_space<hbm>> -> memref<327680xi32, #tpu.memory_space<hbm>>
        %dma_start3A_369 = tpu.memref_slice %dma_start3A_368[%add3A_361] : memref<327680xi32, #tpu.memory_space<hbm>> -> memref<128xi32, #tpu.memory_space<hbm>>
        %dma_start3A_370 = arith.constant 0 : i32
        %dma_start3A_371 = tpu.memref_slice %arg6[%dma_start3A_362, %dma_start3A_370] : memref<2x128xi32, #tpu.memory_space<vmem>> -> memref<1x128xi32, #tpu.memory_space<vmem>>
        %dma_start3A_372 = tpu.memref_squeeze %dma_start3A_371 : memref<1x128xi32, #tpu.memory_space<vmem>> -> memref<128xi32, #tpu.memory_space<vmem>>
        %dma_start3A_373 = arith.constant 0 : i32
        %dma_start3A_374 = tpu.memref_slice %arg3[%scan3A_233, %dma_start3A_373] : memref<2x327680xi32, #tpu.memory_space<hbm>> -> memref<1x327680xi32, #tpu.memory_space<hbm>>
        %dma_start3A_375 = tpu.memref_squeeze %dma_start3A_374 : memref<1x327680xi32, #tpu.memory_space<hbm>> -> memref<327680xi32, #tpu.memory_space<hbm>>
        %dma_start3A_376 = tpu.memref_slice %dma_start3A_375[%add3A_361] : memref<327680xi32, #tpu.memory_space<hbm>> -> memref<128xi32, #tpu.memory_space<hbm>>
        tpu.enqueue_dma source(%dma_start3A_376 : memref<128xi32, #tpu.memory_space<hbm>>) target(%dma_start3A_372 : memref<128xi32, #tpu.memory_space<vmem>>) target_semaphore(%arg13 : memref<!tpu.dma_semaphore, #tpu.memory_space<semaphore_mem>>)
      } else {
      }
      %add3A_284 = arith.constant 2 : i32
      %add3A_285 = arith.addi %add3A_268, %add3A_284 : i32
      %lt3A_286 = arith.constant 80 : i32
      %lt3A_287 = arith.cmpi slt, %add3A_285, %lt3A_286 : i32
      %convert_element_type3A_288 = arith.extui %lt3A_287 : i1 to i32
      %cond3A_289 = arith.constant 0 : i32
      %cond3A_290 = arith.cmpi ne, %convert_element_type3A_288, %cond3A_289 : i32
      scf.if %cond3A_290 {
        %add3A_339 = arith.constant 2 : i32
        %add3A_340 = arith.addi %add3A_268, %add3A_339 : i32
        %mul3A_341 = arith.constant 128 : i32
        %mul3A_342 = arith.muli %add3A_340, %mul3A_341 : i32
        %add3A_343 = arith.addi %mul3A_4, %mul3A_342 : i32
        %dma_wait3A_344 = arith.constant 0 : i32
        %dma_wait3A_345 = arith.constant 0 : i32
        %dma_wait3A_346 = tpu.memref_slice %arg8[%dma_wait3A_344, %dma_wait3A_345] : memref<2x128xi32, #tpu.memory_space<vmem>> -> memref<1x128xi32, #tpu.memory_space<vmem>>
        %dma_wait3A_347 = tpu.memref_squeeze %dma_wait3A_346 : memref<1x128xi32, #tpu.memory_space<vmem>> -> memref<128xi32, #tpu.memory_space<vmem>>
        %dma_wait3A_348 = arith.constant 0 : i32
        %dma_wait3A_349 = tpu.memref_slice %arg3[%scan3A, %dma_wait3A_348] : memref<2x327680xi32, #tpu.memory_space<hbm>> -> memref<1x327680xi32, #tpu.memory_space<hbm>>
        %dma_wait3A_350 = tpu.memref_squeeze %dma_wait3A_349 : memref<1x327680xi32, #tpu.memory_space<hbm>> -> memref<327680xi32, #tpu.memory_space<hbm>>
        %dma_wait3A_351 = tpu.memref_slice %dma_wait3A_350[%add3A_343] : memref<327680xi32, #tpu.memory_space<hbm>> -> memref<128xi32, #tpu.memory_space<hbm>>
        %dma_wait3A_352 = arith.constant 0 : i32
        %dma_wait3A_353 = tpu.memref_slice %arg8[%dma_wait3A_344, %dma_wait3A_352] : memref<2x128xi32, #tpu.memory_space<vmem>> -> memref<1x128xi32, #tpu.memory_space<vmem>>
        %dma_wait3A_354 = tpu.memref_squeeze %dma_wait3A_353 : memref<1x128xi32, #tpu.memory_space<vmem>> -> memref<128xi32, #tpu.memory_space<vmem>>
        %dma_wait3A_355 = arith.constant 0 : i32
        %dma_wait3A_356 = tpu.memref_slice %arg3[%scan3A, %dma_wait3A_355] : memref<2x327680xi32, #tpu.memory_space<hbm>> -> memref<1x327680xi32, #tpu.memory_space<hbm>>
        %dma_wait3A_357 = tpu.memref_squeeze %dma_wait3A_356 : memref<1x327680xi32, #tpu.memory_space<hbm>> -> memref<327680xi32, #tpu.memory_space<hbm>>
        %dma_wait3A_358 = tpu.memref_slice %dma_wait3A_357[%add3A_343] : memref<327680xi32, #tpu.memory_space<hbm>> -> memref<128xi32, #tpu.memory_space<hbm>>
        tpu.wait_dma2 semaphore(%arg15 : memref<!tpu.dma_semaphore, #tpu.memory_space<semaphore_mem>>) src(%dma_wait3A_358 : memref<128xi32, #tpu.memory_space<hbm>>) dst(%dma_wait3A_354 : memref<128xi32, #tpu.memory_space<vmem>>)
        %mul3A_359 = arith.constant 128 : i32
        %mul3A_360 = arith.muli %add3A_340, %mul3A_359 : i32
        %add3A_361 = arith.addi %mul3A_4, %mul3A_360 : i32
        %dma_wait3A_362 = arith.constant 1 : i32
        %dma_wait3A_363 = arith.constant 0 : i32
        %dma_wait3A_364 = tpu.memref_slice %arg8[%dma_wait3A_362, %dma_wait3A_363] : memref<2x128xi32, #tpu.memory_space<vmem>> -> memref<1x128xi32, #tpu.memory_space<vmem>>
        %dma_wait3A_365 = tpu.memref_squeeze %dma_wait3A_364 : memref<1x128xi32, #tpu.memory_space<vmem>> -> memref<128xi32, #tpu.memory_space<vmem>>
        %dma_wait3A_366 = arith.constant 0 : i32
        %dma_wait3A_367 = tpu.memref_slice %arg3[%scan3A_233, %dma_wait3A_366] : memref<2x327680xi32, #tpu.memory_space<hbm>> -> memref<1x327680xi32, #tpu.memory_space<hbm>>
        %dma_wait3A_368 = tpu.memref_squeeze %dma_wait3A_367 : memref<1x327680xi32, #tpu.memory_space<hbm>> -> memref<327680xi32, #tpu.memory_space<hbm>>
        %dma_wait3A_369 = tpu.memref_slice %dma_wait3A_368[%add3A_361] : memref<327680xi32, #tpu.memory_space<hbm>> -> memref<128xi32, #tpu.memory_space<hbm>>
        %dma_wait3A_370 = arith.constant 0 : i32
        %dma_wait3A_371 = tpu.memref_slice %arg8[%dma_wait3A_362, %dma_wait3A_370] : memref<2x128xi32, #tpu.memory_space<vmem>> -> memref<1x128xi32, #tpu.memory_space<vmem>>
        %dma_wait3A_372 = tpu.memref_squeeze %dma_wait3A_371 : memref<1x128xi32, #tpu.memory_space<vmem>> -> memref<128xi32, #tpu.memory_space<vmem>>
        %dma_wait3A_373 = arith.constant 0 : i32
        %dma_wait3A_374 = tpu.memref_slice %arg3[%scan3A_233, %dma_wait3A_373] : memref<2x327680xi32, #tpu.memory_space<hbm>> -> memref<1x327680xi32, #tpu.memory_space<hbm>>
        %dma_wait3A_375 = tpu.memref_squeeze %dma_wait3A_374 : memref<1x327680xi32, #tpu.memory_space<hbm>> -> memref<327680xi32, #tpu.memory_space<hbm>>
        %dma_wait3A_376 = tpu.memref_slice %dma_wait3A_375[%add3A_361] : memref<327680xi32, #tpu.memory_space<hbm>> -> memref<128xi32, #tpu.memory_space<hbm>>
        tpu.wait_dma2 semaphore(%arg15 : memref<!tpu.dma_semaphore, #tpu.memory_space<semaphore_mem>>) src(%dma_wait3A_376 : memref<128xi32, #tpu.memory_space<hbm>>) dst(%dma_wait3A_372 : memref<128xi32, #tpu.memory_space<vmem>>)
        %dma_start3A_377 = arith.constant 0 : i32
        %dma_start3A_378 = arith.constant 0 : i32
        %dma_start3A_379 = tpu.memref_slice %arg8[%dma_start3A_377, %dma_start3A_378] : memref<2x128xi32, #tpu.memory_space<vmem>> -> memref<1x128xi32, #tpu.memory_space<vmem>>
        %dma_start3A_380 = tpu.memref_squeeze %dma_start3A_379 : memref<1x128xi32, #tpu.memory_space<vmem>> -> memref<128xi32, #tpu.memory_space<vmem>>
        %dma_start3A_381 = arith.constant 0 : i32
        %dma_start3A_382 = arith.constant 0 : i32
        %dma_start3A_383 = tpu.memref_slice %arg2[%dma_start3A_381, %dma_start3A_382] : memref<10240x48xf32, #tpu.memory_space<hbm>> -> memref<10240x48xf32, #tpu.memory_space<hbm>>
        tpu.enqueue_indirect_dma source(%dma_start3A_383 : memref<10240x48xf32, #tpu.memory_space<hbm>>) target(%arg10 : memref<128x48xf32, #tpu.memory_space<vmem>>) offsets(%dma_start3A_380 : memref<128xi32, #tpu.memory_space<vmem>>) semaphore(%arg17 : memref<!tpu.dma_semaphore, #tpu.memory_space<semaphore_mem>>)
      } else {
      }
      %add3A_291 = arith.constant 2 : i32
      %add3A_292 = arith.addi %mul3A_246, %add3A_291 : i32
      %dma_wait3A_293 = arith.constant 0 : i32
      %dma_wait3A_294 = arith.constant 0 : i32
      %dma_wait3A_295 = tpu.memref_slice %arg7[%dma_wait3A_293, %dma_wait3A_294] : memref<2x128xi32, #tpu.memory_space<vmem>> -> memref<1x128xi32, #tpu.memory_space<vmem>>
      %dma_wait3A_296 = tpu.memref_squeeze %dma_wait3A_295 : memref<1x128xi32, #tpu.memory_space<vmem>> -> memref<128xi32, #tpu.memory_space<vmem>>
      %dma_wait3A_297 = arith.constant 0 : i32
      %dma_wait3A_298 = arith.constant 0 : i32
      %dma_wait3A_299 = tpu.memref_slice %arg2[%dma_wait3A_297, %dma_wait3A_298] : memref<10240x48xf32, #tpu.memory_space<hbm>> -> memref<10240x48xf32, #tpu.memory_space<hbm>>
      tpu.wait_indirect_dma semaphore(%arg16 : memref<!tpu.dma_semaphore, #tpu.memory_space<semaphore_mem>>) src(%dma_wait3A_299 : memref<10240x48xf32, #tpu.memory_space<hbm>>) dst(%arg9 : memref<128x48xf32, #tpu.memory_space<vmem>>)
      %run_scoped3A_300 = arith.constant 1 : i32
      "tpu.region"() ({
        %run_scoped3A_339 = tpu.sem_alloc : memref<!tpu.dma_semaphore, #tpu.memory_space<semaphore_mem>>
        %dma_start3A_340 = arith.constant 0 : i32
        %dma_start3A_341 = tpu.memref_slice %arg7[%run_scoped3A_300, %dma_start3A_340] : memref<2x128xi32, #tpu.memory_space<vmem>> -> memref<1x128xi32, #tpu.memory_space<vmem>>
        %dma_start3A_342 = tpu.memref_squeeze %dma_start3A_341 : memref<1x128xi32, #tpu.memory_space<vmem>> -> memref<128xi32, #tpu.memory_space<vmem>>
        %dma_start3A_343 = arith.constant 0 : i32
        %dma_start3A_344 = arith.constant 0 : i32
        %dma_start3A_345 = tpu.memref_slice %arg11[%dma_start3A_343, %dma_start3A_344] : memref<10240x48xf32, #tpu.memory_space<vmem_shared>> -> memref<10240x48xf32, #tpu.memory_space<vmem_shared>>
        tpu.enqueue_indirect_dma source(%arg9 : memref<128x48xf32, #tpu.memory_space<vmem>>) target(%dma_start3A_345 : memref<10240x48xf32, #tpu.memory_space<vmem_shared>>) offsets(%dma_start3A_342 : memref<128xi32, #tpu.memory_space<vmem>>) semaphore(%run_scoped3A_339 : memref<!tpu.dma_semaphore, #tpu.memory_space<semaphore_mem>>) {add = true}
        %dma_wait3A_346 = arith.constant 0 : i32
        %dma_wait3A_347 = tpu.memref_slice %arg7[%run_scoped3A_300, %dma_wait3A_346] : memref<2x128xi32, #tpu.memory_space<vmem>> -> memref<1x128xi32, #tpu.memory_space<vmem>>
        %dma_wait3A_348 = tpu.memref_squeeze %dma_wait3A_347 : memref<1x128xi32, #tpu.memory_space<vmem>> -> memref<128xi32, #tpu.memory_space<vmem>>
        %dma_wait3A_349 = arith.constant 0 : i32
        %dma_wait3A_350 = arith.constant 0 : i32
        %dma_wait3A_351 = tpu.memref_slice %arg11[%dma_wait3A_349, %dma_wait3A_350] : memref<10240x48xf32, #tpu.memory_space<vmem_shared>> -> memref<10240x48xf32, #tpu.memory_space<vmem_shared>>
        tpu.wait_indirect_dma semaphore(%run_scoped3A_339 : memref<!tpu.dma_semaphore, #tpu.memory_space<semaphore_mem>>) src(%arg9 : memref<128x48xf32, #tpu.memory_space<vmem>>) dst(%dma_wait3A_351 : memref<10240x48xf32, #tpu.memory_space<vmem_shared>>)
        tpu.yield
      }) : () -> ()
      %add3A_301 = arith.constant 4 : i32
      %add3A_302 = arith.addi %add3A_292, %add3A_301 : i32
      %lt3A_303 = arith.constant 80 : i32
      %lt3A_304 = arith.cmpi slt, %add3A_302, %lt3A_303 : i32
      %convert_element_type3A_305 = arith.extui %lt3A_304 : i1 to i32
      %cond3A_306 = arith.constant 0 : i32
      %cond3A_307 = arith.cmpi ne, %convert_element_type3A_305, %cond3A_306 : i32
      scf.if %cond3A_307 {
        %add3A_339 = arith.constant 4 : i32
        %add3A_340 = arith.addi %add3A_292, %add3A_339 : i32
        %mul3A_341 = arith.constant 128 : i32
        %mul3A_342 = arith.muli %add3A_340, %mul3A_341 : i32
        %add3A_343 = arith.addi %mul3A_4, %mul3A_342 : i32
        %dma_start3A_344 = arith.constant 0 : i32
        %dma_start3A_345 = arith.constant 0 : i32
        %dma_start3A_346 = tpu.memref_slice %arg7[%dma_start3A_344, %dma_start3A_345] : memref<2x128xi32, #tpu.memory_space<vmem>> -> memref<1x128xi32, #tpu.memory_space<vmem>>
        %dma_start3A_347 = tpu.memref_squeeze %dma_start3A_346 : memref<1x128xi32, #tpu.memory_space<vmem>> -> memref<128xi32, #tpu.memory_space<vmem>>
        %dma_start3A_348 = arith.constant 0 : i32
        %dma_start3A_349 = tpu.memref_slice %arg3[%scan3A, %dma_start3A_348] : memref<2x327680xi32, #tpu.memory_space<hbm>> -> memref<1x327680xi32, #tpu.memory_space<hbm>>
        %dma_start3A_350 = tpu.memref_squeeze %dma_start3A_349 : memref<1x327680xi32, #tpu.memory_space<hbm>> -> memref<327680xi32, #tpu.memory_space<hbm>>
        %dma_start3A_351 = tpu.memref_slice %dma_start3A_350[%add3A_343] : memref<327680xi32, #tpu.memory_space<hbm>> -> memref<128xi32, #tpu.memory_space<hbm>>
        %dma_start3A_352 = arith.constant 0 : i32
        %dma_start3A_353 = tpu.memref_slice %arg7[%dma_start3A_344, %dma_start3A_352] : memref<2x128xi32, #tpu.memory_space<vmem>> -> memref<1x128xi32, #tpu.memory_space<vmem>>
        %dma_start3A_354 = tpu.memref_squeeze %dma_start3A_353 : memref<1x128xi32, #tpu.memory_space<vmem>> -> memref<128xi32, #tpu.memory_space<vmem>>
        %dma_start3A_355 = arith.constant 0 : i32
        %dma_start3A_356 = tpu.memref_slice %arg3[%scan3A, %dma_start3A_355] : memref<2x327680xi32, #tpu.memory_space<hbm>> -> memref<1x327680xi32, #tpu.memory_space<hbm>>
        %dma_start3A_357 = tpu.memref_squeeze %dma_start3A_356 : memref<1x327680xi32, #tpu.memory_space<hbm>> -> memref<327680xi32, #tpu.memory_space<hbm>>
        %dma_start3A_358 = tpu.memref_slice %dma_start3A_357[%add3A_343] : memref<327680xi32, #tpu.memory_space<hbm>> -> memref<128xi32, #tpu.memory_space<hbm>>
        tpu.enqueue_dma source(%dma_start3A_358 : memref<128xi32, #tpu.memory_space<hbm>>) target(%dma_start3A_354 : memref<128xi32, #tpu.memory_space<vmem>>) target_semaphore(%arg14 : memref<!tpu.dma_semaphore, #tpu.memory_space<semaphore_mem>>)
        %mul3A_359 = arith.constant 128 : i32
        %mul3A_360 = arith.muli %add3A_340, %mul3A_359 : i32
        %add3A_361 = arith.addi %mul3A_4, %mul3A_360 : i32
        %dma_start3A_362 = arith.constant 1 : i32
        %dma_start3A_363 = arith.constant 0 : i32
        %dma_start3A_364 = tpu.memref_slice %arg7[%dma_start3A_362, %dma_start3A_363] : memref<2x128xi32, #tpu.memory_space<vmem>> -> memref<1x128xi32, #tpu.memory_space<vmem>>
        %dma_start3A_365 = tpu.memref_squeeze %dma_start3A_364 : memref<1x128xi32, #tpu.memory_space<vmem>> -> memref<128xi32, #tpu.memory_space<vmem>>
        %dma_start3A_366 = arith.constant 0 : i32
        %dma_start3A_367 = tpu.memref_slice %arg3[%scan3A_233, %dma_start3A_366] : memref<2x327680xi32, #tpu.memory_space<hbm>> -> memref<1x327680xi32, #tpu.memory_space<hbm>>
        %dma_start3A_368 = tpu.memref_squeeze %dma_start3A_367 : memref<1x327680xi32, #tpu.memory_space<hbm>> -> memref<327680xi32, #tpu.memory_space<hbm>>
        %dma_start3A_369 = tpu.memref_slice %dma_start3A_368[%add3A_361] : memref<327680xi32, #tpu.memory_space<hbm>> -> memref<128xi32, #tpu.memory_space<hbm>>
        %dma_start3A_370 = arith.constant 0 : i32
        %dma_start3A_371 = tpu.memref_slice %arg7[%dma_start3A_362, %dma_start3A_370] : memref<2x128xi32, #tpu.memory_space<vmem>> -> memref<1x128xi32, #tpu.memory_space<vmem>>
        %dma_start3A_372 = tpu.memref_squeeze %dma_start3A_371 : memref<1x128xi32, #tpu.memory_space<vmem>> -> memref<128xi32, #tpu.memory_space<vmem>>
        %dma_start3A_373 = arith.constant 0 : i32
        %dma_start3A_374 = tpu.memref_slice %arg3[%scan3A_233, %dma_start3A_373] : memref<2x327680xi32, #tpu.memory_space<hbm>> -> memref<1x327680xi32, #tpu.memory_space<hbm>>
        %dma_start3A_375 = tpu.memref_squeeze %dma_start3A_374 : memref<1x327680xi32, #tpu.memory_space<hbm>> -> memref<327680xi32, #tpu.memory_space<hbm>>
        %dma_start3A_376 = tpu.memref_slice %dma_start3A_375[%add3A_361] : memref<327680xi32, #tpu.memory_space<hbm>> -> memref<128xi32, #tpu.memory_space<hbm>>
        tpu.enqueue_dma source(%dma_start3A_376 : memref<128xi32, #tpu.memory_space<hbm>>) target(%dma_start3A_372 : memref<128xi32, #tpu.memory_space<vmem>>) target_semaphore(%arg14 : memref<!tpu.dma_semaphore, #tpu.memory_space<semaphore_mem>>)
      } else {
      }
      %add3A_308 = arith.constant 2 : i32
      %add3A_309 = arith.addi %add3A_292, %add3A_308 : i32
      %lt3A_310 = arith.constant 80 : i32
      %lt3A_311 = arith.cmpi slt, %add3A_309, %lt3A_310 : i32
      %convert_element_type3A_312 = arith.extui %lt3A_311 : i1 to i32
      %cond3A_313 = arith.constant 0 : i32
      %cond3A_314 = arith.cmpi ne, %convert_element_type3A_312, %cond3A_313 : i32
      scf.if %cond3A_314 {
        %add3A_339 = arith.constant 2 : i32
        %add3A_340 = arith.addi %add3A_292, %add3A_339 : i32
        %mul3A_341 = arith.constant 128 : i32
        %mul3A_342 = arith.muli %add3A_340, %mul3A_341 : i32
        %add3A_343 = arith.addi %mul3A_4, %mul3A_342 : i32
        %dma_wait3A_344 = arith.constant 0 : i32
        %dma_wait3A_345 = arith.constant 0 : i32
        %dma_wait3A_346 = tpu.memref_slice %arg5[%dma_wait3A_344, %dma_wait3A_345] : memref<2x128xi32, #tpu.memory_space<vmem>> -> memref<1x128xi32, #tpu.memory_space<vmem>>
        %dma_wait3A_347 = tpu.memref_squeeze %dma_wait3A_346 : memref<1x128xi32, #tpu.memory_space<vmem>> -> memref<128xi32, #tpu.memory_space<vmem>>
        %dma_wait3A_348 = arith.constant 0 : i32
        %dma_wait3A_349 = tpu.memref_slice %arg3[%scan3A, %dma_wait3A_348] : memref<2x327680xi32, #tpu.memory_space<hbm>> -> memref<1x327680xi32, #tpu.memory_space<hbm>>
        %dma_wait3A_350 = tpu.memref_squeeze %dma_wait3A_349 : memref<1x327680xi32, #tpu.memory_space<hbm>> -> memref<327680xi32, #tpu.memory_space<hbm>>
        %dma_wait3A_351 = tpu.memref_slice %dma_wait3A_350[%add3A_343] : memref<327680xi32, #tpu.memory_space<hbm>> -> memref<128xi32, #tpu.memory_space<hbm>>
        %dma_wait3A_352 = arith.constant 0 : i32
        %dma_wait3A_353 = tpu.memref_slice %arg5[%dma_wait3A_344, %dma_wait3A_352] : memref<2x128xi32, #tpu.memory_space<vmem>> -> memref<1x128xi32, #tpu.memory_space<vmem>>
        %dma_wait3A_354 = tpu.memref_squeeze %dma_wait3A_353 : memref<1x128xi32, #tpu.memory_space<vmem>> -> memref<128xi32, #tpu.memory_space<vmem>>
        %dma_wait3A_355 = arith.constant 0 : i32
        %dma_wait3A_356 = tpu.memref_slice %arg3[%scan3A, %dma_wait3A_355] : memref<2x327680xi32, #tpu.memory_space<hbm>> -> memref<1x327680xi32, #tpu.memory_space<hbm>>
        %dma_wait3A_357 = tpu.memref_squeeze %dma_wait3A_356 : memref<1x327680xi32, #tpu.memory_space<hbm>> -> memref<327680xi32, #tpu.memory_space<hbm>>
        %dma_wait3A_358 = tpu.memref_slice %dma_wait3A_357[%add3A_343] : memref<327680xi32, #tpu.memory_space<hbm>> -> memref<128xi32, #tpu.memory_space<hbm>>
        tpu.wait_dma2 semaphore(%arg12 : memref<!tpu.dma_semaphore, #tpu.memory_space<semaphore_mem>>) src(%dma_wait3A_358 : memref<128xi32, #tpu.memory_space<hbm>>) dst(%dma_wait3A_354 : memref<128xi32, #tpu.memory_space<vmem>>)
        %mul3A_359 = arith.constant 128 : i32
        %mul3A_360 = arith.muli %add3A_340, %mul3A_359 : i32
        %add3A_361 = arith.addi %mul3A_4, %mul3A_360 : i32
        %dma_wait3A_362 = arith.constant 1 : i32
        %dma_wait3A_363 = arith.constant 0 : i32
        %dma_wait3A_364 = tpu.memref_slice %arg5[%dma_wait3A_362, %dma_wait3A_363] : memref<2x128xi32, #tpu.memory_space<vmem>> -> memref<1x128xi32, #tpu.memory_space<vmem>>
        %dma_wait3A_365 = tpu.memref_squeeze %dma_wait3A_364 : memref<1x128xi32, #tpu.memory_space<vmem>> -> memref<128xi32, #tpu.memory_space<vmem>>
        %dma_wait3A_366 = arith.constant 0 : i32
        %dma_wait3A_367 = tpu.memref_slice %arg3[%scan3A_233, %dma_wait3A_366] : memref<2x327680xi32, #tpu.memory_space<hbm>> -> memref<1x327680xi32, #tpu.memory_space<hbm>>
        %dma_wait3A_368 = tpu.memref_squeeze %dma_wait3A_367 : memref<1x327680xi32, #tpu.memory_space<hbm>> -> memref<327680xi32, #tpu.memory_space<hbm>>
        %dma_wait3A_369 = tpu.memref_slice %dma_wait3A_368[%add3A_361] : memref<327680xi32, #tpu.memory_space<hbm>> -> memref<128xi32, #tpu.memory_space<hbm>>
        %dma_wait3A_370 = arith.constant 0 : i32
        %dma_wait3A_371 = tpu.memref_slice %arg5[%dma_wait3A_362, %dma_wait3A_370] : memref<2x128xi32, #tpu.memory_space<vmem>> -> memref<1x128xi32, #tpu.memory_space<vmem>>
        %dma_wait3A_372 = tpu.memref_squeeze %dma_wait3A_371 : memref<1x128xi32, #tpu.memory_space<vmem>> -> memref<128xi32, #tpu.memory_space<vmem>>
        %dma_wait3A_373 = arith.constant 0 : i32
        %dma_wait3A_374 = tpu.memref_slice %arg3[%scan3A_233, %dma_wait3A_373] : memref<2x327680xi32, #tpu.memory_space<hbm>> -> memref<1x327680xi32, #tpu.memory_space<hbm>>
        %dma_wait3A_375 = tpu.memref_squeeze %dma_wait3A_374 : memref<1x327680xi32, #tpu.memory_space<hbm>> -> memref<327680xi32, #tpu.memory_space<hbm>>
        %dma_wait3A_376 = tpu.memref_slice %dma_wait3A_375[%add3A_361] : memref<327680xi32, #tpu.memory_space<hbm>> -> memref<128xi32, #tpu.memory_space<hbm>>
        tpu.wait_dma2 semaphore(%arg12 : memref<!tpu.dma_semaphore, #tpu.memory_space<semaphore_mem>>) src(%dma_wait3A_376 : memref<128xi32, #tpu.memory_space<hbm>>) dst(%dma_wait3A_372 : memref<128xi32, #tpu.memory_space<vmem>>)
        %dma_start3A_377 = arith.constant 0 : i32
        %dma_start3A_378 = arith.constant 0 : i32
        %dma_start3A_379 = tpu.memref_slice %arg5[%dma_start3A_377, %dma_start3A_378] : memref<2x128xi32, #tpu.memory_space<vmem>> -> memref<1x128xi32, #tpu.memory_space<vmem>>
        %dma_start3A_380 = tpu.memref_squeeze %dma_start3A_379 : memref<1x128xi32, #tpu.memory_space<vmem>> -> memref<128xi32, #tpu.memory_space<vmem>>
        %dma_start3A_381 = arith.constant 0 : i32
        %dma_start3A_382 = arith.constant 0 : i32
        %dma_start3A_383 = tpu.memref_slice %arg2[%dma_start3A_381, %dma_start3A_382] : memref<10240x48xf32, #tpu.memory_space<hbm>> -> memref<10240x48xf32, #tpu.memory_space<hbm>>
        tpu.enqueue_indirect_dma source(%dma_start3A_383 : memref<10240x48xf32, #tpu.memory_space<hbm>>) target(%arg9 : memref<128x48xf32, #tpu.memory_space<vmem>>) offsets(%dma_start3A_380 : memref<128xi32, #tpu.memory_space<vmem>>) semaphore(%arg16 : memref<!tpu.dma_semaphore, #tpu.memory_space<semaphore_mem>>)
      } else {
      }
      %add3A_315 = arith.constant 3 : i32
      %add3A_316 = arith.addi %mul3A_246, %add3A_315 : i32
      %dma_wait3A_317 = arith.constant 0 : i32
      %dma_wait3A_318 = arith.constant 0 : i32
      %dma_wait3A_319 = tpu.memref_slice %arg8[%dma_wait3A_317, %dma_wait3A_318] : memref<2x128xi32, #tpu.memory_space<vmem>> -> memref<1x128xi32, #tpu.memory_space<vmem>>
      %dma_wait3A_320 = tpu.memref_squeeze %dma_wait3A_319 : memref<1x128xi32, #tpu.memory_space<vmem>> -> memref<128xi32, #tpu.memory_space<vmem>>
      %dma_wait3A_321 = arith.constant 0 : i32
      %dma_wait3A_322 = arith.constant 0 : i32
      %dma_wait3A_323 = tpu.memref_slice %arg2[%dma_wait3A_321, %dma_wait3A_322] : memref<10240x48xf32, #tpu.memory_space<hbm>> -> memref<10240x48xf32, #tpu.memory_space<hbm>>
      tpu.wait_indirect_dma semaphore(%arg17 : memref<!tpu.dma_semaphore, #tpu.memory_space<semaphore_mem>>) src(%dma_wait3A_323 : memref<10240x48xf32, #tpu.memory_space<hbm>>) dst(%arg10 : memref<128x48xf32, #tpu.memory_space<vmem>>)
      %run_scoped3A_324 = arith.constant 1 : i32
      "tpu.region"() ({
        %run_scoped3A_339 = tpu.sem_alloc : memref<!tpu.dma_semaphore, #tpu.memory_space<semaphore_mem>>
        %dma_start3A_340 = arith.constant 0 : i32
        %dma_start3A_341 = tpu.memref_slice %arg8[%run_scoped3A_324, %dma_start3A_340] : memref<2x128xi32, #tpu.memory_space<vmem>> -> memref<1x128xi32, #tpu.memory_space<vmem>>
        %dma_start3A_342 = tpu.memref_squeeze %dma_start3A_341 : memref<1x128xi32, #tpu.memory_space<vmem>> -> memref<128xi32, #tpu.memory_space<vmem>>
        %dma_start3A_343 = arith.constant 0 : i32
        %dma_start3A_344 = arith.constant 0 : i32
        %dma_start3A_345 = tpu.memref_slice %arg11[%dma_start3A_343, %dma_start3A_344] : memref<10240x48xf32, #tpu.memory_space<vmem_shared>> -> memref<10240x48xf32, #tpu.memory_space<vmem_shared>>
        tpu.enqueue_indirect_dma source(%arg10 : memref<128x48xf32, #tpu.memory_space<vmem>>) target(%dma_start3A_345 : memref<10240x48xf32, #tpu.memory_space<vmem_shared>>) offsets(%dma_start3A_342 : memref<128xi32, #tpu.memory_space<vmem>>) semaphore(%run_scoped3A_339 : memref<!tpu.dma_semaphore, #tpu.memory_space<semaphore_mem>>) {add = true}
        %dma_wait3A_346 = arith.constant 0 : i32
        %dma_wait3A_347 = tpu.memref_slice %arg8[%run_scoped3A_324, %dma_wait3A_346] : memref<2x128xi32, #tpu.memory_space<vmem>> -> memref<1x128xi32, #tpu.memory_space<vmem>>
        %dma_wait3A_348 = tpu.memref_squeeze %dma_wait3A_347 : memref<1x128xi32, #tpu.memory_space<vmem>> -> memref<128xi32, #tpu.memory_space<vmem>>
        %dma_wait3A_349 = arith.constant 0 : i32
        %dma_wait3A_350 = arith.constant 0 : i32
        %dma_wait3A_351 = tpu.memref_slice %arg11[%dma_wait3A_349, %dma_wait3A_350] : memref<10240x48xf32, #tpu.memory_space<vmem_shared>> -> memref<10240x48xf32, #tpu.memory_space<vmem_shared>>
        tpu.wait_indirect_dma semaphore(%run_scoped3A_339 : memref<!tpu.dma_semaphore, #tpu.memory_space<semaphore_mem>>) src(%arg10 : memref<128x48xf32, #tpu.memory_space<vmem>>) dst(%dma_wait3A_351 : memref<10240x48xf32, #tpu.memory_space<vmem_shared>>)
        tpu.yield
      }) : () -> ()
      %add3A_325 = arith.constant 4 : i32
      %add3A_326 = arith.addi %add3A_316, %add3A_325 : i32
      %lt3A_327 = arith.constant 80 : i32
      %lt3A_328 = arith.cmpi slt, %add3A_326, %lt3A_327 : i32
      %convert_element_type3A_329 = arith.extui %lt3A_328 : i1 to i32
      %cond3A_330 = arith.constant 0 : i32
      %cond3A_331 = arith.cmpi ne, %convert_element_type3A_329, %cond3A_330 : i32
      scf.if %cond3A_331 {
        %add3A_339 = arith.constant 4 : i32
        %add3A_340 = arith.addi %add3A_316, %add3A_339 : i32
        %mul3A_341 = arith.constant 128 : i32
        %mul3A_342 = arith.muli %add3A_340, %mul3A_341 : i32
        %add3A_343 = arith.addi %mul3A_4, %mul3A_342 : i32
        %dma_start3A_344 = arith.constant 0 : i32
        %dma_start3A_345 = arith.constant 0 : i32
        %dma_start3A_346 = tpu.memref_slice %arg8[%dma_start3A_344, %dma_start3A_345] : memref<2x128xi32, #tpu.memory_space<vmem>> -> memref<1x128xi32, #tpu.memory_space<vmem>>
        %dma_start3A_347 = tpu.memref_squeeze %dma_start3A_346 : memref<1x128xi32, #tpu.memory_space<vmem>> -> memref<128xi32, #tpu.memory_space<vmem>>
        %dma_start3A_348 = arith.constant 0 : i32
        %dma_start3A_349 = tpu.memref_slice %arg3[%scan3A, %dma_start3A_348] : memref<2x327680xi32, #tpu.memory_space<hbm>> -> memref<1x327680xi32, #tpu.memory_space<hbm>>
        %dma_start3A_350 = tpu.memref_squeeze %dma_start3A_349 : memref<1x327680xi32, #tpu.memory_space<hbm>> -> memref<327680xi32, #tpu.memory_space<hbm>>
        %dma_start3A_351 = tpu.memref_slice %dma_start3A_350[%add3A_343] : memref<327680xi32, #tpu.memory_space<hbm>> -> memref<128xi32, #tpu.memory_space<hbm>>
        %dma_start3A_352 = arith.constant 0 : i32
        %dma_start3A_353 = tpu.memref_slice %arg8[%dma_start3A_344, %dma_start3A_352] : memref<2x128xi32, #tpu.memory_space<vmem>> -> memref<1x128xi32, #tpu.memory_space<vmem>>
        %dma_start3A_354 = tpu.memref_squeeze %dma_start3A_353 : memref<1x128xi32, #tpu.memory_space<vmem>> -> memref<128xi32, #tpu.memory_space<vmem>>
        %dma_start3A_355 = arith.constant 0 : i32
        %dma_start3A_356 = tpu.memref_slice %arg3[%scan3A, %dma_start3A_355] : memref<2x327680xi32, #tpu.memory_space<hbm>> -> memref<1x327680xi32, #tpu.memory_space<hbm>>
        %dma_start3A_357 = tpu.memref_squeeze %dma_start3A_356 : memref<1x327680xi32, #tpu.memory_space<hbm>> -> memref<327680xi32, #tpu.memory_space<hbm>>
        %dma_start3A_358 = tpu.memref_slice %dma_start3A_357[%add3A_343] : memref<327680xi32, #tpu.memory_space<hbm>> -> memref<128xi32, #tpu.memory_space<hbm>>
        tpu.enqueue_dma source(%dma_start3A_358 : memref<128xi32, #tpu.memory_space<hbm>>) target(%dma_start3A_354 : memref<128xi32, #tpu.memory_space<vmem>>) target_semaphore(%arg15 : memref<!tpu.dma_semaphore, #tpu.memory_space<semaphore_mem>>)
        %mul3A_359 = arith.constant 128 : i32
        %mul3A_360 = arith.muli %add3A_340, %mul3A_359 : i32
        %add3A_361 = arith.addi %mul3A_4, %mul3A_360 : i32
        %dma_start3A_362 = arith.constant 1 : i32
        %dma_start3A_363 = arith.constant 0 : i32
        %dma_start3A_364 = tpu.memref_slice %arg8[%dma_start3A_362, %dma_start3A_363] : memref<2x128xi32, #tpu.memory_space<vmem>> -> memref<1x128xi32, #tpu.memory_space<vmem>>
        %dma_start3A_365 = tpu.memref_squeeze %dma_start3A_364 : memref<1x128xi32, #tpu.memory_space<vmem>> -> memref<128xi32, #tpu.memory_space<vmem>>
        %dma_start3A_366 = arith.constant 0 : i32
        %dma_start3A_367 = tpu.memref_slice %arg3[%scan3A_233, %dma_start3A_366] : memref<2x327680xi32, #tpu.memory_space<hbm>> -> memref<1x327680xi32, #tpu.memory_space<hbm>>
        %dma_start3A_368 = tpu.memref_squeeze %dma_start3A_367 : memref<1x327680xi32, #tpu.memory_space<hbm>> -> memref<327680xi32, #tpu.memory_space<hbm>>
        %dma_start3A_369 = tpu.memref_slice %dma_start3A_368[%add3A_361] : memref<327680xi32, #tpu.memory_space<hbm>> -> memref<128xi32, #tpu.memory_space<hbm>>
        %dma_start3A_370 = arith.constant 0 : i32
        %dma_start3A_371 = tpu.memref_slice %arg8[%dma_start3A_362, %dma_start3A_370] : memref<2x128xi32, #tpu.memory_space<vmem>> -> memref<1x128xi32, #tpu.memory_space<vmem>>
        %dma_start3A_372 = tpu.memref_squeeze %dma_start3A_371 : memref<1x128xi32, #tpu.memory_space<vmem>> -> memref<128xi32, #tpu.memory_space<vmem>>
        %dma_start3A_373 = arith.constant 0 : i32
        %dma_start3A_374 = tpu.memref_slice %arg3[%scan3A_233, %dma_start3A_373] : memref<2x327680xi32, #tpu.memory_space<hbm>> -> memref<1x327680xi32, #tpu.memory_space<hbm>>
        %dma_start3A_375 = tpu.memref_squeeze %dma_start3A_374 : memref<1x327680xi32, #tpu.memory_space<hbm>> -> memref<327680xi32, #tpu.memory_space<hbm>>
        %dma_start3A_376 = tpu.memref_slice %dma_start3A_375[%add3A_361] : memref<327680xi32, #tpu.memory_space<hbm>> -> memref<128xi32, #tpu.memory_space<hbm>>
        tpu.enqueue_dma source(%dma_start3A_376 : memref<128xi32, #tpu.memory_space<hbm>>) target(%dma_start3A_372 : memref<128xi32, #tpu.memory_space<vmem>>) target_semaphore(%arg15 : memref<!tpu.dma_semaphore, #tpu.memory_space<semaphore_mem>>)
      } else {
      }
      %add3A_332 = arith.constant 2 : i32
      %add3A_333 = arith.addi %add3A_316, %add3A_332 : i32
      %lt3A_334 = arith.constant 80 : i32
      %lt3A_335 = arith.cmpi slt, %add3A_333, %lt3A_334 : i32
      %convert_element_type3A_336 = arith.extui %lt3A_335 : i1 to i32
      %cond3A_337 = arith.constant 0 : i32
      %cond3A_338 = arith.cmpi ne, %convert_element_type3A_336, %cond3A_337 : i32
      scf.if %cond3A_338 {
        %add3A_339 = arith.constant 2 : i32
        %add3A_340 = arith.addi %add3A_316, %add3A_339 : i32
        %mul3A_341 = arith.constant 128 : i32
        %mul3A_342 = arith.muli %add3A_340, %mul3A_341 : i32
        %add3A_343 = arith.addi %mul3A_4, %mul3A_342 : i32
        %dma_wait3A_344 = arith.constant 0 : i32
        %dma_wait3A_345 = arith.constant 0 : i32
        %dma_wait3A_346 = tpu.memref_slice %arg6[%dma_wait3A_344, %dma_wait3A_345] : memref<2x128xi32, #tpu.memory_space<vmem>> -> memref<1x128xi32, #tpu.memory_space<vmem>>
        %dma_wait3A_347 = tpu.memref_squeeze %dma_wait3A_346 : memref<1x128xi32, #tpu.memory_space<vmem>> -> memref<128xi32, #tpu.memory_space<vmem>>
        %dma_wait3A_348 = arith.constant 0 : i32
        %dma_wait3A_349 = tpu.memref_slice %arg3[%scan3A, %dma_wait3A_348] : memref<2x327680xi32, #tpu.memory_space<hbm>> -> memref<1x327680xi32, #tpu.memory_space<hbm>>
        %dma_wait3A_350 = tpu.memref_squeeze %dma_wait3A_349 : memref<1x327680xi32, #tpu.memory_space<hbm>> -> memref<327680xi32, #tpu.memory_space<hbm>>
        %dma_wait3A_351 = tpu.memref_slice %dma_wait3A_350[%add3A_343] : memref<327680xi32, #tpu.memory_space<hbm>> -> memref<128xi32, #tpu.memory_space<hbm>>
        %dma_wait3A_352 = arith.constant 0 : i32
        %dma_wait3A_353 = tpu.memref_slice %arg6[%dma_wait3A_344, %dma_wait3A_352] : memref<2x128xi32, #tpu.memory_space<vmem>> -> memref<1x128xi32, #tpu.memory_space<vmem>>
        %dma_wait3A_354 = tpu.memref_squeeze %dma_wait3A_353 : memref<1x128xi32, #tpu.memory_space<vmem>> -> memref<128xi32, #tpu.memory_space<vmem>>
        %dma_wait3A_355 = arith.constant 0 : i32
        %dma_wait3A_356 = tpu.memref_slice %arg3[%scan3A, %dma_wait3A_355] : memref<2x327680xi32, #tpu.memory_space<hbm>> -> memref<1x327680xi32, #tpu.memory_space<hbm>>
        %dma_wait3A_357 = tpu.memref_squeeze %dma_wait3A_356 : memref<1x327680xi32, #tpu.memory_space<hbm>> -> memref<327680xi32, #tpu.memory_space<hbm>>
        %dma_wait3A_358 = tpu.memref_slice %dma_wait3A_357[%add3A_343] : memref<327680xi32, #tpu.memory_space<hbm>> -> memref<128xi32, #tpu.memory_space<hbm>>
        tpu.wait_dma2 semaphore(%arg13 : memref<!tpu.dma_semaphore, #tpu.memory_space<semaphore_mem>>) src(%dma_wait3A_358 : memref<128xi32, #tpu.memory_space<hbm>>) dst(%dma_wait3A_354 : memref<128xi32, #tpu.memory_space<vmem>>)
        %mul3A_359 = arith.constant 128 : i32
        %mul3A_360 = arith.muli %add3A_340, %mul3A_359 : i32
        %add3A_361 = arith.addi %mul3A_4, %mul3A_360 : i32
        %dma_wait3A_362 = arith.constant 1 : i32
        %dma_wait3A_363 = arith.constant 0 : i32
        %dma_wait3A_364 = tpu.memref_slice %arg6[%dma_wait3A_362, %dma_wait3A_363] : memref<2x128xi32, #tpu.memory_space<vmem>> -> memref<1x128xi32, #tpu.memory_space<vmem>>
        %dma_wait3A_365 = tpu.memref_squeeze %dma_wait3A_364 : memref<1x128xi32, #tpu.memory_space<vmem>> -> memref<128xi32, #tpu.memory_space<vmem>>
        %dma_wait3A_366 = arith.constant 0 : i32
        %dma_wait3A_367 = tpu.memref_slice %arg3[%scan3A_233, %dma_wait3A_366] : memref<2x327680xi32, #tpu.memory_space<hbm>> -> memref<1x327680xi32, #tpu.memory_space<hbm>>
        %dma_wait3A_368 = tpu.memref_squeeze %dma_wait3A_367 : memref<1x327680xi32, #tpu.memory_space<hbm>> -> memref<327680xi32, #tpu.memory_space<hbm>>
        %dma_wait3A_369 = tpu.memref_slice %dma_wait3A_368[%add3A_361] : memref<327680xi32, #tpu.memory_space<hbm>> -> memref<128xi32, #tpu.memory_space<hbm>>
        %dma_wait3A_370 = arith.constant 0 : i32
        %dma_wait3A_371 = tpu.memref_slice %arg6[%dma_wait3A_362, %dma_wait3A_370] : memref<2x128xi32, #tpu.memory_space<vmem>> -> memref<1x128xi32, #tpu.memory_space<vmem>>
        %dma_wait3A_372 = tpu.memref_squeeze %dma_wait3A_371 : memref<1x128xi32, #tpu.memory_space<vmem>> -> memref<128xi32, #tpu.memory_space<vmem>>
        %dma_wait3A_373 = arith.constant 0 : i32
        %dma_wait3A_374 = tpu.memref_slice %arg3[%scan3A_233, %dma_wait3A_373] : memref<2x327680xi32, #tpu.memory_space<hbm>> -> memref<1x327680xi32, #tpu.memory_space<hbm>>
        %dma_wait3A_375 = tpu.memref_squeeze %dma_wait3A_374 : memref<1x327680xi32, #tpu.memory_space<hbm>> -> memref<327680xi32, #tpu.memory_space<hbm>>
        %dma_wait3A_376 = tpu.memref_slice %dma_wait3A_375[%add3A_361] : memref<327680xi32, #tpu.memory_space<hbm>> -> memref<128xi32, #tpu.memory_space<hbm>>
        tpu.wait_dma2 semaphore(%arg13 : memref<!tpu.dma_semaphore, #tpu.memory_space<semaphore_mem>>) src(%dma_wait3A_376 : memref<128xi32, #tpu.memory_space<hbm>>) dst(%dma_wait3A_372 : memref<128xi32, #tpu.memory_space<vmem>>)
        %dma_start3A_377 = arith.constant 0 : i32
        %dma_start3A_378 = arith.constant 0 : i32
        %dma_start3A_379 = tpu.memref_slice %arg6[%dma_start3A_377, %dma_start3A_378] : memref<2x128xi32, #tpu.memory_space<vmem>> -> memref<1x128xi32, #tpu.memory_space<vmem>>
        %dma_start3A_380 = tpu.memref_squeeze %dma_start3A_379 : memref<1x128xi32, #tpu.memory_space<vmem>> -> memref<128xi32, #tpu.memory_space<vmem>>
        %dma_start3A_381 = arith.constant 0 : i32
        %dma_start3A_382 = arith.constant 0 : i32
        %dma_start3A_383 = tpu.memref_slice %arg2[%dma_start3A_381, %dma_start3A_382] : memref<10240x48xf32, #tpu.memory_space<hbm>> -> memref<10240x48xf32, #tpu.memory_space<hbm>>
        tpu.enqueue_indirect_dma source(%dma_start3A_383 : memref<10240x48xf32, #tpu.memory_space<hbm>>) target(%arg10 : memref<128x48xf32, #tpu.memory_space<vmem>>) offsets(%dma_start3A_380 : memref<128xi32, #tpu.memory_space<vmem>>) semaphore(%arg17 : memref<!tpu.dma_semaphore, #tpu.memory_space<semaphore_mem>>)
      } else {
      }
    }
    %scan3A_238 = arith.constant 20 : i32
    %barrier3A_239 = arith.constant 0 : index
    tpu.barrier barrier_id(%barrier3A_239)
    "tpu.region"() ({
      %run_scoped3A = tpu.sem_alloc : memref<!tpu.dma_semaphore, #tpu.memory_space<semaphore_mem>>
      %dma_start3A_240 = arith.constant 0 : i32
      %dma_start3A_241 = tpu.memref_slice %arg4[%arg0, %mul3A_2, %dma_start3A_240] : memref<2x10240x48xf32, #tpu.memory_space<hbm>> -> memref<1x640x48xf32, #tpu.memory_space<hbm>>
      %dma_start3A_242 = tpu.memref_squeeze %dma_start3A_241 : memref<1x640x48xf32, #tpu.memory_space<hbm>> -> memref<640x48xf32, #tpu.memory_space<hbm>>
      %dma_start3A_243 = arith.constant 0 : i32
      %dma_start3A_244 = tpu.memref_slice %arg11[%mul3A_2, %dma_start3A_243] : memref<10240x48xf32, #tpu.memory_space<vmem_shared>> -> memref<640x48xf32, #tpu.memory_space<vmem_shared>>
      tpu.enqueue_dma source(%dma_start3A_244 : memref<640x48xf32, #tpu.memory_space<vmem_shared>>) target(%dma_start3A_242 : memref<640x48xf32, #tpu.memory_space<hbm>>) target_semaphore(%run_scoped3A : memref<!tpu.dma_semaphore, #tpu.memory_space<semaphore_mem>>)
      %dma_wait3A_245 = arith.constant 0 : i32
      %dma_wait3A_246 = tpu.memref_slice %arg4[%arg0, %mul3A_2, %dma_wait3A_245] : memref<2x10240x48xf32, #tpu.memory_space<hbm>> -> memref<1x640x48xf32, #tpu.memory_space<hbm>>
      %dma_wait3A_247 = tpu.memref_squeeze %dma_wait3A_246 : memref<1x640x48xf32, #tpu.memory_space<hbm>> -> memref<640x48xf32, #tpu.memory_space<hbm>>
      %dma_wait3A_248 = arith.constant 0 : i32
      %dma_wait3A_249 = tpu.memref_slice %arg11[%mul3A_2, %dma_wait3A_248] : memref<10240x48xf32, #tpu.memory_space<vmem_shared>> -> memref<640x48xf32, #tpu.memory_space<vmem_shared>>
      tpu.wait_dma2 semaphore(%run_scoped3A : memref<!tpu.dma_semaphore, #tpu.memory_space<semaphore_mem>>) src(%dma_wait3A_249 : memref<640x48xf32, #tpu.memory_space<vmem_shared>>) dst(%dma_wait3A_247 : memref<640x48xf32, #tpu.memory_space<hbm>>)
      tpu.yield
    }) : () -> ()
    return
  }
}

#map = affine_map<(d0, d1) -> (0, 0, 0)>
#map1 = affine_map<(d0, d1) -> (0, 0)>
module attributes {stable_mosaic.version = 14 : i64} {
  func.func @deg(%arg0: i32, %arg1: i32, %arg2: memref<32x80x128xi32, #tpu.memory_space<hbm>>, %arg3: memref<2x10240xf32, #tpu.memory_space<hbm>>, %arg4: memref<80x128xi32, #tpu.memory_space<vmem>>, %arg5: memref<128xf32, #tpu.memory_space<vmem>>, %arg6: memref<640xf32, #tpu.memory_space<vmem>>, %arg7: memref<10240xf32, #tpu.memory_space<vmem_shared>>) attributes {dimension_semantics = [#tpu.dimension_semantics<core_parallel>, #tpu.dimension_semantics<subcore_parallel>], iteration_bounds = array<i64: 2, 16>, scalar_prefetch = 0 : i64, scratch_operands = 4 : i64, tpu.core_type = #tpu.core_type<sc_vector_subcore>, window_params = [{transform_indices = #map}, {transform_indices = #map1}]} {
    %mul3A = arith.constant 2 : i32
    %mul3A_0 = arith.muli %arg1, %mul3A : i32
    %add3A = arith.addi %mul3A_0, %arg0 : i32
    %mul3A_1 = arith.constant 640 : i32
    %mul3A_2 = arith.muli %arg1, %mul3A_1 : i32
    %scan3A = arith.constant 0 : i32
    %scan3A_3 = arith.constant 40 : i32
    %scan3A_4 = arith.addi %scan3A, %scan3A_3 : i32
    %scan3A_5 = arith.constant 1 : i32
    scf.for %scan3A_18 = %scan3A to %scan3A_4 step %scan3A_5  : i32 {
      %mul3A_19 = arith.constant 1 : i32
      %mul3A_20 = arith.muli %scan3A_18, %mul3A_19 : i32
      %add3A_21 = arith.constant 0 : i32
      %add3A_22 = arith.addi %add3A_21, %mul3A_20 : i32
      %broadcast_in_dim3A = arith.constant 0.000000e+00 : f32
      %broadcast_in_dim3A_23 = vector.broadcast %broadcast_in_dim3A : f32 to vector<16xf32>
      %mul3A_24 = arith.constant 16 : i32
      %mul3A_25 = arith.muli %add3A_22, %mul3A_24 : i32
      %swap3A = arith.index_cast %mul3A_25 : i32 to index
      %swap3A_26 = tpu.vector_load %arg6[%swap3A] {strides = array<i32>} : memref<640xf32, #tpu.memory_space<vmem>>, vector<16xf32>,
      %swap3A_27 = vector.shape_cast %swap3A_26 : vector<16xf32> to vector<16xf32>
      %swap3A_28 = vector.shape_cast %broadcast_in_dim3A_23 : vector<16xf32> to vector<16xf32>
      tpu.vector_store %arg6[%swap3A], %swap3A_28 {strides = array<i32>} : memref<640xf32, #tpu.memory_space<vmem>>, vector<16xf32>,
    }
    %scan3A_6 = arith.constant 40 : i32
    %scan3A_7 = arith.constant 0 : i32
    %scan3A_8 = arith.constant 8 : i32
    %scan3A_9 = arith.addi %scan3A_7, %scan3A_8 : i32
    %scan3A_10 = arith.constant 1 : i32
    scf.for %scan3A_18 = %scan3A_7 to %scan3A_9 step %scan3A_10  : i32 {
      %mul3A_19 = arith.constant 1 : i32
      %mul3A_20 = arith.muli %scan3A_18, %mul3A_19 : i32
      %add3A_21 = arith.constant 0 : i32
      %add3A_22 = arith.addi %add3A_21, %mul3A_20 : i32
      %broadcast_in_dim3A = arith.constant 1.000000e+00 : f32
      %broadcast_in_dim3A_23 = vector.broadcast %broadcast_in_dim3A : f32 to vector<16xf32>
      %mul3A_24 = arith.constant 16 : i32
      %mul3A_25 = arith.muli %add3A_22, %mul3A_24 : i32
      %swap3A = arith.index_cast %mul3A_25 : i32 to index
      %swap3A_26 = tpu.vector_load %arg5[%swap3A] {strides = array<i32>} : memref<128xf32, #tpu.memory_space<vmem>>, vector<16xf32>,
      %swap3A_27 = vector.shape_cast %swap3A_26 : vector<16xf32> to vector<16xf32>
      %swap3A_28 = vector.shape_cast %broadcast_in_dim3A_23 : vector<16xf32> to vector<16xf32>
      tpu.vector_store %arg5[%swap3A], %swap3A_28 {strides = array<i32>} : memref<128xf32, #tpu.memory_space<vmem>>, vector<16xf32>,
    }
    %scan3A_11 = arith.constant 8 : i32
    "tpu.region"() ({
      %run_scoped3A = tpu.sem_alloc : memref<!tpu.dma_semaphore, #tpu.memory_space<semaphore_mem>>
      %dma_start3A = arith.constant 0 : i32
      %dma_start3A_18 = arith.constant 0 : i32
      %dma_start3A_19 = tpu.memref_slice %arg2[%add3A, %dma_start3A, %dma_start3A_18] : memref<32x80x128xi32, #tpu.memory_space<hbm>> -> memref<1x80x128xi32, #tpu.memory_space<hbm>>
      %dma_start3A_20 = tpu.memref_squeeze %dma_start3A_19 : memref<1x80x128xi32, #tpu.memory_space<hbm>> -> memref<80x128xi32, #tpu.memory_space<hbm>>
      %dma_start3A_21 = arith.constant 0 : i32
      %dma_start3A_22 = arith.constant 0 : i32
      %dma_start3A_23 = tpu.memref_slice %arg2[%add3A, %dma_start3A_21, %dma_start3A_22] : memref<32x80x128xi32, #tpu.memory_space<hbm>> -> memref<1x80x128xi32, #tpu.memory_space<hbm>>
      %dma_start3A_24 = tpu.memref_squeeze %dma_start3A_23 : memref<1x80x128xi32, #tpu.memory_space<hbm>> -> memref<80x128xi32, #tpu.memory_space<hbm>>
      tpu.enqueue_dma source(%dma_start3A_24 : memref<80x128xi32, #tpu.memory_space<hbm>>) target(%arg4 : memref<80x128xi32, #tpu.memory_space<vmem>>) target_semaphore(%run_scoped3A : memref<!tpu.dma_semaphore, #tpu.memory_space<semaphore_mem>>)
      %dma_wait3A = arith.constant 0 : i32
      %dma_wait3A_25 = arith.constant 0 : i32
      %dma_wait3A_26 = tpu.memref_slice %arg2[%add3A, %dma_wait3A, %dma_wait3A_25] : memref<32x80x128xi32, #tpu.memory_space<hbm>> -> memref<1x80x128xi32, #tpu.memory_space<hbm>>
      %dma_wait3A_27 = tpu.memref_squeeze %dma_wait3A_26 : memref<1x80x128xi32, #tpu.memory_space<hbm>> -> memref<80x128xi32, #tpu.memory_space<hbm>>
      %dma_wait3A_28 = arith.constant 0 : i32
      %dma_wait3A_29 = arith.constant 0 : i32
      %dma_wait3A_30 = tpu.memref_slice %arg2[%add3A, %dma_wait3A_28, %dma_wait3A_29] : memref<32x80x128xi32, #tpu.memory_space<hbm>> -> memref<1x80x128xi32, #tpu.memory_space<hbm>>
      %dma_wait3A_31 = tpu.memref_squeeze %dma_wait3A_30 : memref<1x80x128xi32, #tpu.memory_space<hbm>> -> memref<80x128xi32, #tpu.memory_space<hbm>>
      tpu.wait_dma2 semaphore(%run_scoped3A : memref<!tpu.dma_semaphore, #tpu.memory_space<semaphore_mem>>) src(%dma_wait3A_31 : memref<80x128xi32, #tpu.memory_space<hbm>>) dst(%arg4 : memref<80x128xi32, #tpu.memory_space<vmem>>)
      tpu.yield
    }) : () -> ()
    "tpu.region"() ({
      %run_scoped3A = tpu.sem_alloc : memref<!tpu.dma_semaphore, #tpu.memory_space<semaphore_mem>>
      %dma_start3A = tpu.memref_slice %arg7[%mul3A_2] : memref<10240xf32, #tpu.memory_space<vmem_shared>> -> memref<640xf32, #tpu.memory_space<vmem_shared>>
      %dma_start3A_18 = tpu.memref_slice %arg7[%mul3A_2] : memref<10240xf32, #tpu.memory_space<vmem_shared>> -> memref<640xf32, #tpu.memory_space<vmem_shared>>
      tpu.enqueue_dma source(%arg6 : memref<640xf32, #tpu.memory_space<vmem>>) target(%dma_start3A_18 : memref<640xf32, #tpu.memory_space<vmem_shared>>) target_semaphore(%run_scoped3A : memref<!tpu.dma_semaphore, #tpu.memory_space<semaphore_mem>>)
      %dma_wait3A = tpu.memref_slice %arg7[%mul3A_2] : memref<10240xf32, #tpu.memory_space<vmem_shared>> -> memref<640xf32, #tpu.memory_space<vmem_shared>>
      %dma_wait3A_19 = tpu.memref_slice %arg7[%mul3A_2] : memref<10240xf32, #tpu.memory_space<vmem_shared>> -> memref<640xf32, #tpu.memory_space<vmem_shared>>
      tpu.wait_dma2 semaphore(%run_scoped3A : memref<!tpu.dma_semaphore, #tpu.memory_space<semaphore_mem>>) src(%arg6 : memref<640xf32, #tpu.memory_space<vmem>>) dst(%dma_wait3A_19 : memref<640xf32, #tpu.memory_space<vmem_shared>>)
      tpu.yield
    }) : () -> ()
    %barrier3A = arith.constant 0 : index
    tpu.barrier barrier_id(%barrier3A)
    %scan3A_12 = arith.constant 0 : i32
    %scan3A_13 = arith.constant 80 : i32
    %scan3A_14 = arith.addi %scan3A_12, %scan3A_13 : i32
    %scan3A_15 = arith.constant 1 : i32
    scf.for %scan3A_18 = %scan3A_12 to %scan3A_14 step %scan3A_15  : i32 {
      %mul3A_19 = arith.constant 1 : i32
      %mul3A_20 = arith.muli %scan3A_18, %mul3A_19 : i32
      %add3A_21 = arith.constant 0 : i32
      %add3A_22 = arith.addi %add3A_21, %mul3A_20 : i32
      "tpu.region"() ({
        %run_scoped3A = tpu.sem_alloc : memref<!tpu.dma_semaphore, #tpu.memory_space<semaphore_mem>>
        %dma_start3A = arith.constant 0 : i32
        %dma_start3A_23 = tpu.memref_slice %arg4[%add3A_22, %dma_start3A] : memref<80x128xi32, #tpu.memory_space<vmem>> -> memref<1x128xi32, #tpu.memory_space<vmem>>
        %dma_start3A_24 = tpu.memref_squeeze %dma_start3A_23 : memref<1x128xi32, #tpu.memory_space<vmem>> -> memref<128xi32, #tpu.memory_space<vmem>>
        %dma_start3A_25 = arith.constant 0 : i32
        %dma_start3A_26 = tpu.memref_slice %arg7[%dma_start3A_25] : memref<10240xf32, #tpu.memory_space<vmem_shared>> -> memref<10240xf32, #tpu.memory_space<vmem_shared>>
        tpu.enqueue_indirect_dma source(%arg5 : memref<128xf32, #tpu.memory_space<vmem>>) target(%dma_start3A_26 : memref<10240xf32, #tpu.memory_space<vmem_shared>>) offsets(%dma_start3A_24 : memref<128xi32, #tpu.memory_space<vmem>>) semaphore(%run_scoped3A : memref<!tpu.dma_semaphore, #tpu.memory_space<semaphore_mem>>) {add = true}
        %dma_wait3A = arith.constant 0 : i32
        %dma_wait3A_27 = tpu.memref_slice %arg4[%add3A_22, %dma_wait3A] : memref<80x128xi32, #tpu.memory_space<vmem>> -> memref<1x128xi32, #tpu.memory_space<vmem>>
        %dma_wait3A_28 = tpu.memref_squeeze %dma_wait3A_27 : memref<1x128xi32, #tpu.memory_space<vmem>> -> memref<128xi32, #tpu.memory_space<vmem>>
        %dma_wait3A_29 = arith.constant 0 : i32
        %dma_wait3A_30 = tpu.memref_slice %arg7[%dma_wait3A_29] : memref<10240xf32, #tpu.memory_space<vmem_shared>> -> memref<10240xf32, #tpu.memory_space<vmem_shared>>
        tpu.wait_indirect_dma semaphore(%run_scoped3A : memref<!tpu.dma_semaphore, #tpu.memory_space<semaphore_mem>>) src(%arg5 : memref<128xf32, #tpu.memory_space<vmem>>) dst(%dma_wait3A_30 : memref<10240xf32, #tpu.memory_space<vmem_shared>>)
        tpu.yield
      }) : () -> ()
    }
    %scan3A_16 = arith.constant 80 : i32
    %barrier3A_17 = arith.constant 0 : index
    tpu.barrier barrier_id(%barrier3A_17)
    "tpu.region"() ({
      %run_scoped3A = tpu.sem_alloc : memref<!tpu.dma_semaphore, #tpu.memory_space<semaphore_mem>>
      %dma_start3A = tpu.memref_slice %arg3[%arg0, %mul3A_2] : memref<2x10240xf32, #tpu.memory_space<hbm>> -> memref<1x640xf32, #tpu.memory_space<hbm>>
      %dma_start3A_18 = tpu.memref_squeeze %dma_start3A : memref<1x640xf32, #tpu.memory_space<hbm>> -> memref<640xf32, #tpu.memory_space<hbm>>
      %dma_start3A_19 = tpu.memref_slice %arg7[%mul3A_2] : memref<10240xf32, #tpu.memory_space<vmem_shared>> -> memref<640xf32, #tpu.memory_space<vmem_shared>>
      tpu.enqueue_dma source(%dma_start3A_19 : memref<640xf32, #tpu.memory_space<vmem_shared>>) target(%dma_start3A_18 : memref<640xf32, #tpu.memory_space<hbm>>) target_semaphore(%run_scoped3A : memref<!tpu.dma_semaphore, #tpu.memory_space<semaphore_mem>>)
      %dma_wait3A = tpu.memref_slice %arg3[%arg0, %mul3A_2] : memref<2x10240xf32, #tpu.memory_space<hbm>> -> memref<1x640xf32, #tpu.memory_space<hbm>>
      %dma_wait3A_20 = tpu.memref_squeeze %dma_wait3A : memref<1x640xf32, #tpu.memory_space<hbm>> -> memref<640xf32, #tpu.memory_space<hbm>>
      %dma_wait3A_21 = tpu.memref_slice %arg7[%mul3A_2] : memref<10240xf32, #tpu.memory_space<vmem_shared>> -> memref<640xf32, #tpu.memory_space<vmem_shared>>
      tpu.wait_dma2 semaphore(%run_scoped3A : memref<!tpu.dma_semaphore, #tpu.memory_space<semaphore_mem>>) src(%dma_wait3A_21 : memref<640xf32, #tpu.memory_space<vmem_shared>>) dst(%dma_wait3A_20 : memref<640xf32, #tpu.memory_space<hbm>>)
      tpu.yield
    }) : () -> ()
    return
  }
}

#map = affine_map<(d0, d1) -> (0, 0)>
#map1 = affine_map<(d0, d1) -> (0, 0, 0)>
module attributes {stable_mosaic.version = 14 : i64} {
  func.func @agg(%arg0: i32, %arg1: i32, %arg2: memref<10240x128xf32, #tpu.memory_space<hbm>>, %arg3: memref<2x327680xi32, #tpu.memory_space<hbm>>, %arg4: memref<2x10240x128xf32, #tpu.memory_space<hbm>>, %arg5: memref<2x128xi32, #tpu.memory_space<vmem>>, %arg6: memref<2x128xi32, #tpu.memory_space<vmem>>, %arg7: memref<2x128xi32, #tpu.memory_space<vmem>>, %arg8: memref<2x128xi32, #tpu.memory_space<vmem>>, %arg9: memref<128x128xf32, #tpu.memory_space<vmem>>, %arg10: memref<128x128xf32, #tpu.memory_space<vmem>>, %arg11: memref<10240x128xf32, #tpu.memory_space<vmem_shared>>, %arg12: memref<!tpu.dma_semaphore, #tpu.memory_space<semaphore_mem>>, %arg13: memref<!tpu.dma_semaphore, #tpu.memory_space<semaphore_mem>>, %arg14: memref<!tpu.dma_semaphore, #tpu.memory_space<semaphore_mem>>, %arg15: memref<!tpu.dma_semaphore, #tpu.memory_space<semaphore_mem>>, %arg16: memref<!tpu.dma_semaphore, #tpu.memory_space<semaphore_mem>>, %arg17: memref<!tpu.dma_semaphore, #tpu.memory_space<semaphore_mem>>) attributes {dimension_semantics = [#tpu.dimension_semantics<core_parallel>, #tpu.dimension_semantics<subcore_parallel>], iteration_bounds = array<i64: 2, 16>, scalar_prefetch = 0 : i64, scratch_operands = 13 : i64, tpu.core_type = #tpu.core_type<sc_vector_subcore>, window_params = [{transform_indices = #map}, {transform_indices = #map}, {transform_indices = #map1}]} {
    %mul3A = arith.constant 2 : i32
    %mul3A_0 = arith.muli %arg1, %mul3A : i32
    %add3A = arith.addi %mul3A_0, %arg0 : i32
    %mul3A_1 = arith.constant 640 : i32
    %mul3A_2 = arith.muli %arg1, %mul3A_1 : i32
    "tpu.region"() ({
      %run_scoped3A = tpu.sem_alloc : memref<!tpu.dma_semaphore, #tpu.memory_space<semaphore_mem>>
      %dma_start3A_240 = arith.constant 0 : i32
      %dma_start3A_241 = tpu.memref_slice %arg11[%mul3A_2, %dma_start3A_240] : memref<10240x128xf32, #tpu.memory_space<vmem_shared>> -> memref<640x128xf32, #tpu.memory_space<vmem_shared>>
      %dma_start3A_242 = arith.constant 0 : i32
      %dma_start3A_243 = tpu.memref_slice %arg2[%mul3A_2, %dma_start3A_242] : memref<10240x128xf32, #tpu.memory_space<hbm>> -> memref<640x128xf32, #tpu.memory_space<hbm>>
      tpu.enqueue_dma source(%dma_start3A_243 : memref<640x128xf32, #tpu.memory_space<hbm>>) target(%dma_start3A_241 : memref<640x128xf32, #tpu.memory_space<vmem_shared>>) target_semaphore(%run_scoped3A : memref<!tpu.dma_semaphore, #tpu.memory_space<semaphore_mem>>)
      %dma_wait3A_244 = arith.constant 0 : i32
      %dma_wait3A_245 = tpu.memref_slice %arg11[%mul3A_2, %dma_wait3A_244] : memref<10240x128xf32, #tpu.memory_space<vmem_shared>> -> memref<640x128xf32, #tpu.memory_space<vmem_shared>>
      %dma_wait3A_246 = arith.constant 0 : i32
      %dma_wait3A_247 = tpu.memref_slice %arg2[%mul3A_2, %dma_wait3A_246] : memref<10240x128xf32, #tpu.memory_space<hbm>> -> memref<640x128xf32, #tpu.memory_space<hbm>>
      tpu.wait_dma2 semaphore(%run_scoped3A : memref<!tpu.dma_semaphore, #tpu.memory_space<semaphore_mem>>) src(%dma_wait3A_247 : memref<640x128xf32, #tpu.memory_space<hbm>>) dst(%dma_wait3A_245 : memref<640x128xf32, #tpu.memory_space<vmem_shared>>)
      tpu.yield
    }) : () -> ()
    %barrier3A = arith.constant 0 : index
    tpu.barrier barrier_id(%barrier3A)
    %mul3A_3 = arith.constant 10240 : i32
    %mul3A_4 = arith.muli %add3A, %mul3A_3 : i32
    %add3A_5 = arith.constant 0 : i32
    %add3A_6 = arith.addi %mul3A_4, %add3A_5 : i32
    %dma_start3A = arith.constant 0 : i32
    %dma_start3A_7 = arith.constant 0 : i32
    %dma_start3A_8 = arith.constant 0 : i32
    %dma_start3A_9 = tpu.memref_slice %arg5[%dma_start3A_7, %dma_start3A_8] : memref<2x128xi32, #tpu.memory_space<vmem>> -> memref<1x128xi32, #tpu.memory_space<vmem>>
    %dma_start3A_10 = tpu.memref_squeeze %dma_start3A_9 : memref<1x128xi32, #tpu.memory_space<vmem>> -> memref<128xi32, #tpu.memory_space<vmem>>
    %dma_start3A_11 = arith.constant 0 : i32
    %dma_start3A_12 = tpu.memref_slice %arg3[%dma_start3A, %dma_start3A_11] : memref<2x327680xi32, #tpu.memory_space<hbm>> -> memref<1x327680xi32, #tpu.memory_space<hbm>>
    %dma_start3A_13 = tpu.memref_squeeze %dma_start3A_12 : memref<1x327680xi32, #tpu.memory_space<hbm>> -> memref<327680xi32, #tpu.memory_space<hbm>>
    %dma_start3A_14 = tpu.memref_slice %dma_start3A_13[%add3A_6] : memref<327680xi32, #tpu.memory_space<hbm>> -> memref<128xi32, #tpu.memory_space<hbm>>
    %dma_start3A_15 = arith.constant 0 : i32
    %dma_start3A_16 = tpu.memref_slice %arg5[%dma_start3A_7, %dma_start3A_15] : memref<2x128xi32, #tpu.memory_space<vmem>> -> memref<1x128xi32, #tpu.memory_space<vmem>>
    %dma_start3A_17 = tpu.memref_squeeze %dma_start3A_16 : memref<1x128xi32, #tpu.memory_space<vmem>> -> memref<128xi32, #tpu.memory_space<vmem>>
    %dma_start3A_18 = arith.constant 0 : i32
    %dma_start3A_19 = tpu.memref_slice %arg3[%dma_start3A, %dma_start3A_18] : memref<2x327680xi32, #tpu.memory_space<hbm>> -> memref<1x327680xi32, #tpu.memory_space<hbm>>
    %dma_start3A_20 = tpu.memref_squeeze %dma_start3A_19 : memref<1x327680xi32, #tpu.memory_space<hbm>> -> memref<327680xi32, #tpu.memory_space<hbm>>
    %dma_start3A_21 = tpu.memref_slice %dma_start3A_20[%add3A_6] : memref<327680xi32, #tpu.memory_space<hbm>> -> memref<128xi32, #tpu.memory_space<hbm>>
    tpu.enqueue_dma source(%dma_start3A_21 : memref<128xi32, #tpu.memory_space<hbm>>) target(%dma_start3A_17 : memref<128xi32, #tpu.memory_space<vmem>>) target_semaphore(%arg12 : memref<!tpu.dma_semaphore, #tpu.memory_space<semaphore_mem>>)
    %add3A_22 = arith.constant 0 : i32
    %add3A_23 = arith.addi %mul3A_4, %add3A_22 : i32
    %dma_start3A_24 = arith.constant 1 : i32
    %dma_start3A_25 = arith.constant 1 : i32
    %dma_start3A_26 = arith.constant 0 : i32
    %dma_start3A_27 = tpu.memref_slice %arg5[%dma_start3A_25, %dma_start3A_26] : memref<2x128xi32, #tpu.memory_space<vmem>> -> memref<1x128xi32, #tpu.memory_space<vmem>>
    %dma_start3A_28 = tpu.memref_squeeze %dma_start3A_27 : memref<1x128xi32, #tpu.memory_space<vmem>> -> memref<128xi32, #tpu.memory_space<vmem>>
    %dma_start3A_29 = arith.constant 0 : i32
    %dma_start3A_30 = tpu.memref_slice %arg3[%dma_start3A_24, %dma_start3A_29] : memref<2x327680xi32, #tpu.memory_space<hbm>> -> memref<1x327680xi32, #tpu.memory_space<hbm>>
    %dma_start3A_31 = tpu.memref_squeeze %dma_start3A_30 : memref<1x327680xi32, #tpu.memory_space<hbm>> -> memref<327680xi32, #tpu.memory_space<hbm>>
    %dma_start3A_32 = tpu.memref_slice %dma_start3A_31[%add3A_23] : memref<327680xi32, #tpu.memory_space<hbm>> -> memref<128xi32, #tpu.memory_space<hbm>>
    %dma_start3A_33 = arith.constant 0 : i32
    %dma_start3A_34 = tpu.memref_slice %arg5[%dma_start3A_25, %dma_start3A_33] : memref<2x128xi32, #tpu.memory_space<vmem>> -> memref<1x128xi32, #tpu.memory_space<vmem>>
    %dma_start3A_35 = tpu.memref_squeeze %dma_start3A_34 : memref<1x128xi32, #tpu.memory_space<vmem>> -> memref<128xi32, #tpu.memory_space<vmem>>
    %dma_start3A_36 = arith.constant 0 : i32
    %dma_start3A_37 = tpu.memref_slice %arg3[%dma_start3A_24, %dma_start3A_36] : memref<2x327680xi32, #tpu.memory_space<hbm>> -> memref<1x327680xi32, #tpu.memory_space<hbm>>
    %dma_start3A_38 = tpu.memref_squeeze %dma_start3A_37 : memref<1x327680xi32, #tpu.memory_space<hbm>> -> memref<327680xi32, #tpu.memory_space<hbm>>
    %dma_start3A_39 = tpu.memref_slice %dma_start3A_38[%add3A_23] : memref<327680xi32, #tpu.memory_space<hbm>> -> memref<128xi32, #tpu.memory_space<hbm>>
    tpu.enqueue_dma source(%dma_start3A_39 : memref<128xi32, #tpu.memory_space<hbm>>) target(%dma_start3A_35 : memref<128xi32, #tpu.memory_space<vmem>>) target_semaphore(%arg12 : memref<!tpu.dma_semaphore, #tpu.memory_space<semaphore_mem>>)
    %add3A_40 = arith.constant 128 : i32
    %add3A_41 = arith.addi %mul3A_4, %add3A_40 : i32
    %dma_start3A_42 = arith.constant 0 : i32
    %dma_start3A_43 = arith.constant 0 : i32
    %dma_start3A_44 = arith.constant 0 : i32
    %dma_start3A_45 = tpu.memref_slice %arg6[%dma_start3A_43, %dma_start3A_44] : memref<2x128xi32, #tpu.memory_space<vmem>> -> memref<1x128xi32, #tpu.memory_space<vmem>>
    %dma_start3A_46 = tpu.memref_squeeze %dma_start3A_45 : memref<1x128xi32, #tpu.memory_space<vmem>> -> memref<128xi32, #tpu.memory_space<vmem>>
    %dma_start3A_47 = arith.constant 0 : i32
    %dma_start3A_48 = tpu.memref_slice %arg3[%dma_start3A_42, %dma_start3A_47] : memref<2x327680xi32, #tpu.memory_space<hbm>> -> memref<1x327680xi32, #tpu.memory_space<hbm>>
    %dma_start3A_49 = tpu.memref_squeeze %dma_start3A_48 : memref<1x327680xi32, #tpu.memory_space<hbm>> -> memref<327680xi32, #tpu.memory_space<hbm>>
    %dma_start3A_50 = tpu.memref_slice %dma_start3A_49[%add3A_41] : memref<327680xi32, #tpu.memory_space<hbm>> -> memref<128xi32, #tpu.memory_space<hbm>>
    %dma_start3A_51 = arith.constant 0 : i32
    %dma_start3A_52 = tpu.memref_slice %arg6[%dma_start3A_43, %dma_start3A_51] : memref<2x128xi32, #tpu.memory_space<vmem>> -> memref<1x128xi32, #tpu.memory_space<vmem>>
    %dma_start3A_53 = tpu.memref_squeeze %dma_start3A_52 : memref<1x128xi32, #tpu.memory_space<vmem>> -> memref<128xi32, #tpu.memory_space<vmem>>
    %dma_start3A_54 = arith.constant 0 : i32
    %dma_start3A_55 = tpu.memref_slice %arg3[%dma_start3A_42, %dma_start3A_54] : memref<2x327680xi32, #tpu.memory_space<hbm>> -> memref<1x327680xi32, #tpu.memory_space<hbm>>
    %dma_start3A_56 = tpu.memref_squeeze %dma_start3A_55 : memref<1x327680xi32, #tpu.memory_space<hbm>> -> memref<327680xi32, #tpu.memory_space<hbm>>
    %dma_start3A_57 = tpu.memref_slice %dma_start3A_56[%add3A_41] : memref<327680xi32, #tpu.memory_space<hbm>> -> memref<128xi32, #tpu.memory_space<hbm>>
    tpu.enqueue_dma source(%dma_start3A_57 : memref<128xi32, #tpu.memory_space<hbm>>) target(%dma_start3A_53 : memref<128xi32, #tpu.memory_space<vmem>>) target_semaphore(%arg13 : memref<!tpu.dma_semaphore, #tpu.memory_space<semaphore_mem>>)
    %add3A_58 = arith.constant 128 : i32
    %add3A_59 = arith.addi %mul3A_4, %add3A_58 : i32
    %dma_start3A_60 = arith.constant 1 : i32
    %dma_start3A_61 = arith.constant 1 : i32
    %dma_start3A_62 = arith.constant 0 : i32
    %dma_start3A_63 = tpu.memref_slice %arg6[%dma_start3A_61, %dma_start3A_62] : memref<2x128xi32, #tpu.memory_space<vmem>> -> memref<1x128xi32, #tpu.memory_space<vmem>>
    %dma_start3A_64 = tpu.memref_squeeze %dma_start3A_63 : memref<1x128xi32, #tpu.memory_space<vmem>> -> memref<128xi32, #tpu.memory_space<vmem>>
    %dma_start3A_65 = arith.constant 0 : i32
    %dma_start3A_66 = tpu.memref_slice %arg3[%dma_start3A_60, %dma_start3A_65] : memref<2x327680xi32, #tpu.memory_space<hbm>> -> memref<1x327680xi32, #tpu.memory_space<hbm>>
    %dma_start3A_67 = tpu.memref_squeeze %dma_start3A_66 : memref<1x327680xi32, #tpu.memory_space<hbm>> -> memref<327680xi32, #tpu.memory_space<hbm>>
    %dma_start3A_68 = tpu.memref_slice %dma_start3A_67[%add3A_59] : memref<327680xi32, #tpu.memory_space<hbm>> -> memref<128xi32, #tpu.memory_space<hbm>>
    %dma_start3A_69 = arith.constant 0 : i32
    %dma_start3A_70 = tpu.memref_slice %arg6[%dma_start3A_61, %dma_start3A_69] : memref<2x128xi32, #tpu.memory_space<vmem>> -> memref<1x128xi32, #tpu.memory_space<vmem>>
    %dma_start3A_71 = tpu.memref_squeeze %dma_start3A_70 : memref<1x128xi32, #tpu.memory_space<vmem>> -> memref<128xi32, #tpu.memory_space<vmem>>
    %dma_start3A_72 = arith.constant 0 : i32
    %dma_start3A_73 = tpu.memref_slice %arg3[%dma_start3A_60, %dma_start3A_72] : memref<2x327680xi32, #tpu.memory_space<hbm>> -> memref<1x327680xi32, #tpu.memory_space<hbm>>
    %dma_start3A_74 = tpu.memref_squeeze %dma_start3A_73 : memref<1x327680xi32, #tpu.memory_space<hbm>> -> memref<327680xi32, #tpu.memory_space<hbm>>
    %dma_start3A_75 = tpu.memref_slice %dma_start3A_74[%add3A_59] : memref<327680xi32, #tpu.memory_space<hbm>> -> memref<128xi32, #tpu.memory_space<hbm>>
    tpu.enqueue_dma source(%dma_start3A_75 : memref<128xi32, #tpu.memory_space<hbm>>) target(%dma_start3A_71 : memref<128xi32, #tpu.memory_space<vmem>>) target_semaphore(%arg13 : memref<!tpu.dma_semaphore, #tpu.memory_space<semaphore_mem>>)
    %add3A_76 = arith.constant 256 : i32
    %add3A_77 = arith.addi %mul3A_4, %add3A_76 : i32
    %dma_start3A_78 = arith.constant 0 : i32
    %dma_start3A_79 = arith.constant 0 : i32
    %dma_start3A_80 = arith.constant 0 : i32
    %dma_start3A_81 = tpu.memref_slice %arg7[%dma_start3A_79, %dma_start3A_80] : memref<2x128xi32, #tpu.memory_space<vmem>> -> memref<1x128xi32, #tpu.memory_space<vmem>>
    %dma_start3A_82 = tpu.memref_squeeze %dma_start3A_81 : memref<1x128xi32, #tpu.memory_space<vmem>> -> memref<128xi32, #tpu.memory_space<vmem>>
    %dma_start3A_83 = arith.constant 0 : i32
    %dma_start3A_84 = tpu.memref_slice %arg3[%dma_start3A_78, %dma_start3A_83] : memref<2x327680xi32, #tpu.memory_space<hbm>> -> memref<1x327680xi32, #tpu.memory_space<hbm>>
    %dma_start3A_85 = tpu.memref_squeeze %dma_start3A_84 : memref<1x327680xi32, #tpu.memory_space<hbm>> -> memref<327680xi32, #tpu.memory_space<hbm>>
    %dma_start3A_86 = tpu.memref_slice %dma_start3A_85[%add3A_77] : memref<327680xi32, #tpu.memory_space<hbm>> -> memref<128xi32, #tpu.memory_space<hbm>>
    %dma_start3A_87 = arith.constant 0 : i32
    %dma_start3A_88 = tpu.memref_slice %arg7[%dma_start3A_79, %dma_start3A_87] : memref<2x128xi32, #tpu.memory_space<vmem>> -> memref<1x128xi32, #tpu.memory_space<vmem>>
    %dma_start3A_89 = tpu.memref_squeeze %dma_start3A_88 : memref<1x128xi32, #tpu.memory_space<vmem>> -> memref<128xi32, #tpu.memory_space<vmem>>
    %dma_start3A_90 = arith.constant 0 : i32
    %dma_start3A_91 = tpu.memref_slice %arg3[%dma_start3A_78, %dma_start3A_90] : memref<2x327680xi32, #tpu.memory_space<hbm>> -> memref<1x327680xi32, #tpu.memory_space<hbm>>
    %dma_start3A_92 = tpu.memref_squeeze %dma_start3A_91 : memref<1x327680xi32, #tpu.memory_space<hbm>> -> memref<327680xi32, #tpu.memory_space<hbm>>
    %dma_start3A_93 = tpu.memref_slice %dma_start3A_92[%add3A_77] : memref<327680xi32, #tpu.memory_space<hbm>> -> memref<128xi32, #tpu.memory_space<hbm>>
    tpu.enqueue_dma source(%dma_start3A_93 : memref<128xi32, #tpu.memory_space<hbm>>) target(%dma_start3A_89 : memref<128xi32, #tpu.memory_space<vmem>>) target_semaphore(%arg14 : memref<!tpu.dma_semaphore, #tpu.memory_space<semaphore_mem>>)
    %add3A_94 = arith.constant 256 : i32
    %add3A_95 = arith.addi %mul3A_4, %add3A_94 : i32
    %dma_start3A_96 = arith.constant 1 : i32
    %dma_start3A_97 = arith.constant 1 : i32
    %dma_start3A_98 = arith.constant 0 : i32
    %dma_start3A_99 = tpu.memref_slice %arg7[%dma_start3A_97, %dma_start3A_98] : memref<2x128xi32, #tpu.memory_space<vmem>> -> memref<1x128xi32, #tpu.memory_space<vmem>>
    %dma_start3A_100 = tpu.memref_squeeze %dma_start3A_99 : memref<1x128xi32, #tpu.memory_space<vmem>> -> memref<128xi32, #tpu.memory_space<vmem>>
    %dma_start3A_101 = arith.constant 0 : i32
    %dma_start3A_102 = tpu.memref_slice %arg3[%dma_start3A_96, %dma_start3A_101] : memref<2x327680xi32, #tpu.memory_space<hbm>> -> memref<1x327680xi32, #tpu.memory_space<hbm>>
    %dma_start3A_103 = tpu.memref_squeeze %dma_start3A_102 : memref<1x327680xi32, #tpu.memory_space<hbm>> -> memref<327680xi32, #tpu.memory_space<hbm>>
    %dma_start3A_104 = tpu.memref_slice %dma_start3A_103[%add3A_95] : memref<327680xi32, #tpu.memory_space<hbm>> -> memref<128xi32, #tpu.memory_space<hbm>>
    %dma_start3A_105 = arith.constant 0 : i32
    %dma_start3A_106 = tpu.memref_slice %arg7[%dma_start3A_97, %dma_start3A_105] : memref<2x128xi32, #tpu.memory_space<vmem>> -> memref<1x128xi32, #tpu.memory_space<vmem>>
    %dma_start3A_107 = tpu.memref_squeeze %dma_start3A_106 : memref<1x128xi32, #tpu.memory_space<vmem>> -> memref<128xi32, #tpu.memory_space<vmem>>
    %dma_start3A_108 = arith.constant 0 : i32
    %dma_start3A_109 = tpu.memref_slice %arg3[%dma_start3A_96, %dma_start3A_108] : memref<2x327680xi32, #tpu.memory_space<hbm>> -> memref<1x327680xi32, #tpu.memory_space<hbm>>
    %dma_start3A_110 = tpu.memref_squeeze %dma_start3A_109 : memref<1x327680xi32, #tpu.memory_space<hbm>> -> memref<327680xi32, #tpu.memory_space<hbm>>
    %dma_start3A_111 = tpu.memref_slice %dma_start3A_110[%add3A_95] : memref<327680xi32, #tpu.memory_space<hbm>> -> memref<128xi32, #tpu.memory_space<hbm>>
    tpu.enqueue_dma source(%dma_start3A_111 : memref<128xi32, #tpu.memory_space<hbm>>) target(%dma_start3A_107 : memref<128xi32, #tpu.memory_space<vmem>>) target_semaphore(%arg14 : memref<!tpu.dma_semaphore, #tpu.memory_space<semaphore_mem>>)
    %add3A_112 = arith.constant 384 : i32
    %add3A_113 = arith.addi %mul3A_4, %add3A_112 : i32
    %dma_start3A_114 = arith.constant 0 : i32
    %dma_start3A_115 = arith.constant 0 : i32
    %dma_start3A_116 = arith.constant 0 : i32
    %dma_start3A_117 = tpu.memref_slice %arg8[%dma_start3A_115, %dma_start3A_116] : memref<2x128xi32, #tpu.memory_space<vmem>> -> memref<1x128xi32, #tpu.memory_space<vmem>>
    %dma_start3A_118 = tpu.memref_squeeze %dma_start3A_117 : memref<1x128xi32, #tpu.memory_space<vmem>> -> memref<128xi32, #tpu.memory_space<vmem>>
    %dma_start3A_119 = arith.constant 0 : i32
    %dma_start3A_120 = tpu.memref_slice %arg3[%dma_start3A_114, %dma_start3A_119] : memref<2x327680xi32, #tpu.memory_space<hbm>> -> memref<1x327680xi32, #tpu.memory_space<hbm>>
    %dma_start3A_121 = tpu.memref_squeeze %dma_start3A_120 : memref<1x327680xi32, #tpu.memory_space<hbm>> -> memref<327680xi32, #tpu.memory_space<hbm>>
    %dma_start3A_122 = tpu.memref_slice %dma_start3A_121[%add3A_113] : memref<327680xi32, #tpu.memory_space<hbm>> -> memref<128xi32, #tpu.memory_space<hbm>>
    %dma_start3A_123 = arith.constant 0 : i32
    %dma_start3A_124 = tpu.memref_slice %arg8[%dma_start3A_115, %dma_start3A_123] : memref<2x128xi32, #tpu.memory_space<vmem>> -> memref<1x128xi32, #tpu.memory_space<vmem>>
    %dma_start3A_125 = tpu.memref_squeeze %dma_start3A_124 : memref<1x128xi32, #tpu.memory_space<vmem>> -> memref<128xi32, #tpu.memory_space<vmem>>
    %dma_start3A_126 = arith.constant 0 : i32
    %dma_start3A_127 = tpu.memref_slice %arg3[%dma_start3A_114, %dma_start3A_126] : memref<2x327680xi32, #tpu.memory_space<hbm>> -> memref<1x327680xi32, #tpu.memory_space<hbm>>
    %dma_start3A_128 = tpu.memref_squeeze %dma_start3A_127 : memref<1x327680xi32, #tpu.memory_space<hbm>> -> memref<327680xi32, #tpu.memory_space<hbm>>
    %dma_start3A_129 = tpu.memref_slice %dma_start3A_128[%add3A_113] : memref<327680xi32, #tpu.memory_space<hbm>> -> memref<128xi32, #tpu.memory_space<hbm>>
    tpu.enqueue_dma source(%dma_start3A_129 : memref<128xi32, #tpu.memory_space<hbm>>) target(%dma_start3A_125 : memref<128xi32, #tpu.memory_space<vmem>>) target_semaphore(%arg15 : memref<!tpu.dma_semaphore, #tpu.memory_space<semaphore_mem>>)
    %add3A_130 = arith.constant 384 : i32
    %add3A_131 = arith.addi %mul3A_4, %add3A_130 : i32
    %dma_start3A_132 = arith.constant 1 : i32
    %dma_start3A_133 = arith.constant 1 : i32
    %dma_start3A_134 = arith.constant 0 : i32
    %dma_start3A_135 = tpu.memref_slice %arg8[%dma_start3A_133, %dma_start3A_134] : memref<2x128xi32, #tpu.memory_space<vmem>> -> memref<1x128xi32, #tpu.memory_space<vmem>>
    %dma_start3A_136 = tpu.memref_squeeze %dma_start3A_135 : memref<1x128xi32, #tpu.memory_space<vmem>> -> memref<128xi32, #tpu.memory_space<vmem>>
    %dma_start3A_137 = arith.constant 0 : i32
    %dma_start3A_138 = tpu.memref_slice %arg3[%dma_start3A_132, %dma_start3A_137] : memref<2x327680xi32, #tpu.memory_space<hbm>> -> memref<1x327680xi32, #tpu.memory_space<hbm>>
    %dma_start3A_139 = tpu.memref_squeeze %dma_start3A_138 : memref<1x327680xi32, #tpu.memory_space<hbm>> -> memref<327680xi32, #tpu.memory_space<hbm>>
    %dma_start3A_140 = tpu.memref_slice %dma_start3A_139[%add3A_131] : memref<327680xi32, #tpu.memory_space<hbm>> -> memref<128xi32, #tpu.memory_space<hbm>>
    %dma_start3A_141 = arith.constant 0 : i32
    %dma_start3A_142 = tpu.memref_slice %arg8[%dma_start3A_133, %dma_start3A_141] : memref<2x128xi32, #tpu.memory_space<vmem>> -> memref<1x128xi32, #tpu.memory_space<vmem>>
    %dma_start3A_143 = tpu.memref_squeeze %dma_start3A_142 : memref<1x128xi32, #tpu.memory_space<vmem>> -> memref<128xi32, #tpu.memory_space<vmem>>
    %dma_start3A_144 = arith.constant 0 : i32
    %dma_start3A_145 = tpu.memref_slice %arg3[%dma_start3A_132, %dma_start3A_144] : memref<2x327680xi32, #tpu.memory_space<hbm>> -> memref<1x327680xi32, #tpu.memory_space<hbm>>
    %dma_start3A_146 = tpu.memref_squeeze %dma_start3A_145 : memref<1x327680xi32, #tpu.memory_space<hbm>> -> memref<327680xi32, #tpu.memory_space<hbm>>
    %dma_start3A_147 = tpu.memref_slice %dma_start3A_146[%add3A_131] : memref<327680xi32, #tpu.memory_space<hbm>> -> memref<128xi32, #tpu.memory_space<hbm>>
    tpu.enqueue_dma source(%dma_start3A_147 : memref<128xi32, #tpu.memory_space<hbm>>) target(%dma_start3A_143 : memref<128xi32, #tpu.memory_space<vmem>>) target_semaphore(%arg15 : memref<!tpu.dma_semaphore, #tpu.memory_space<semaphore_mem>>)
    %add3A_148 = arith.constant 0 : i32
    %add3A_149 = arith.addi %mul3A_4, %add3A_148 : i32
    %dma_wait3A = arith.constant 0 : i32
    %dma_wait3A_150 = arith.constant 0 : i32
    %dma_wait3A_151 = arith.constant 0 : i32
    %dma_wait3A_152 = tpu.memref_slice %arg5[%dma_wait3A_150, %dma_wait3A_151] : memref<2x128xi32, #tpu.memory_space<vmem>> -> memref<1x128xi32, #tpu.memory_space<vmem>>
    %dma_wait3A_153 = tpu.memref_squeeze %dma_wait3A_152 : memref<1x128xi32, #tpu.memory_space<vmem>> -> memref<128xi32, #tpu.memory_space<vmem>>
    %dma_wait3A_154 = arith.constant 0 : i32
    %dma_wait3A_155 = tpu.memref_slice %arg3[%dma_wait3A, %dma_wait3A_154] : memref<2x327680xi32, #tpu.memory_space<hbm>> -> memref<1x327680xi32, #tpu.memory_space<hbm>>
    %dma_wait3A_156 = tpu.memref_squeeze %dma_wait3A_155 : memref<1x327680xi32, #tpu.memory_space<hbm>> -> memref<327680xi32, #tpu.memory_space<hbm>>
    %dma_wait3A_157 = tpu.memref_slice %dma_wait3A_156[%add3A_149] : memref<327680xi32, #tpu.memory_space<hbm>> -> memref<128xi32, #tpu.memory_space<hbm>>
    %dma_wait3A_158 = arith.constant 0 : i32
    %dma_wait3A_159 = tpu.memref_slice %arg5[%dma_wait3A_150, %dma_wait3A_158] : memref<2x128xi32, #tpu.memory_space<vmem>> -> memref<1x128xi32, #tpu.memory_space<vmem>>
    %dma_wait3A_160 = tpu.memref_squeeze %dma_wait3A_159 : memref<1x128xi32, #tpu.memory_space<vmem>> -> memref<128xi32, #tpu.memory_space<vmem>>
    %dma_wait3A_161 = arith.constant 0 : i32
    %dma_wait3A_162 = tpu.memref_slice %arg3[%dma_wait3A, %dma_wait3A_161] : memref<2x327680xi32, #tpu.memory_space<hbm>> -> memref<1x327680xi32, #tpu.memory_space<hbm>>
    %dma_wait3A_163 = tpu.memref_squeeze %dma_wait3A_162 : memref<1x327680xi32, #tpu.memory_space<hbm>> -> memref<327680xi32, #tpu.memory_space<hbm>>
    %dma_wait3A_164 = tpu.memref_slice %dma_wait3A_163[%add3A_149] : memref<327680xi32, #tpu.memory_space<hbm>> -> memref<128xi32, #tpu.memory_space<hbm>>
    tpu.wait_dma2 semaphore(%arg12 : memref<!tpu.dma_semaphore, #tpu.memory_space<semaphore_mem>>) src(%dma_wait3A_164 : memref<128xi32, #tpu.memory_space<hbm>>) dst(%dma_wait3A_160 : memref<128xi32, #tpu.memory_space<vmem>>)
    %add3A_165 = arith.constant 0 : i32
    %add3A_166 = arith.addi %mul3A_4, %add3A_165 : i32
    %dma_wait3A_167 = arith.constant 1 : i32
    %dma_wait3A_168 = arith.constant 1 : i32
    %dma_wait3A_169 = arith.constant 0 : i32
    %dma_wait3A_170 = tpu.memref_slice %arg5[%dma_wait3A_168, %dma_wait3A_169] : memref<2x128xi32, #tpu.memory_space<vmem>> -> memref<1x128xi32, #tpu.memory_space<vmem>>
    %dma_wait3A_171 = tpu.memref_squeeze %dma_wait3A_170 : memref<1x128xi32, #tpu.memory_space<vmem>> -> memref<128xi32, #tpu.memory_space<vmem>>
    %dma_wait3A_172 = arith.constant 0 : i32
    %dma_wait3A_173 = tpu.memref_slice %arg3[%dma_wait3A_167, %dma_wait3A_172] : memref<2x327680xi32, #tpu.memory_space<hbm>> -> memref<1x327680xi32, #tpu.memory_space<hbm>>
    %dma_wait3A_174 = tpu.memref_squeeze %dma_wait3A_173 : memref<1x327680xi32, #tpu.memory_space<hbm>> -> memref<327680xi32, #tpu.memory_space<hbm>>
    %dma_wait3A_175 = tpu.memref_slice %dma_wait3A_174[%add3A_166] : memref<327680xi32, #tpu.memory_space<hbm>> -> memref<128xi32, #tpu.memory_space<hbm>>
    %dma_wait3A_176 = arith.constant 0 : i32
    %dma_wait3A_177 = tpu.memref_slice %arg5[%dma_wait3A_168, %dma_wait3A_176] : memref<2x128xi32, #tpu.memory_space<vmem>> -> memref<1x128xi32, #tpu.memory_space<vmem>>
    %dma_wait3A_178 = tpu.memref_squeeze %dma_wait3A_177 : memref<1x128xi32, #tpu.memory_space<vmem>> -> memref<128xi32, #tpu.memory_space<vmem>>
    %dma_wait3A_179 = arith.constant 0 : i32
    %dma_wait3A_180 = tpu.memref_slice %arg3[%dma_wait3A_167, %dma_wait3A_179] : memref<2x327680xi32, #tpu.memory_space<hbm>> -> memref<1x327680xi32, #tpu.memory_space<hbm>>
    %dma_wait3A_181 = tpu.memref_squeeze %dma_wait3A_180 : memref<1x327680xi32, #tpu.memory_space<hbm>> -> memref<327680xi32, #tpu.memory_space<hbm>>
    %dma_wait3A_182 = tpu.memref_slice %dma_wait3A_181[%add3A_166] : memref<327680xi32, #tpu.memory_space<hbm>> -> memref<128xi32, #tpu.memory_space<hbm>>
    tpu.wait_dma2 semaphore(%arg12 : memref<!tpu.dma_semaphore, #tpu.memory_space<semaphore_mem>>) src(%dma_wait3A_182 : memref<128xi32, #tpu.memory_space<hbm>>) dst(%dma_wait3A_178 : memref<128xi32, #tpu.memory_space<vmem>>)
    %dma_start3A_183 = arith.constant 0 : i32
    %dma_start3A_184 = arith.constant 0 : i32
    %dma_start3A_185 = tpu.memref_slice %arg5[%dma_start3A_183, %dma_start3A_184] : memref<2x128xi32, #tpu.memory_space<vmem>> -> memref<1x128xi32, #tpu.memory_space<vmem>>
    %dma_start3A_186 = tpu.memref_squeeze %dma_start3A_185 : memref<1x128xi32, #tpu.memory_space<vmem>> -> memref<128xi32, #tpu.memory_space<vmem>>
    %dma_start3A_187 = arith.constant 0 : i32
    %dma_start3A_188 = arith.constant 0 : i32
    %dma_start3A_189 = tpu.memref_slice %arg2[%dma_start3A_187, %dma_start3A_188] : memref<10240x128xf32, #tpu.memory_space<hbm>> -> memref<10240x128xf32, #tpu.memory_space<hbm>>
    tpu.enqueue_indirect_dma source(%dma_start3A_189 : memref<10240x128xf32, #tpu.memory_space<hbm>>) target(%arg9 : memref<128x128xf32, #tpu.memory_space<vmem>>) offsets(%dma_start3A_186 : memref<128xi32, #tpu.memory_space<vmem>>) semaphore(%arg16 : memref<!tpu.dma_semaphore, #tpu.memory_space<semaphore_mem>>)
    %add3A_190 = arith.constant 128 : i32
    %add3A_191 = arith.addi %mul3A_4, %add3A_190 : i32
    %dma_wait3A_192 = arith.constant 0 : i32
    %dma_wait3A_193 = arith.constant 0 : i32
    %dma_wait3A_194 = arith.constant 0 : i32
    %dma_wait3A_195 = tpu.memref_slice %arg6[%dma_wait3A_193, %dma_wait3A_194] : memref<2x128xi32, #tpu.memory_space<vmem>> -> memref<1x128xi32, #tpu.memory_space<vmem>>
    %dma_wait3A_196 = tpu.memref_squeeze %dma_wait3A_195 : memref<1x128xi32, #tpu.memory_space<vmem>> -> memref<128xi32, #tpu.memory_space<vmem>>
    %dma_wait3A_197 = arith.constant 0 : i32
    %dma_wait3A_198 = tpu.memref_slice %arg3[%dma_wait3A_192, %dma_wait3A_197] : memref<2x327680xi32, #tpu.memory_space<hbm>> -> memref<1x327680xi32, #tpu.memory_space<hbm>>
    %dma_wait3A_199 = tpu.memref_squeeze %dma_wait3A_198 : memref<1x327680xi32, #tpu.memory_space<hbm>> -> memref<327680xi32, #tpu.memory_space<hbm>>
    %dma_wait3A_200 = tpu.memref_slice %dma_wait3A_199[%add3A_191] : memref<327680xi32, #tpu.memory_space<hbm>> -> memref<128xi32, #tpu.memory_space<hbm>>
    %dma_wait3A_201 = arith.constant 0 : i32
    %dma_wait3A_202 = tpu.memref_slice %arg6[%dma_wait3A_193, %dma_wait3A_201] : memref<2x128xi32, #tpu.memory_space<vmem>> -> memref<1x128xi32, #tpu.memory_space<vmem>>
    %dma_wait3A_203 = tpu.memref_squeeze %dma_wait3A_202 : memref<1x128xi32, #tpu.memory_space<vmem>> -> memref<128xi32, #tpu.memory_space<vmem>>
    %dma_wait3A_204 = arith.constant 0 : i32
    %dma_wait3A_205 = tpu.memref_slice %arg3[%dma_wait3A_192, %dma_wait3A_204] : memref<2x327680xi32, #tpu.memory_space<hbm>> -> memref<1x327680xi32, #tpu.memory_space<hbm>>
    %dma_wait3A_206 = tpu.memref_squeeze %dma_wait3A_205 : memref<1x327680xi32, #tpu.memory_space<hbm>> -> memref<327680xi32, #tpu.memory_space<hbm>>
    %dma_wait3A_207 = tpu.memref_slice %dma_wait3A_206[%add3A_191] : memref<327680xi32, #tpu.memory_space<hbm>> -> memref<128xi32, #tpu.memory_space<hbm>>
    tpu.wait_dma2 semaphore(%arg13 : memref<!tpu.dma_semaphore, #tpu.memory_space<semaphore_mem>>) src(%dma_wait3A_207 : memref<128xi32, #tpu.memory_space<hbm>>) dst(%dma_wait3A_203 : memref<128xi32, #tpu.memory_space<vmem>>)
    %add3A_208 = arith.constant 128 : i32
    %add3A_209 = arith.addi %mul3A_4, %add3A_208 : i32
    %dma_wait3A_210 = arith.constant 1 : i32
    %dma_wait3A_211 = arith.constant 1 : i32
    %dma_wait3A_212 = arith.constant 0 : i32
    %dma_wait3A_213 = tpu.memref_slice %arg6[%dma_wait3A_211, %dma_wait3A_212] : memref<2x128xi32, #tpu.memory_space<vmem>> -> memref<1x128xi32, #tpu.memory_space<vmem>>
    %dma_wait3A_214 = tpu.memref_squeeze %dma_wait3A_213 : memref<1x128xi32, #tpu.memory_space<vmem>> -> memref<128xi32, #tpu.memory_space<vmem>>
    %dma_wait3A_215 = arith.constant 0 : i32
    %dma_wait3A_216 = tpu.memref_slice %arg3[%dma_wait3A_210, %dma_wait3A_215] : memref<2x327680xi32, #tpu.memory_space<hbm>> -> memref<1x327680xi32, #tpu.memory_space<hbm>>
    %dma_wait3A_217 = tpu.memref_squeeze %dma_wait3A_216 : memref<1x327680xi32, #tpu.memory_space<hbm>> -> memref<327680xi32, #tpu.memory_space<hbm>>
    %dma_wait3A_218 = tpu.memref_slice %dma_wait3A_217[%add3A_209] : memref<327680xi32, #tpu.memory_space<hbm>> -> memref<128xi32, #tpu.memory_space<hbm>>
    %dma_wait3A_219 = arith.constant 0 : i32
    %dma_wait3A_220 = tpu.memref_slice %arg6[%dma_wait3A_211, %dma_wait3A_219] : memref<2x128xi32, #tpu.memory_space<vmem>> -> memref<1x128xi32, #tpu.memory_space<vmem>>
    %dma_wait3A_221 = tpu.memref_squeeze %dma_wait3A_220 : memref<1x128xi32, #tpu.memory_space<vmem>> -> memref<128xi32, #tpu.memory_space<vmem>>
    %dma_wait3A_222 = arith.constant 0 : i32
    %dma_wait3A_223 = tpu.memref_slice %arg3[%dma_wait3A_210, %dma_wait3A_222] : memref<2x327680xi32, #tpu.memory_space<hbm>> -> memref<1x327680xi32, #tpu.memory_space<hbm>>
    %dma_wait3A_224 = tpu.memref_squeeze %dma_wait3A_223 : memref<1x327680xi32, #tpu.memory_space<hbm>> -> memref<327680xi32, #tpu.memory_space<hbm>>
    %dma_wait3A_225 = tpu.memref_slice %dma_wait3A_224[%add3A_209] : memref<327680xi32, #tpu.memory_space<hbm>> -> memref<128xi32, #tpu.memory_space<hbm>>
    tpu.wait_dma2 semaphore(%arg13 : memref<!tpu.dma_semaphore, #tpu.memory_space<semaphore_mem>>) src(%dma_wait3A_225 : memref<128xi32, #tpu.memory_space<hbm>>) dst(%dma_wait3A_221 : memref<128xi32, #tpu.memory_space<vmem>>)
    %dma_start3A_226 = arith.constant 0 : i32
    %dma_start3A_227 = arith.constant 0 : i32
    %dma_start3A_228 = tpu.memref_slice %arg6[%dma_start3A_226, %dma_start3A_227] : memref<2x128xi32, #tpu.memory_space<vmem>> -> memref<1x128xi32, #tpu.memory_space<vmem>>
    %dma_start3A_229 = tpu.memref_squeeze %dma_start3A_228 : memref<1x128xi32, #tpu.memory_space<vmem>> -> memref<128xi32, #tpu.memory_space<vmem>>
    %dma_start3A_230 = arith.constant 0 : i32
    %dma_start3A_231 = arith.constant 0 : i32
    %dma_start3A_232 = tpu.memref_slice %arg2[%dma_start3A_230, %dma_start3A_231] : memref<10240x128xf32, #tpu.memory_space<hbm>> -> memref<10240x128xf32, #tpu.memory_space<hbm>>
    tpu.enqueue_indirect_dma source(%dma_start3A_232 : memref<10240x128xf32, #tpu.memory_space<hbm>>) target(%arg10 : memref<128x128xf32, #tpu.memory_space<vmem>>) offsets(%dma_start3A_229 : memref<128xi32, #tpu.memory_space<vmem>>) semaphore(%arg17 : memref<!tpu.dma_semaphore, #tpu.memory_space<semaphore_mem>>)
    %scan3A = arith.constant 0 : i32
    %scan3A_233 = arith.constant 1 : i32
    %scan3A_234 = arith.constant 0 : i32
    %scan3A_235 = arith.constant 20 : i32
    %scan3A_236 = arith.addi %scan3A_234, %scan3A_235 : i32
    %scan3A_237 = arith.constant 1 : i32
    scf.for %scan3A_240 = %scan3A_234 to %scan3A_236 step %scan3A_237  : i32 {
      %mul3A_241 = arith.constant 1 : i32
      %mul3A_242 = arith.muli %scan3A_240, %mul3A_241 : i32
      %add3A_243 = arith.constant 0 : i32
      %add3A_244 = arith.addi %add3A_243, %mul3A_242 : i32
      %mul3A_245 = arith.constant 4 : i32
      %mul3A_246 = arith.muli %add3A_244, %mul3A_245 : i32
      %add3A_247 = arith.constant 0 : i32
      %add3A_248 = arith.addi %mul3A_246, %add3A_247 : i32
      %dma_wait3A_249 = arith.constant 0 : i32
      %dma_wait3A_250 = arith.constant 0 : i32
      %dma_wait3A_251 = tpu.memref_slice %arg5[%dma_wait3A_249, %dma_wait3A_250] : memref<2x128xi32, #tpu.memory_space<vmem>> -> memref<1x128xi32, #tpu.memory_space<vmem>>
      %dma_wait3A_252 = tpu.memref_squeeze %dma_wait3A_251 : memref<1x128xi32, #tpu.memory_space<vmem>> -> memref<128xi32, #tpu.memory_space<vmem>>
      %dma_wait3A_253 = arith.constant 0 : i32
      %dma_wait3A_254 = arith.constant 0 : i32
      %dma_wait3A_255 = tpu.memref_slice %arg2[%dma_wait3A_253, %dma_wait3A_254] : memref<10240x128xf32, #tpu.memory_space<hbm>> -> memref<10240x128xf32, #tpu.memory_space<hbm>>
      tpu.wait_indirect_dma semaphore(%arg16 : memref<!tpu.dma_semaphore, #tpu.memory_space<semaphore_mem>>) src(%dma_wait3A_255 : memref<10240x128xf32, #tpu.memory_space<hbm>>) dst(%arg9 : memref<128x128xf32, #tpu.memory_space<vmem>>)
      %run_scoped3A = arith.constant 1 : i32
      "tpu.region"() ({
        %run_scoped3A_339 = tpu.sem_alloc : memref<!tpu.dma_semaphore, #tpu.memory_space<semaphore_mem>>
        %dma_start3A_340 = arith.constant 0 : i32
        %dma_start3A_341 = tpu.memref_slice %arg5[%run_scoped3A, %dma_start3A_340] : memref<2x128xi32, #tpu.memory_space<vmem>> -> memref<1x128xi32, #tpu.memory_space<vmem>>
        %dma_start3A_342 = tpu.memref_squeeze %dma_start3A_341 : memref<1x128xi32, #tpu.memory_space<vmem>> -> memref<128xi32, #tpu.memory_space<vmem>>
        %dma_start3A_343 = arith.constant 0 : i32
        %dma_start3A_344 = arith.constant 0 : i32
        %dma_start3A_345 = tpu.memref_slice %arg11[%dma_start3A_343, %dma_start3A_344] : memref<10240x128xf32, #tpu.memory_space<vmem_shared>> -> memref<10240x128xf32, #tpu.memory_space<vmem_shared>>
        tpu.enqueue_indirect_dma source(%arg9 : memref<128x128xf32, #tpu.memory_space<vmem>>) target(%dma_start3A_345 : memref<10240x128xf32, #tpu.memory_space<vmem_shared>>) offsets(%dma_start3A_342 : memref<128xi32, #tpu.memory_space<vmem>>) semaphore(%run_scoped3A_339 : memref<!tpu.dma_semaphore, #tpu.memory_space<semaphore_mem>>) {add = true}
        %dma_wait3A_346 = arith.constant 0 : i32
        %dma_wait3A_347 = tpu.memref_slice %arg5[%run_scoped3A, %dma_wait3A_346] : memref<2x128xi32, #tpu.memory_space<vmem>> -> memref<1x128xi32, #tpu.memory_space<vmem>>
        %dma_wait3A_348 = tpu.memref_squeeze %dma_wait3A_347 : memref<1x128xi32, #tpu.memory_space<vmem>> -> memref<128xi32, #tpu.memory_space<vmem>>
        %dma_wait3A_349 = arith.constant 0 : i32
        %dma_wait3A_350 = arith.constant 0 : i32
        %dma_wait3A_351 = tpu.memref_slice %arg11[%dma_wait3A_349, %dma_wait3A_350] : memref<10240x128xf32, #tpu.memory_space<vmem_shared>> -> memref<10240x128xf32, #tpu.memory_space<vmem_shared>>
        tpu.wait_indirect_dma semaphore(%run_scoped3A_339 : memref<!tpu.dma_semaphore, #tpu.memory_space<semaphore_mem>>) src(%arg9 : memref<128x128xf32, #tpu.memory_space<vmem>>) dst(%dma_wait3A_351 : memref<10240x128xf32, #tpu.memory_space<vmem_shared>>)
        tpu.yield
      }) : () -> ()
      %add3A_256 = arith.constant 4 : i32
      %add3A_257 = arith.addi %add3A_248, %add3A_256 : i32
      %lt3A = arith.constant 80 : i32
      %lt3A_258 = arith.cmpi slt, %add3A_257, %lt3A : i32
      %convert_element_type3A = arith.extui %lt3A_258 : i1 to i32
      %cond3A = arith.constant 0 : i32
      %cond3A_259 = arith.cmpi ne, %convert_element_type3A, %cond3A : i32
      scf.if %cond3A_259 {
        %add3A_339 = arith.constant 4 : i32
        %add3A_340 = arith.addi %add3A_248, %add3A_339 : i32
        %mul3A_341 = arith.constant 128 : i32
        %mul3A_342 = arith.muli %add3A_340, %mul3A_341 : i32
        %add3A_343 = arith.addi %mul3A_4, %mul3A_342 : i32
        %dma_start3A_344 = arith.constant 0 : i32
        %dma_start3A_345 = arith.constant 0 : i32
        %dma_start3A_346 = tpu.memref_slice %arg5[%dma_start3A_344, %dma_start3A_345] : memref<2x128xi32, #tpu.memory_space<vmem>> -> memref<1x128xi32, #tpu.memory_space<vmem>>
        %dma_start3A_347 = tpu.memref_squeeze %dma_start3A_346 : memref<1x128xi32, #tpu.memory_space<vmem>> -> memref<128xi32, #tpu.memory_space<vmem>>
        %dma_start3A_348 = arith.constant 0 : i32
        %dma_start3A_349 = tpu.memref_slice %arg3[%scan3A, %dma_start3A_348] : memref<2x327680xi32, #tpu.memory_space<hbm>> -> memref<1x327680xi32, #tpu.memory_space<hbm>>
        %dma_start3A_350 = tpu.memref_squeeze %dma_start3A_349 : memref<1x327680xi32, #tpu.memory_space<hbm>> -> memref<327680xi32, #tpu.memory_space<hbm>>
        %dma_start3A_351 = tpu.memref_slice %dma_start3A_350[%add3A_343] : memref<327680xi32, #tpu.memory_space<hbm>> -> memref<128xi32, #tpu.memory_space<hbm>>
        %dma_start3A_352 = arith.constant 0 : i32
        %dma_start3A_353 = tpu.memref_slice %arg5[%dma_start3A_344, %dma_start3A_352] : memref<2x128xi32, #tpu.memory_space<vmem>> -> memref<1x128xi32, #tpu.memory_space<vmem>>
        %dma_start3A_354 = tpu.memref_squeeze %dma_start3A_353 : memref<1x128xi32, #tpu.memory_space<vmem>> -> memref<128xi32, #tpu.memory_space<vmem>>
        %dma_start3A_355 = arith.constant 0 : i32
        %dma_start3A_356 = tpu.memref_slice %arg3[%scan3A, %dma_start3A_355] : memref<2x327680xi32, #tpu.memory_space<hbm>> -> memref<1x327680xi32, #tpu.memory_space<hbm>>
        %dma_start3A_357 = tpu.memref_squeeze %dma_start3A_356 : memref<1x327680xi32, #tpu.memory_space<hbm>> -> memref<327680xi32, #tpu.memory_space<hbm>>
        %dma_start3A_358 = tpu.memref_slice %dma_start3A_357[%add3A_343] : memref<327680xi32, #tpu.memory_space<hbm>> -> memref<128xi32, #tpu.memory_space<hbm>>
        tpu.enqueue_dma source(%dma_start3A_358 : memref<128xi32, #tpu.memory_space<hbm>>) target(%dma_start3A_354 : memref<128xi32, #tpu.memory_space<vmem>>) target_semaphore(%arg12 : memref<!tpu.dma_semaphore, #tpu.memory_space<semaphore_mem>>)
        %mul3A_359 = arith.constant 128 : i32
        %mul3A_360 = arith.muli %add3A_340, %mul3A_359 : i32
        %add3A_361 = arith.addi %mul3A_4, %mul3A_360 : i32
        %dma_start3A_362 = arith.constant 1 : i32
        %dma_start3A_363 = arith.constant 0 : i32
        %dma_start3A_364 = tpu.memref_slice %arg5[%dma_start3A_362, %dma_start3A_363] : memref<2x128xi32, #tpu.memory_space<vmem>> -> memref<1x128xi32, #tpu.memory_space<vmem>>
        %dma_start3A_365 = tpu.memref_squeeze %dma_start3A_364 : memref<1x128xi32, #tpu.memory_space<vmem>> -> memref<128xi32, #tpu.memory_space<vmem>>
        %dma_start3A_366 = arith.constant 0 : i32
        %dma_start3A_367 = tpu.memref_slice %arg3[%scan3A_233, %dma_start3A_366] : memref<2x327680xi32, #tpu.memory_space<hbm>> -> memref<1x327680xi32, #tpu.memory_space<hbm>>
        %dma_start3A_368 = tpu.memref_squeeze %dma_start3A_367 : memref<1x327680xi32, #tpu.memory_space<hbm>> -> memref<327680xi32, #tpu.memory_space<hbm>>
        %dma_start3A_369 = tpu.memref_slice %dma_start3A_368[%add3A_361] : memref<327680xi32, #tpu.memory_space<hbm>> -> memref<128xi32, #tpu.memory_space<hbm>>
        %dma_start3A_370 = arith.constant 0 : i32
        %dma_start3A_371 = tpu.memref_slice %arg5[%dma_start3A_362, %dma_start3A_370] : memref<2x128xi32, #tpu.memory_space<vmem>> -> memref<1x128xi32, #tpu.memory_space<vmem>>
        %dma_start3A_372 = tpu.memref_squeeze %dma_start3A_371 : memref<1x128xi32, #tpu.memory_space<vmem>> -> memref<128xi32, #tpu.memory_space<vmem>>
        %dma_start3A_373 = arith.constant 0 : i32
        %dma_start3A_374 = tpu.memref_slice %arg3[%scan3A_233, %dma_start3A_373] : memref<2x327680xi32, #tpu.memory_space<hbm>> -> memref<1x327680xi32, #tpu.memory_space<hbm>>
        %dma_start3A_375 = tpu.memref_squeeze %dma_start3A_374 : memref<1x327680xi32, #tpu.memory_space<hbm>> -> memref<327680xi32, #tpu.memory_space<hbm>>
        %dma_start3A_376 = tpu.memref_slice %dma_start3A_375[%add3A_361] : memref<327680xi32, #tpu.memory_space<hbm>> -> memref<128xi32, #tpu.memory_space<hbm>>
        tpu.enqueue_dma source(%dma_start3A_376 : memref<128xi32, #tpu.memory_space<hbm>>) target(%dma_start3A_372 : memref<128xi32, #tpu.memory_space<vmem>>) target_semaphore(%arg12 : memref<!tpu.dma_semaphore, #tpu.memory_space<semaphore_mem>>)
      } else {
      }
      %add3A_260 = arith.constant 2 : i32
      %add3A_261 = arith.addi %add3A_248, %add3A_260 : i32
      %lt3A_262 = arith.constant 80 : i32
      %lt3A_263 = arith.cmpi slt, %add3A_261, %lt3A_262 : i32
      %convert_element_type3A_264 = arith.extui %lt3A_263 : i1 to i32
      %cond3A_265 = arith.constant 0 : i32
      %cond3A_266 = arith.cmpi ne, %convert_element_type3A_264, %cond3A_265 : i32
      scf.if %cond3A_266 {
        %add3A_339 = arith.constant 2 : i32
        %add3A_340 = arith.addi %add3A_248, %add3A_339 : i32
        %mul3A_341 = arith.constant 128 : i32
        %mul3A_342 = arith.muli %add3A_340, %mul3A_341 : i32
        %add3A_343 = arith.addi %mul3A_4, %mul3A_342 : i32
        %dma_wait3A_344 = arith.constant 0 : i32
        %dma_wait3A_345 = arith.constant 0 : i32
        %dma_wait3A_346 = tpu.memref_slice %arg7[%dma_wait3A_344, %dma_wait3A_345] : memref<2x128xi32, #tpu.memory_space<vmem>> -> memref<1x128xi32, #tpu.memory_space<vmem>>
        %dma_wait3A_347 = tpu.memref_squeeze %dma_wait3A_346 : memref<1x128xi32, #tpu.memory_space<vmem>> -> memref<128xi32, #tpu.memory_space<vmem>>
        %dma_wait3A_348 = arith.constant 0 : i32
        %dma_wait3A_349 = tpu.memref_slice %arg3[%scan3A, %dma_wait3A_348] : memref<2x327680xi32, #tpu.memory_space<hbm>> -> memref<1x327680xi32, #tpu.memory_space<hbm>>
        %dma_wait3A_350 = tpu.memref_squeeze %dma_wait3A_349 : memref<1x327680xi32, #tpu.memory_space<hbm>> -> memref<327680xi32, #tpu.memory_space<hbm>>
        %dma_wait3A_351 = tpu.memref_slice %dma_wait3A_350[%add3A_343] : memref<327680xi32, #tpu.memory_space<hbm>> -> memref<128xi32, #tpu.memory_space<hbm>>
        %dma_wait3A_352 = arith.constant 0 : i32
        %dma_wait3A_353 = tpu.memref_slice %arg7[%dma_wait3A_344, %dma_wait3A_352] : memref<2x128xi32, #tpu.memory_space<vmem>> -> memref<1x128xi32, #tpu.memory_space<vmem>>
        %dma_wait3A_354 = tpu.memref_squeeze %dma_wait3A_353 : memref<1x128xi32, #tpu.memory_space<vmem>> -> memref<128xi32, #tpu.memory_space<vmem>>
        %dma_wait3A_355 = arith.constant 0 : i32
        %dma_wait3A_356 = tpu.memref_slice %arg3[%scan3A, %dma_wait3A_355] : memref<2x327680xi32, #tpu.memory_space<hbm>> -> memref<1x327680xi32, #tpu.memory_space<hbm>>
        %dma_wait3A_357 = tpu.memref_squeeze %dma_wait3A_356 : memref<1x327680xi32, #tpu.memory_space<hbm>> -> memref<327680xi32, #tpu.memory_space<hbm>>
        %dma_wait3A_358 = tpu.memref_slice %dma_wait3A_357[%add3A_343] : memref<327680xi32, #tpu.memory_space<hbm>> -> memref<128xi32, #tpu.memory_space<hbm>>
        tpu.wait_dma2 semaphore(%arg14 : memref<!tpu.dma_semaphore, #tpu.memory_space<semaphore_mem>>) src(%dma_wait3A_358 : memref<128xi32, #tpu.memory_space<hbm>>) dst(%dma_wait3A_354 : memref<128xi32, #tpu.memory_space<vmem>>)
        %mul3A_359 = arith.constant 128 : i32
        %mul3A_360 = arith.muli %add3A_340, %mul3A_359 : i32
        %add3A_361 = arith.addi %mul3A_4, %mul3A_360 : i32
        %dma_wait3A_362 = arith.constant 1 : i32
        %dma_wait3A_363 = arith.constant 0 : i32
        %dma_wait3A_364 = tpu.memref_slice %arg7[%dma_wait3A_362, %dma_wait3A_363] : memref<2x128xi32, #tpu.memory_space<vmem>> -> memref<1x128xi32, #tpu.memory_space<vmem>>
        %dma_wait3A_365 = tpu.memref_squeeze %dma_wait3A_364 : memref<1x128xi32, #tpu.memory_space<vmem>> -> memref<128xi32, #tpu.memory_space<vmem>>
        %dma_wait3A_366 = arith.constant 0 : i32
        %dma_wait3A_367 = tpu.memref_slice %arg3[%scan3A_233, %dma_wait3A_366] : memref<2x327680xi32, #tpu.memory_space<hbm>> -> memref<1x327680xi32, #tpu.memory_space<hbm>>
        %dma_wait3A_368 = tpu.memref_squeeze %dma_wait3A_367 : memref<1x327680xi32, #tpu.memory_space<hbm>> -> memref<327680xi32, #tpu.memory_space<hbm>>
        %dma_wait3A_369 = tpu.memref_slice %dma_wait3A_368[%add3A_361] : memref<327680xi32, #tpu.memory_space<hbm>> -> memref<128xi32, #tpu.memory_space<hbm>>
        %dma_wait3A_370 = arith.constant 0 : i32
        %dma_wait3A_371 = tpu.memref_slice %arg7[%dma_wait3A_362, %dma_wait3A_370] : memref<2x128xi32, #tpu.memory_space<vmem>> -> memref<1x128xi32, #tpu.memory_space<vmem>>
        %dma_wait3A_372 = tpu.memref_squeeze %dma_wait3A_371 : memref<1x128xi32, #tpu.memory_space<vmem>> -> memref<128xi32, #tpu.memory_space<vmem>>
        %dma_wait3A_373 = arith.constant 0 : i32
        %dma_wait3A_374 = tpu.memref_slice %arg3[%scan3A_233, %dma_wait3A_373] : memref<2x327680xi32, #tpu.memory_space<hbm>> -> memref<1x327680xi32, #tpu.memory_space<hbm>>
        %dma_wait3A_375 = tpu.memref_squeeze %dma_wait3A_374 : memref<1x327680xi32, #tpu.memory_space<hbm>> -> memref<327680xi32, #tpu.memory_space<hbm>>
        %dma_wait3A_376 = tpu.memref_slice %dma_wait3A_375[%add3A_361] : memref<327680xi32, #tpu.memory_space<hbm>> -> memref<128xi32, #tpu.memory_space<hbm>>
        tpu.wait_dma2 semaphore(%arg14 : memref<!tpu.dma_semaphore, #tpu.memory_space<semaphore_mem>>) src(%dma_wait3A_376 : memref<128xi32, #tpu.memory_space<hbm>>) dst(%dma_wait3A_372 : memref<128xi32, #tpu.memory_space<vmem>>)
        %dma_start3A_377 = arith.constant 0 : i32
        %dma_start3A_378 = arith.constant 0 : i32
        %dma_start3A_379 = tpu.memref_slice %arg7[%dma_start3A_377, %dma_start3A_378] : memref<2x128xi32, #tpu.memory_space<vmem>> -> memref<1x128xi32, #tpu.memory_space<vmem>>
        %dma_start3A_380 = tpu.memref_squeeze %dma_start3A_379 : memref<1x128xi32, #tpu.memory_space<vmem>> -> memref<128xi32, #tpu.memory_space<vmem>>
        %dma_start3A_381 = arith.constant 0 : i32
        %dma_start3A_382 = arith.constant 0 : i32
        %dma_start3A_383 = tpu.memref_slice %arg2[%dma_start3A_381, %dma_start3A_382] : memref<10240x128xf32, #tpu.memory_space<hbm>> -> memref<10240x128xf32, #tpu.memory_space<hbm>>
        tpu.enqueue_indirect_dma source(%dma_start3A_383 : memref<10240x128xf32, #tpu.memory_space<hbm>>) target(%arg9 : memref<128x128xf32, #tpu.memory_space<vmem>>) offsets(%dma_start3A_380 : memref<128xi32, #tpu.memory_space<vmem>>) semaphore(%arg16 : memref<!tpu.dma_semaphore, #tpu.memory_space<semaphore_mem>>)
      } else {
      }
      %add3A_267 = arith.constant 1 : i32
      %add3A_268 = arith.addi %mul3A_246, %add3A_267 : i32
      %dma_wait3A_269 = arith.constant 0 : i32
      %dma_wait3A_270 = arith.constant 0 : i32
      %dma_wait3A_271 = tpu.memref_slice %arg6[%dma_wait3A_269, %dma_wait3A_270] : memref<2x128xi32, #tpu.memory_space<vmem>> -> memref<1x128xi32, #tpu.memory_space<vmem>>
      %dma_wait3A_272 = tpu.memref_squeeze %dma_wait3A_271 : memref<1x128xi32, #tpu.memory_space<vmem>> -> memref<128xi32, #tpu.memory_space<vmem>>
      %dma_wait3A_273 = arith.constant 0 : i32
      %dma_wait3A_274 = arith.constant 0 : i32
      %dma_wait3A_275 = tpu.memref_slice %arg2[%dma_wait3A_273, %dma_wait3A_274] : memref<10240x128xf32, #tpu.memory_space<hbm>> -> memref<10240x128xf32, #tpu.memory_space<hbm>>
      tpu.wait_indirect_dma semaphore(%arg17 : memref<!tpu.dma_semaphore, #tpu.memory_space<semaphore_mem>>) src(%dma_wait3A_275 : memref<10240x128xf32, #tpu.memory_space<hbm>>) dst(%arg10 : memref<128x128xf32, #tpu.memory_space<vmem>>)
      %run_scoped3A_276 = arith.constant 1 : i32
      "tpu.region"() ({
        %run_scoped3A_339 = tpu.sem_alloc : memref<!tpu.dma_semaphore, #tpu.memory_space<semaphore_mem>>
        %dma_start3A_340 = arith.constant 0 : i32
        %dma_start3A_341 = tpu.memref_slice %arg6[%run_scoped3A_276, %dma_start3A_340] : memref<2x128xi32, #tpu.memory_space<vmem>> -> memref<1x128xi32, #tpu.memory_space<vmem>>
        %dma_start3A_342 = tpu.memref_squeeze %dma_start3A_341 : memref<1x128xi32, #tpu.memory_space<vmem>> -> memref<128xi32, #tpu.memory_space<vmem>>
        %dma_start3A_343 = arith.constant 0 : i32
        %dma_start3A_344 = arith.constant 0 : i32
        %dma_start3A_345 = tpu.memref_slice %arg11[%dma_start3A_343, %dma_start3A_344] : memref<10240x128xf32, #tpu.memory_space<vmem_shared>> -> memref<10240x128xf32, #tpu.memory_space<vmem_shared>>
        tpu.enqueue_indirect_dma source(%arg10 : memref<128x128xf32, #tpu.memory_space<vmem>>) target(%dma_start3A_345 : memref<10240x128xf32, #tpu.memory_space<vmem_shared>>) offsets(%dma_start3A_342 : memref<128xi32, #tpu.memory_space<vmem>>) semaphore(%run_scoped3A_339 : memref<!tpu.dma_semaphore, #tpu.memory_space<semaphore_mem>>) {add = true}
        %dma_wait3A_346 = arith.constant 0 : i32
        %dma_wait3A_347 = tpu.memref_slice %arg6[%run_scoped3A_276, %dma_wait3A_346] : memref<2x128xi32, #tpu.memory_space<vmem>> -> memref<1x128xi32, #tpu.memory_space<vmem>>
        %dma_wait3A_348 = tpu.memref_squeeze %dma_wait3A_347 : memref<1x128xi32, #tpu.memory_space<vmem>> -> memref<128xi32, #tpu.memory_space<vmem>>
        %dma_wait3A_349 = arith.constant 0 : i32
        %dma_wait3A_350 = arith.constant 0 : i32
        %dma_wait3A_351 = tpu.memref_slice %arg11[%dma_wait3A_349, %dma_wait3A_350] : memref<10240x128xf32, #tpu.memory_space<vmem_shared>> -> memref<10240x128xf32, #tpu.memory_space<vmem_shared>>
        tpu.wait_indirect_dma semaphore(%run_scoped3A_339 : memref<!tpu.dma_semaphore, #tpu.memory_space<semaphore_mem>>) src(%arg10 : memref<128x128xf32, #tpu.memory_space<vmem>>) dst(%dma_wait3A_351 : memref<10240x128xf32, #tpu.memory_space<vmem_shared>>)
        tpu.yield
      }) : () -> ()
      %add3A_277 = arith.constant 4 : i32
      %add3A_278 = arith.addi %add3A_268, %add3A_277 : i32
      %lt3A_279 = arith.constant 80 : i32
      %lt3A_280 = arith.cmpi slt, %add3A_278, %lt3A_279 : i32
      %convert_element_type3A_281 = arith.extui %lt3A_280 : i1 to i32
      %cond3A_282 = arith.constant 0 : i32
      %cond3A_283 = arith.cmpi ne, %convert_element_type3A_281, %cond3A_282 : i32
      scf.if %cond3A_283 {
        %add3A_339 = arith.constant 4 : i32
        %add3A_340 = arith.addi %add3A_268, %add3A_339 : i32
        %mul3A_341 = arith.constant 128 : i32
        %mul3A_342 = arith.muli %add3A_340, %mul3A_341 : i32
        %add3A_343 = arith.addi %mul3A_4, %mul3A_342 : i32
        %dma_start3A_344 = arith.constant 0 : i32
        %dma_start3A_345 = arith.constant 0 : i32
        %dma_start3A_346 = tpu.memref_slice %arg6[%dma_start3A_344, %dma_start3A_345] : memref<2x128xi32, #tpu.memory_space<vmem>> -> memref<1x128xi32, #tpu.memory_space<vmem>>
        %dma_start3A_347 = tpu.memref_squeeze %dma_start3A_346 : memref<1x128xi32, #tpu.memory_space<vmem>> -> memref<128xi32, #tpu.memory_space<vmem>>
        %dma_start3A_348 = arith.constant 0 : i32
        %dma_start3A_349 = tpu.memref_slice %arg3[%scan3A, %dma_start3A_348] : memref<2x327680xi32, #tpu.memory_space<hbm>> -> memref<1x327680xi32, #tpu.memory_space<hbm>>
        %dma_start3A_350 = tpu.memref_squeeze %dma_start3A_349 : memref<1x327680xi32, #tpu.memory_space<hbm>> -> memref<327680xi32, #tpu.memory_space<hbm>>
        %dma_start3A_351 = tpu.memref_slice %dma_start3A_350[%add3A_343] : memref<327680xi32, #tpu.memory_space<hbm>> -> memref<128xi32, #tpu.memory_space<hbm>>
        %dma_start3A_352 = arith.constant 0 : i32
        %dma_start3A_353 = tpu.memref_slice %arg6[%dma_start3A_344, %dma_start3A_352] : memref<2x128xi32, #tpu.memory_space<vmem>> -> memref<1x128xi32, #tpu.memory_space<vmem>>
        %dma_start3A_354 = tpu.memref_squeeze %dma_start3A_353 : memref<1x128xi32, #tpu.memory_space<vmem>> -> memref<128xi32, #tpu.memory_space<vmem>>
        %dma_start3A_355 = arith.constant 0 : i32
        %dma_start3A_356 = tpu.memref_slice %arg3[%scan3A, %dma_start3A_355] : memref<2x327680xi32, #tpu.memory_space<hbm>> -> memref<1x327680xi32, #tpu.memory_space<hbm>>
        %dma_start3A_357 = tpu.memref_squeeze %dma_start3A_356 : memref<1x327680xi32, #tpu.memory_space<hbm>> -> memref<327680xi32, #tpu.memory_space<hbm>>
        %dma_start3A_358 = tpu.memref_slice %dma_start3A_357[%add3A_343] : memref<327680xi32, #tpu.memory_space<hbm>> -> memref<128xi32, #tpu.memory_space<hbm>>
        tpu.enqueue_dma source(%dma_start3A_358 : memref<128xi32, #tpu.memory_space<hbm>>) target(%dma_start3A_354 : memref<128xi32, #tpu.memory_space<vmem>>) target_semaphore(%arg13 : memref<!tpu.dma_semaphore, #tpu.memory_space<semaphore_mem>>)
        %mul3A_359 = arith.constant 128 : i32
        %mul3A_360 = arith.muli %add3A_340, %mul3A_359 : i32
        %add3A_361 = arith.addi %mul3A_4, %mul3A_360 : i32
        %dma_start3A_362 = arith.constant 1 : i32
        %dma_start3A_363 = arith.constant 0 : i32
        %dma_start3A_364 = tpu.memref_slice %arg6[%dma_start3A_362, %dma_start3A_363] : memref<2x128xi32, #tpu.memory_space<vmem>> -> memref<1x128xi32, #tpu.memory_space<vmem>>
        %dma_start3A_365 = tpu.memref_squeeze %dma_start3A_364 : memref<1x128xi32, #tpu.memory_space<vmem>> -> memref<128xi32, #tpu.memory_space<vmem>>
        %dma_start3A_366 = arith.constant 0 : i32
        %dma_start3A_367 = tpu.memref_slice %arg3[%scan3A_233, %dma_start3A_366] : memref<2x327680xi32, #tpu.memory_space<hbm>> -> memref<1x327680xi32, #tpu.memory_space<hbm>>
        %dma_start3A_368 = tpu.memref_squeeze %dma_start3A_367 : memref<1x327680xi32, #tpu.memory_space<hbm>> -> memref<327680xi32, #tpu.memory_space<hbm>>
        %dma_start3A_369 = tpu.memref_slice %dma_start3A_368[%add3A_361] : memref<327680xi32, #tpu.memory_space<hbm>> -> memref<128xi32, #tpu.memory_space<hbm>>
        %dma_start3A_370 = arith.constant 0 : i32
        %dma_start3A_371 = tpu.memref_slice %arg6[%dma_start3A_362, %dma_start3A_370] : memref<2x128xi32, #tpu.memory_space<vmem>> -> memref<1x128xi32, #tpu.memory_space<vmem>>
        %dma_start3A_372 = tpu.memref_squeeze %dma_start3A_371 : memref<1x128xi32, #tpu.memory_space<vmem>> -> memref<128xi32, #tpu.memory_space<vmem>>
        %dma_start3A_373 = arith.constant 0 : i32
        %dma_start3A_374 = tpu.memref_slice %arg3[%scan3A_233, %dma_start3A_373] : memref<2x327680xi32, #tpu.memory_space<hbm>> -> memref<1x327680xi32, #tpu.memory_space<hbm>>
        %dma_start3A_375 = tpu.memref_squeeze %dma_start3A_374 : memref<1x327680xi32, #tpu.memory_space<hbm>> -> memref<327680xi32, #tpu.memory_space<hbm>>
        %dma_start3A_376 = tpu.memref_slice %dma_start3A_375[%add3A_361] : memref<327680xi32, #tpu.memory_space<hbm>> -> memref<128xi32, #tpu.memory_space<hbm>>
        tpu.enqueue_dma source(%dma_start3A_376 : memref<128xi32, #tpu.memory_space<hbm>>) target(%dma_start3A_372 : memref<128xi32, #tpu.memory_space<vmem>>) target_semaphore(%arg13 : memref<!tpu.dma_semaphore, #tpu.memory_space<semaphore_mem>>)
      } else {
      }
      %add3A_284 = arith.constant 2 : i32
      %add3A_285 = arith.addi %add3A_268, %add3A_284 : i32
      %lt3A_286 = arith.constant 80 : i32
      %lt3A_287 = arith.cmpi slt, %add3A_285, %lt3A_286 : i32
      %convert_element_type3A_288 = arith.extui %lt3A_287 : i1 to i32
      %cond3A_289 = arith.constant 0 : i32
      %cond3A_290 = arith.cmpi ne, %convert_element_type3A_288, %cond3A_289 : i32
      scf.if %cond3A_290 {
        %add3A_339 = arith.constant 2 : i32
        %add3A_340 = arith.addi %add3A_268, %add3A_339 : i32
        %mul3A_341 = arith.constant 128 : i32
        %mul3A_342 = arith.muli %add3A_340, %mul3A_341 : i32
        %add3A_343 = arith.addi %mul3A_4, %mul3A_342 : i32
        %dma_wait3A_344 = arith.constant 0 : i32
        %dma_wait3A_345 = arith.constant 0 : i32
        %dma_wait3A_346 = tpu.memref_slice %arg8[%dma_wait3A_344, %dma_wait3A_345] : memref<2x128xi32, #tpu.memory_space<vmem>> -> memref<1x128xi32, #tpu.memory_space<vmem>>
        %dma_wait3A_347 = tpu.memref_squeeze %dma_wait3A_346 : memref<1x128xi32, #tpu.memory_space<vmem>> -> memref<128xi32, #tpu.memory_space<vmem>>
        %dma_wait3A_348 = arith.constant 0 : i32
        %dma_wait3A_349 = tpu.memref_slice %arg3[%scan3A, %dma_wait3A_348] : memref<2x327680xi32, #tpu.memory_space<hbm>> -> memref<1x327680xi32, #tpu.memory_space<hbm>>
        %dma_wait3A_350 = tpu.memref_squeeze %dma_wait3A_349 : memref<1x327680xi32, #tpu.memory_space<hbm>> -> memref<327680xi32, #tpu.memory_space<hbm>>
        %dma_wait3A_351 = tpu.memref_slice %dma_wait3A_350[%add3A_343] : memref<327680xi32, #tpu.memory_space<hbm>> -> memref<128xi32, #tpu.memory_space<hbm>>
        %dma_wait3A_352 = arith.constant 0 : i32
        %dma_wait3A_353 = tpu.memref_slice %arg8[%dma_wait3A_344, %dma_wait3A_352] : memref<2x128xi32, #tpu.memory_space<vmem>> -> memref<1x128xi32, #tpu.memory_space<vmem>>
        %dma_wait3A_354 = tpu.memref_squeeze %dma_wait3A_353 : memref<1x128xi32, #tpu.memory_space<vmem>> -> memref<128xi32, #tpu.memory_space<vmem>>
        %dma_wait3A_355 = arith.constant 0 : i32
        %dma_wait3A_356 = tpu.memref_slice %arg3[%scan3A, %dma_wait3A_355] : memref<2x327680xi32, #tpu.memory_space<hbm>> -> memref<1x327680xi32, #tpu.memory_space<hbm>>
        %dma_wait3A_357 = tpu.memref_squeeze %dma_wait3A_356 : memref<1x327680xi32, #tpu.memory_space<hbm>> -> memref<327680xi32, #tpu.memory_space<hbm>>
        %dma_wait3A_358 = tpu.memref_slice %dma_wait3A_357[%add3A_343] : memref<327680xi32, #tpu.memory_space<hbm>> -> memref<128xi32, #tpu.memory_space<hbm>>
        tpu.wait_dma2 semaphore(%arg15 : memref<!tpu.dma_semaphore, #tpu.memory_space<semaphore_mem>>) src(%dma_wait3A_358 : memref<128xi32, #tpu.memory_space<hbm>>) dst(%dma_wait3A_354 : memref<128xi32, #tpu.memory_space<vmem>>)
        %mul3A_359 = arith.constant 128 : i32
        %mul3A_360 = arith.muli %add3A_340, %mul3A_359 : i32
        %add3A_361 = arith.addi %mul3A_4, %mul3A_360 : i32
        %dma_wait3A_362 = arith.constant 1 : i32
        %dma_wait3A_363 = arith.constant 0 : i32
        %dma_wait3A_364 = tpu.memref_slice %arg8[%dma_wait3A_362, %dma_wait3A_363] : memref<2x128xi32, #tpu.memory_space<vmem>> -> memref<1x128xi32, #tpu.memory_space<vmem>>
        %dma_wait3A_365 = tpu.memref_squeeze %dma_wait3A_364 : memref<1x128xi32, #tpu.memory_space<vmem>> -> memref<128xi32, #tpu.memory_space<vmem>>
        %dma_wait3A_366 = arith.constant 0 : i32
        %dma_wait3A_367 = tpu.memref_slice %arg3[%scan3A_233, %dma_wait3A_366] : memref<2x327680xi32, #tpu.memory_space<hbm>> -> memref<1x327680xi32, #tpu.memory_space<hbm>>
        %dma_wait3A_368 = tpu.memref_squeeze %dma_wait3A_367 : memref<1x327680xi32, #tpu.memory_space<hbm>> -> memref<327680xi32, #tpu.memory_space<hbm>>
        %dma_wait3A_369 = tpu.memref_slice %dma_wait3A_368[%add3A_361] : memref<327680xi32, #tpu.memory_space<hbm>> -> memref<128xi32, #tpu.memory_space<hbm>>
        %dma_wait3A_370 = arith.constant 0 : i32
        %dma_wait3A_371 = tpu.memref_slice %arg8[%dma_wait3A_362, %dma_wait3A_370] : memref<2x128xi32, #tpu.memory_space<vmem>> -> memref<1x128xi32, #tpu.memory_space<vmem>>
        %dma_wait3A_372 = tpu.memref_squeeze %dma_wait3A_371 : memref<1x128xi32, #tpu.memory_space<vmem>> -> memref<128xi32, #tpu.memory_space<vmem>>
        %dma_wait3A_373 = arith.constant 0 : i32
        %dma_wait3A_374 = tpu.memref_slice %arg3[%scan3A_233, %dma_wait3A_373] : memref<2x327680xi32, #tpu.memory_space<hbm>> -> memref<1x327680xi32, #tpu.memory_space<hbm>>
        %dma_wait3A_375 = tpu.memref_squeeze %dma_wait3A_374 : memref<1x327680xi32, #tpu.memory_space<hbm>> -> memref<327680xi32, #tpu.memory_space<hbm>>
        %dma_wait3A_376 = tpu.memref_slice %dma_wait3A_375[%add3A_361] : memref<327680xi32, #tpu.memory_space<hbm>> -> memref<128xi32, #tpu.memory_space<hbm>>
        tpu.wait_dma2 semaphore(%arg15 : memref<!tpu.dma_semaphore, #tpu.memory_space<semaphore_mem>>) src(%dma_wait3A_376 : memref<128xi32, #tpu.memory_space<hbm>>) dst(%dma_wait3A_372 : memref<128xi32, #tpu.memory_space<vmem>>)
        %dma_start3A_377 = arith.constant 0 : i32
        %dma_start3A_378 = arith.constant 0 : i32
        %dma_start3A_379 = tpu.memref_slice %arg8[%dma_start3A_377, %dma_start3A_378] : memref<2x128xi32, #tpu.memory_space<vmem>> -> memref<1x128xi32, #tpu.memory_space<vmem>>
        %dma_start3A_380 = tpu.memref_squeeze %dma_start3A_379 : memref<1x128xi32, #tpu.memory_space<vmem>> -> memref<128xi32, #tpu.memory_space<vmem>>
        %dma_start3A_381 = arith.constant 0 : i32
        %dma_start3A_382 = arith.constant 0 : i32
        %dma_start3A_383 = tpu.memref_slice %arg2[%dma_start3A_381, %dma_start3A_382] : memref<10240x128xf32, #tpu.memory_space<hbm>> -> memref<10240x128xf32, #tpu.memory_space<hbm>>
        tpu.enqueue_indirect_dma source(%dma_start3A_383 : memref<10240x128xf32, #tpu.memory_space<hbm>>) target(%arg10 : memref<128x128xf32, #tpu.memory_space<vmem>>) offsets(%dma_start3A_380 : memref<128xi32, #tpu.memory_space<vmem>>) semaphore(%arg17 : memref<!tpu.dma_semaphore, #tpu.memory_space<semaphore_mem>>)
      } else {
      }
      %add3A_291 = arith.constant 2 : i32
      %add3A_292 = arith.addi %mul3A_246, %add3A_291 : i32
      %dma_wait3A_293 = arith.constant 0 : i32
      %dma_wait3A_294 = arith.constant 0 : i32
      %dma_wait3A_295 = tpu.memref_slice %arg7[%dma_wait3A_293, %dma_wait3A_294] : memref<2x128xi32, #tpu.memory_space<vmem>> -> memref<1x128xi32, #tpu.memory_space<vmem>>
      %dma_wait3A_296 = tpu.memref_squeeze %dma_wait3A_295 : memref<1x128xi32, #tpu.memory_space<vmem>> -> memref<128xi32, #tpu.memory_space<vmem>>
      %dma_wait3A_297 = arith.constant 0 : i32
      %dma_wait3A_298 = arith.constant 0 : i32
      %dma_wait3A_299 = tpu.memref_slice %arg2[%dma_wait3A_297, %dma_wait3A_298] : memref<10240x128xf32, #tpu.memory_space<hbm>> -> memref<10240x128xf32, #tpu.memory_space<hbm>>
      tpu.wait_indirect_dma semaphore(%arg16 : memref<!tpu.dma_semaphore, #tpu.memory_space<semaphore_mem>>) src(%dma_wait3A_299 : memref<10240x128xf32, #tpu.memory_space<hbm>>) dst(%arg9 : memref<128x128xf32, #tpu.memory_space<vmem>>)
      %run_scoped3A_300 = arith.constant 1 : i32
      "tpu.region"() ({
        %run_scoped3A_339 = tpu.sem_alloc : memref<!tpu.dma_semaphore, #tpu.memory_space<semaphore_mem>>
        %dma_start3A_340 = arith.constant 0 : i32
        %dma_start3A_341 = tpu.memref_slice %arg7[%run_scoped3A_300, %dma_start3A_340] : memref<2x128xi32, #tpu.memory_space<vmem>> -> memref<1x128xi32, #tpu.memory_space<vmem>>
        %dma_start3A_342 = tpu.memref_squeeze %dma_start3A_341 : memref<1x128xi32, #tpu.memory_space<vmem>> -> memref<128xi32, #tpu.memory_space<vmem>>
        %dma_start3A_343 = arith.constant 0 : i32
        %dma_start3A_344 = arith.constant 0 : i32
        %dma_start3A_345 = tpu.memref_slice %arg11[%dma_start3A_343, %dma_start3A_344] : memref<10240x128xf32, #tpu.memory_space<vmem_shared>> -> memref<10240x128xf32, #tpu.memory_space<vmem_shared>>
        tpu.enqueue_indirect_dma source(%arg9 : memref<128x128xf32, #tpu.memory_space<vmem>>) target(%dma_start3A_345 : memref<10240x128xf32, #tpu.memory_space<vmem_shared>>) offsets(%dma_start3A_342 : memref<128xi32, #tpu.memory_space<vmem>>) semaphore(%run_scoped3A_339 : memref<!tpu.dma_semaphore, #tpu.memory_space<semaphore_mem>>) {add = true}
        %dma_wait3A_346 = arith.constant 0 : i32
        %dma_wait3A_347 = tpu.memref_slice %arg7[%run_scoped3A_300, %dma_wait3A_346] : memref<2x128xi32, #tpu.memory_space<vmem>> -> memref<1x128xi32, #tpu.memory_space<vmem>>
        %dma_wait3A_348 = tpu.memref_squeeze %dma_wait3A_347 : memref<1x128xi32, #tpu.memory_space<vmem>> -> memref<128xi32, #tpu.memory_space<vmem>>
        %dma_wait3A_349 = arith.constant 0 : i32
        %dma_wait3A_350 = arith.constant 0 : i32
        %dma_wait3A_351 = tpu.memref_slice %arg11[%dma_wait3A_349, %dma_wait3A_350] : memref<10240x128xf32, #tpu.memory_space<vmem_shared>> -> memref<10240x128xf32, #tpu.memory_space<vmem_shared>>
        tpu.wait_indirect_dma semaphore(%run_scoped3A_339 : memref<!tpu.dma_semaphore, #tpu.memory_space<semaphore_mem>>) src(%arg9 : memref<128x128xf32, #tpu.memory_space<vmem>>) dst(%dma_wait3A_351 : memref<10240x128xf32, #tpu.memory_space<vmem_shared>>)
        tpu.yield
      }) : () -> ()
      %add3A_301 = arith.constant 4 : i32
      %add3A_302 = arith.addi %add3A_292, %add3A_301 : i32
      %lt3A_303 = arith.constant 80 : i32
      %lt3A_304 = arith.cmpi slt, %add3A_302, %lt3A_303 : i32
      %convert_element_type3A_305 = arith.extui %lt3A_304 : i1 to i32
      %cond3A_306 = arith.constant 0 : i32
      %cond3A_307 = arith.cmpi ne, %convert_element_type3A_305, %cond3A_306 : i32
      scf.if %cond3A_307 {
        %add3A_339 = arith.constant 4 : i32
        %add3A_340 = arith.addi %add3A_292, %add3A_339 : i32
        %mul3A_341 = arith.constant 128 : i32
        %mul3A_342 = arith.muli %add3A_340, %mul3A_341 : i32
        %add3A_343 = arith.addi %mul3A_4, %mul3A_342 : i32
        %dma_start3A_344 = arith.constant 0 : i32
        %dma_start3A_345 = arith.constant 0 : i32
        %dma_start3A_346 = tpu.memref_slice %arg7[%dma_start3A_344, %dma_start3A_345] : memref<2x128xi32, #tpu.memory_space<vmem>> -> memref<1x128xi32, #tpu.memory_space<vmem>>
        %dma_start3A_347 = tpu.memref_squeeze %dma_start3A_346 : memref<1x128xi32, #tpu.memory_space<vmem>> -> memref<128xi32, #tpu.memory_space<vmem>>
        %dma_start3A_348 = arith.constant 0 : i32
        %dma_start3A_349 = tpu.memref_slice %arg3[%scan3A, %dma_start3A_348] : memref<2x327680xi32, #tpu.memory_space<hbm>> -> memref<1x327680xi32, #tpu.memory_space<hbm>>
        %dma_start3A_350 = tpu.memref_squeeze %dma_start3A_349 : memref<1x327680xi32, #tpu.memory_space<hbm>> -> memref<327680xi32, #tpu.memory_space<hbm>>
        %dma_start3A_351 = tpu.memref_slice %dma_start3A_350[%add3A_343] : memref<327680xi32, #tpu.memory_space<hbm>> -> memref<128xi32, #tpu.memory_space<hbm>>
        %dma_start3A_352 = arith.constant 0 : i32
        %dma_start3A_353 = tpu.memref_slice %arg7[%dma_start3A_344, %dma_start3A_352] : memref<2x128xi32, #tpu.memory_space<vmem>> -> memref<1x128xi32, #tpu.memory_space<vmem>>
        %dma_start3A_354 = tpu.memref_squeeze %dma_start3A_353 : memref<1x128xi32, #tpu.memory_space<vmem>> -> memref<128xi32, #tpu.memory_space<vmem>>
        %dma_start3A_355 = arith.constant 0 : i32
        %dma_start3A_356 = tpu.memref_slice %arg3[%scan3A, %dma_start3A_355] : memref<2x327680xi32, #tpu.memory_space<hbm>> -> memref<1x327680xi32, #tpu.memory_space<hbm>>
        %dma_start3A_357 = tpu.memref_squeeze %dma_start3A_356 : memref<1x327680xi32, #tpu.memory_space<hbm>> -> memref<327680xi32, #tpu.memory_space<hbm>>
        %dma_start3A_358 = tpu.memref_slice %dma_start3A_357[%add3A_343] : memref<327680xi32, #tpu.memory_space<hbm>> -> memref<128xi32, #tpu.memory_space<hbm>>
        tpu.enqueue_dma source(%dma_start3A_358 : memref<128xi32, #tpu.memory_space<hbm>>) target(%dma_start3A_354 : memref<128xi32, #tpu.memory_space<vmem>>) target_semaphore(%arg14 : memref<!tpu.dma_semaphore, #tpu.memory_space<semaphore_mem>>)
        %mul3A_359 = arith.constant 128 : i32
        %mul3A_360 = arith.muli %add3A_340, %mul3A_359 : i32
        %add3A_361 = arith.addi %mul3A_4, %mul3A_360 : i32
        %dma_start3A_362 = arith.constant 1 : i32
        %dma_start3A_363 = arith.constant 0 : i32
        %dma_start3A_364 = tpu.memref_slice %arg7[%dma_start3A_362, %dma_start3A_363] : memref<2x128xi32, #tpu.memory_space<vmem>> -> memref<1x128xi32, #tpu.memory_space<vmem>>
        %dma_start3A_365 = tpu.memref_squeeze %dma_start3A_364 : memref<1x128xi32, #tpu.memory_space<vmem>> -> memref<128xi32, #tpu.memory_space<vmem>>
        %dma_start3A_366 = arith.constant 0 : i32
        %dma_start3A_367 = tpu.memref_slice %arg3[%scan3A_233, %dma_start3A_366] : memref<2x327680xi32, #tpu.memory_space<hbm>> -> memref<1x327680xi32, #tpu.memory_space<hbm>>
        %dma_start3A_368 = tpu.memref_squeeze %dma_start3A_367 : memref<1x327680xi32, #tpu.memory_space<hbm>> -> memref<327680xi32, #tpu.memory_space<hbm>>
        %dma_start3A_369 = tpu.memref_slice %dma_start3A_368[%add3A_361] : memref<327680xi32, #tpu.memory_space<hbm>> -> memref<128xi32, #tpu.memory_space<hbm>>
        %dma_start3A_370 = arith.constant 0 : i32
        %dma_start3A_371 = tpu.memref_slice %arg7[%dma_start3A_362, %dma_start3A_370] : memref<2x128xi32, #tpu.memory_space<vmem>> -> memref<1x128xi32, #tpu.memory_space<vmem>>
        %dma_start3A_372 = tpu.memref_squeeze %dma_start3A_371 : memref<1x128xi32, #tpu.memory_space<vmem>> -> memref<128xi32, #tpu.memory_space<vmem>>
        %dma_start3A_373 = arith.constant 0 : i32
        %dma_start3A_374 = tpu.memref_slice %arg3[%scan3A_233, %dma_start3A_373] : memref<2x327680xi32, #tpu.memory_space<hbm>> -> memref<1x327680xi32, #tpu.memory_space<hbm>>
        %dma_start3A_375 = tpu.memref_squeeze %dma_start3A_374 : memref<1x327680xi32, #tpu.memory_space<hbm>> -> memref<327680xi32, #tpu.memory_space<hbm>>
        %dma_start3A_376 = tpu.memref_slice %dma_start3A_375[%add3A_361] : memref<327680xi32, #tpu.memory_space<hbm>> -> memref<128xi32, #tpu.memory_space<hbm>>
        tpu.enqueue_dma source(%dma_start3A_376 : memref<128xi32, #tpu.memory_space<hbm>>) target(%dma_start3A_372 : memref<128xi32, #tpu.memory_space<vmem>>) target_semaphore(%arg14 : memref<!tpu.dma_semaphore, #tpu.memory_space<semaphore_mem>>)
      } else {
      }
      %add3A_308 = arith.constant 2 : i32
      %add3A_309 = arith.addi %add3A_292, %add3A_308 : i32
      %lt3A_310 = arith.constant 80 : i32
      %lt3A_311 = arith.cmpi slt, %add3A_309, %lt3A_310 : i32
      %convert_element_type3A_312 = arith.extui %lt3A_311 : i1 to i32
      %cond3A_313 = arith.constant 0 : i32
      %cond3A_314 = arith.cmpi ne, %convert_element_type3A_312, %cond3A_313 : i32
      scf.if %cond3A_314 {
        %add3A_339 = arith.constant 2 : i32
        %add3A_340 = arith.addi %add3A_292, %add3A_339 : i32
        %mul3A_341 = arith.constant 128 : i32
        %mul3A_342 = arith.muli %add3A_340, %mul3A_341 : i32
        %add3A_343 = arith.addi %mul3A_4, %mul3A_342 : i32
        %dma_wait3A_344 = arith.constant 0 : i32
        %dma_wait3A_345 = arith.constant 0 : i32
        %dma_wait3A_346 = tpu.memref_slice %arg5[%dma_wait3A_344, %dma_wait3A_345] : memref<2x128xi32, #tpu.memory_space<vmem>> -> memref<1x128xi32, #tpu.memory_space<vmem>>
        %dma_wait3A_347 = tpu.memref_squeeze %dma_wait3A_346 : memref<1x128xi32, #tpu.memory_space<vmem>> -> memref<128xi32, #tpu.memory_space<vmem>>
        %dma_wait3A_348 = arith.constant 0 : i32
        %dma_wait3A_349 = tpu.memref_slice %arg3[%scan3A, %dma_wait3A_348] : memref<2x327680xi32, #tpu.memory_space<hbm>> -> memref<1x327680xi32, #tpu.memory_space<hbm>>
        %dma_wait3A_350 = tpu.memref_squeeze %dma_wait3A_349 : memref<1x327680xi32, #tpu.memory_space<hbm>> -> memref<327680xi32, #tpu.memory_space<hbm>>
        %dma_wait3A_351 = tpu.memref_slice %dma_wait3A_350[%add3A_343] : memref<327680xi32, #tpu.memory_space<hbm>> -> memref<128xi32, #tpu.memory_space<hbm>>
        %dma_wait3A_352 = arith.constant 0 : i32
        %dma_wait3A_353 = tpu.memref_slice %arg5[%dma_wait3A_344, %dma_wait3A_352] : memref<2x128xi32, #tpu.memory_space<vmem>> -> memref<1x128xi32, #tpu.memory_space<vmem>>
        %dma_wait3A_354 = tpu.memref_squeeze %dma_wait3A_353 : memref<1x128xi32, #tpu.memory_space<vmem>> -> memref<128xi32, #tpu.memory_space<vmem>>
        %dma_wait3A_355 = arith.constant 0 : i32
        %dma_wait3A_356 = tpu.memref_slice %arg3[%scan3A, %dma_wait3A_355] : memref<2x327680xi32, #tpu.memory_space<hbm>> -> memref<1x327680xi32, #tpu.memory_space<hbm>>
        %dma_wait3A_357 = tpu.memref_squeeze %dma_wait3A_356 : memref<1x327680xi32, #tpu.memory_space<hbm>> -> memref<327680xi32, #tpu.memory_space<hbm>>
        %dma_wait3A_358 = tpu.memref_slice %dma_wait3A_357[%add3A_343] : memref<327680xi32, #tpu.memory_space<hbm>> -> memref<128xi32, #tpu.memory_space<hbm>>
        tpu.wait_dma2 semaphore(%arg12 : memref<!tpu.dma_semaphore, #tpu.memory_space<semaphore_mem>>) src(%dma_wait3A_358 : memref<128xi32, #tpu.memory_space<hbm>>) dst(%dma_wait3A_354 : memref<128xi32, #tpu.memory_space<vmem>>)
        %mul3A_359 = arith.constant 128 : i32
        %mul3A_360 = arith.muli %add3A_340, %mul3A_359 : i32
        %add3A_361 = arith.addi %mul3A_4, %mul3A_360 : i32
        %dma_wait3A_362 = arith.constant 1 : i32
        %dma_wait3A_363 = arith.constant 0 : i32
        %dma_wait3A_364 = tpu.memref_slice %arg5[%dma_wait3A_362, %dma_wait3A_363] : memref<2x128xi32, #tpu.memory_space<vmem>> -> memref<1x128xi32, #tpu.memory_space<vmem>>
        %dma_wait3A_365 = tpu.memref_squeeze %dma_wait3A_364 : memref<1x128xi32, #tpu.memory_space<vmem>> -> memref<128xi32, #tpu.memory_space<vmem>>
        %dma_wait3A_366 = arith.constant 0 : i32
        %dma_wait3A_367 = tpu.memref_slice %arg3[%scan3A_233, %dma_wait3A_366] : memref<2x327680xi32, #tpu.memory_space<hbm>> -> memref<1x327680xi32, #tpu.memory_space<hbm>>
        %dma_wait3A_368 = tpu.memref_squeeze %dma_wait3A_367 : memref<1x327680xi32, #tpu.memory_space<hbm>> -> memref<327680xi32, #tpu.memory_space<hbm>>
        %dma_wait3A_369 = tpu.memref_slice %dma_wait3A_368[%add3A_361] : memref<327680xi32, #tpu.memory_space<hbm>> -> memref<128xi32, #tpu.memory_space<hbm>>
        %dma_wait3A_370 = arith.constant 0 : i32
        %dma_wait3A_371 = tpu.memref_slice %arg5[%dma_wait3A_362, %dma_wait3A_370] : memref<2x128xi32, #tpu.memory_space<vmem>> -> memref<1x128xi32, #tpu.memory_space<vmem>>
        %dma_wait3A_372 = tpu.memref_squeeze %dma_wait3A_371 : memref<1x128xi32, #tpu.memory_space<vmem>> -> memref<128xi32, #tpu.memory_space<vmem>>
        %dma_wait3A_373 = arith.constant 0 : i32
        %dma_wait3A_374 = tpu.memref_slice %arg3[%scan3A_233, %dma_wait3A_373] : memref<2x327680xi32, #tpu.memory_space<hbm>> -> memref<1x327680xi32, #tpu.memory_space<hbm>>
        %dma_wait3A_375 = tpu.memref_squeeze %dma_wait3A_374 : memref<1x327680xi32, #tpu.memory_space<hbm>> -> memref<327680xi32, #tpu.memory_space<hbm>>
        %dma_wait3A_376 = tpu.memref_slice %dma_wait3A_375[%add3A_361] : memref<327680xi32, #tpu.memory_space<hbm>> -> memref<128xi32, #tpu.memory_space<hbm>>
        tpu.wait_dma2 semaphore(%arg12 : memref<!tpu.dma_semaphore, #tpu.memory_space<semaphore_mem>>) src(%dma_wait3A_376 : memref<128xi32, #tpu.memory_space<hbm>>) dst(%dma_wait3A_372 : memref<128xi32, #tpu.memory_space<vmem>>)
        %dma_start3A_377 = arith.constant 0 : i32
        %dma_start3A_378 = arith.constant 0 : i32
        %dma_start3A_379 = tpu.memref_slice %arg5[%dma_start3A_377, %dma_start3A_378] : memref<2x128xi32, #tpu.memory_space<vmem>> -> memref<1x128xi32, #tpu.memory_space<vmem>>
        %dma_start3A_380 = tpu.memref_squeeze %dma_start3A_379 : memref<1x128xi32, #tpu.memory_space<vmem>> -> memref<128xi32, #tpu.memory_space<vmem>>
        %dma_start3A_381 = arith.constant 0 : i32
        %dma_start3A_382 = arith.constant 0 : i32
        %dma_start3A_383 = tpu.memref_slice %arg2[%dma_start3A_381, %dma_start3A_382] : memref<10240x128xf32, #tpu.memory_space<hbm>> -> memref<10240x128xf32, #tpu.memory_space<hbm>>
        tpu.enqueue_indirect_dma source(%dma_start3A_383 : memref<10240x128xf32, #tpu.memory_space<hbm>>) target(%arg9 : memref<128x128xf32, #tpu.memory_space<vmem>>) offsets(%dma_start3A_380 : memref<128xi32, #tpu.memory_space<vmem>>) semaphore(%arg16 : memref<!tpu.dma_semaphore, #tpu.memory_space<semaphore_mem>>)
      } else {
      }
      %add3A_315 = arith.constant 3 : i32
      %add3A_316 = arith.addi %mul3A_246, %add3A_315 : i32
      %dma_wait3A_317 = arith.constant 0 : i32
      %dma_wait3A_318 = arith.constant 0 : i32
      %dma_wait3A_319 = tpu.memref_slice %arg8[%dma_wait3A_317, %dma_wait3A_318] : memref<2x128xi32, #tpu.memory_space<vmem>> -> memref<1x128xi32, #tpu.memory_space<vmem>>
      %dma_wait3A_320 = tpu.memref_squeeze %dma_wait3A_319 : memref<1x128xi32, #tpu.memory_space<vmem>> -> memref<128xi32, #tpu.memory_space<vmem>>
      %dma_wait3A_321 = arith.constant 0 : i32
      %dma_wait3A_322 = arith.constant 0 : i32
      %dma_wait3A_323 = tpu.memref_slice %arg2[%dma_wait3A_321, %dma_wait3A_322] : memref<10240x128xf32, #tpu.memory_space<hbm>> -> memref<10240x128xf32, #tpu.memory_space<hbm>>
      tpu.wait_indirect_dma semaphore(%arg17 : memref<!tpu.dma_semaphore, #tpu.memory_space<semaphore_mem>>) src(%dma_wait3A_323 : memref<10240x128xf32, #tpu.memory_space<hbm>>) dst(%arg10 : memref<128x128xf32, #tpu.memory_space<vmem>>)
      %run_scoped3A_324 = arith.constant 1 : i32
      "tpu.region"() ({
        %run_scoped3A_339 = tpu.sem_alloc : memref<!tpu.dma_semaphore, #tpu.memory_space<semaphore_mem>>
        %dma_start3A_340 = arith.constant 0 : i32
        %dma_start3A_341 = tpu.memref_slice %arg8[%run_scoped3A_324, %dma_start3A_340] : memref<2x128xi32, #tpu.memory_space<vmem>> -> memref<1x128xi32, #tpu.memory_space<vmem>>
        %dma_start3A_342 = tpu.memref_squeeze %dma_start3A_341 : memref<1x128xi32, #tpu.memory_space<vmem>> -> memref<128xi32, #tpu.memory_space<vmem>>
        %dma_start3A_343 = arith.constant 0 : i32
        %dma_start3A_344 = arith.constant 0 : i32
        %dma_start3A_345 = tpu.memref_slice %arg11[%dma_start3A_343, %dma_start3A_344] : memref<10240x128xf32, #tpu.memory_space<vmem_shared>> -> memref<10240x128xf32, #tpu.memory_space<vmem_shared>>
        tpu.enqueue_indirect_dma source(%arg10 : memref<128x128xf32, #tpu.memory_space<vmem>>) target(%dma_start3A_345 : memref<10240x128xf32, #tpu.memory_space<vmem_shared>>) offsets(%dma_start3A_342 : memref<128xi32, #tpu.memory_space<vmem>>) semaphore(%run_scoped3A_339 : memref<!tpu.dma_semaphore, #tpu.memory_space<semaphore_mem>>) {add = true}
        %dma_wait3A_346 = arith.constant 0 : i32
        %dma_wait3A_347 = tpu.memref_slice %arg8[%run_scoped3A_324, %dma_wait3A_346] : memref<2x128xi32, #tpu.memory_space<vmem>> -> memref<1x128xi32, #tpu.memory_space<vmem>>
        %dma_wait3A_348 = tpu.memref_squeeze %dma_wait3A_347 : memref<1x128xi32, #tpu.memory_space<vmem>> -> memref<128xi32, #tpu.memory_space<vmem>>
        %dma_wait3A_349 = arith.constant 0 : i32
        %dma_wait3A_350 = arith.constant 0 : i32
        %dma_wait3A_351 = tpu.memref_slice %arg11[%dma_wait3A_349, %dma_wait3A_350] : memref<10240x128xf32, #tpu.memory_space<vmem_shared>> -> memref<10240x128xf32, #tpu.memory_space<vmem_shared>>
        tpu.wait_indirect_dma semaphore(%run_scoped3A_339 : memref<!tpu.dma_semaphore, #tpu.memory_space<semaphore_mem>>) src(%arg10 : memref<128x128xf32, #tpu.memory_space<vmem>>) dst(%dma_wait3A_351 : memref<10240x128xf32, #tpu.memory_space<vmem_shared>>)
        tpu.yield
      }) : () -> ()
      %add3A_325 = arith.constant 4 : i32
      %add3A_326 = arith.addi %add3A_316, %add3A_325 : i32
      %lt3A_327 = arith.constant 80 : i32
      %lt3A_328 = arith.cmpi slt, %add3A_326, %lt3A_327 : i32
      %convert_element_type3A_329 = arith.extui %lt3A_328 : i1 to i32
      %cond3A_330 = arith.constant 0 : i32
      %cond3A_331 = arith.cmpi ne, %convert_element_type3A_329, %cond3A_330 : i32
      scf.if %cond3A_331 {
        %add3A_339 = arith.constant 4 : i32
        %add3A_340 = arith.addi %add3A_316, %add3A_339 : i32
        %mul3A_341 = arith.constant 128 : i32
        %mul3A_342 = arith.muli %add3A_340, %mul3A_341 : i32
        %add3A_343 = arith.addi %mul3A_4, %mul3A_342 : i32
        %dma_start3A_344 = arith.constant 0 : i32
        %dma_start3A_345 = arith.constant 0 : i32
        %dma_start3A_346 = tpu.memref_slice %arg8[%dma_start3A_344, %dma_start3A_345] : memref<2x128xi32, #tpu.memory_space<vmem>> -> memref<1x128xi32, #tpu.memory_space<vmem>>
        %dma_start3A_347 = tpu.memref_squeeze %dma_start3A_346 : memref<1x128xi32, #tpu.memory_space<vmem>> -> memref<128xi32, #tpu.memory_space<vmem>>
        %dma_start3A_348 = arith.constant 0 : i32
        %dma_start3A_349 = tpu.memref_slice %arg3[%scan3A, %dma_start3A_348] : memref<2x327680xi32, #tpu.memory_space<hbm>> -> memref<1x327680xi32, #tpu.memory_space<hbm>>
        %dma_start3A_350 = tpu.memref_squeeze %dma_start3A_349 : memref<1x327680xi32, #tpu.memory_space<hbm>> -> memref<327680xi32, #tpu.memory_space<hbm>>
        %dma_start3A_351 = tpu.memref_slice %dma_start3A_350[%add3A_343] : memref<327680xi32, #tpu.memory_space<hbm>> -> memref<128xi32, #tpu.memory_space<hbm>>
        %dma_start3A_352 = arith.constant 0 : i32
        %dma_start3A_353 = tpu.memref_slice %arg8[%dma_start3A_344, %dma_start3A_352] : memref<2x128xi32, #tpu.memory_space<vmem>> -> memref<1x128xi32, #tpu.memory_space<vmem>>
        %dma_start3A_354 = tpu.memref_squeeze %dma_start3A_353 : memref<1x128xi32, #tpu.memory_space<vmem>> -> memref<128xi32, #tpu.memory_space<vmem>>
        %dma_start3A_355 = arith.constant 0 : i32
        %dma_start3A_356 = tpu.memref_slice %arg3[%scan3A, %dma_start3A_355] : memref<2x327680xi32, #tpu.memory_space<hbm>> -> memref<1x327680xi32, #tpu.memory_space<hbm>>
        %dma_start3A_357 = tpu.memref_squeeze %dma_start3A_356 : memref<1x327680xi32, #tpu.memory_space<hbm>> -> memref<327680xi32, #tpu.memory_space<hbm>>
        %dma_start3A_358 = tpu.memref_slice %dma_start3A_357[%add3A_343] : memref<327680xi32, #tpu.memory_space<hbm>> -> memref<128xi32, #tpu.memory_space<hbm>>
        tpu.enqueue_dma source(%dma_start3A_358 : memref<128xi32, #tpu.memory_space<hbm>>) target(%dma_start3A_354 : memref<128xi32, #tpu.memory_space<vmem>>) target_semaphore(%arg15 : memref<!tpu.dma_semaphore, #tpu.memory_space<semaphore_mem>>)
        %mul3A_359 = arith.constant 128 : i32
        %mul3A_360 = arith.muli %add3A_340, %mul3A_359 : i32
        %add3A_361 = arith.addi %mul3A_4, %mul3A_360 : i32
        %dma_start3A_362 = arith.constant 1 : i32
        %dma_start3A_363 = arith.constant 0 : i32
        %dma_start3A_364 = tpu.memref_slice %arg8[%dma_start3A_362, %dma_start3A_363] : memref<2x128xi32, #tpu.memory_space<vmem>> -> memref<1x128xi32, #tpu.memory_space<vmem>>
        %dma_start3A_365 = tpu.memref_squeeze %dma_start3A_364 : memref<1x128xi32, #tpu.memory_space<vmem>> -> memref<128xi32, #tpu.memory_space<vmem>>
        %dma_start3A_366 = arith.constant 0 : i32
        %dma_start3A_367 = tpu.memref_slice %arg3[%scan3A_233, %dma_start3A_366] : memref<2x327680xi32, #tpu.memory_space<hbm>> -> memref<1x327680xi32, #tpu.memory_space<hbm>>
        %dma_start3A_368 = tpu.memref_squeeze %dma_start3A_367 : memref<1x327680xi32, #tpu.memory_space<hbm>> -> memref<327680xi32, #tpu.memory_space<hbm>>
        %dma_start3A_369 = tpu.memref_slice %dma_start3A_368[%add3A_361] : memref<327680xi32, #tpu.memory_space<hbm>> -> memref<128xi32, #tpu.memory_space<hbm>>
        %dma_start3A_370 = arith.constant 0 : i32
        %dma_start3A_371 = tpu.memref_slice %arg8[%dma_start3A_362, %dma_start3A_370] : memref<2x128xi32, #tpu.memory_space<vmem>> -> memref<1x128xi32, #tpu.memory_space<vmem>>
        %dma_start3A_372 = tpu.memref_squeeze %dma_start3A_371 : memref<1x128xi32, #tpu.memory_space<vmem>> -> memref<128xi32, #tpu.memory_space<vmem>>
        %dma_start3A_373 = arith.constant 0 : i32
        %dma_start3A_374 = tpu.memref_slice %arg3[%scan3A_233, %dma_start3A_373] : memref<2x327680xi32, #tpu.memory_space<hbm>> -> memref<1x327680xi32, #tpu.memory_space<hbm>>
        %dma_start3A_375 = tpu.memref_squeeze %dma_start3A_374 : memref<1x327680xi32, #tpu.memory_space<hbm>> -> memref<327680xi32, #tpu.memory_space<hbm>>
        %dma_start3A_376 = tpu.memref_slice %dma_start3A_375[%add3A_361] : memref<327680xi32, #tpu.memory_space<hbm>> -> memref<128xi32, #tpu.memory_space<hbm>>
        tpu.enqueue_dma source(%dma_start3A_376 : memref<128xi32, #tpu.memory_space<hbm>>) target(%dma_start3A_372 : memref<128xi32, #tpu.memory_space<vmem>>) target_semaphore(%arg15 : memref<!tpu.dma_semaphore, #tpu.memory_space<semaphore_mem>>)
      } else {
      }
      %add3A_332 = arith.constant 2 : i32
      %add3A_333 = arith.addi %add3A_316, %add3A_332 : i32
      %lt3A_334 = arith.constant 80 : i32
      %lt3A_335 = arith.cmpi slt, %add3A_333, %lt3A_334 : i32
      %convert_element_type3A_336 = arith.extui %lt3A_335 : i1 to i32
      %cond3A_337 = arith.constant 0 : i32
      %cond3A_338 = arith.cmpi ne, %convert_element_type3A_336, %cond3A_337 : i32
      scf.if %cond3A_338 {
        %add3A_339 = arith.constant 2 : i32
        %add3A_340 = arith.addi %add3A_316, %add3A_339 : i32
        %mul3A_341 = arith.constant 128 : i32
        %mul3A_342 = arith.muli %add3A_340, %mul3A_341 : i32
        %add3A_343 = arith.addi %mul3A_4, %mul3A_342 : i32
        %dma_wait3A_344 = arith.constant 0 : i32
        %dma_wait3A_345 = arith.constant 0 : i32
        %dma_wait3A_346 = tpu.memref_slice %arg6[%dma_wait3A_344, %dma_wait3A_345] : memref<2x128xi32, #tpu.memory_space<vmem>> -> memref<1x128xi32, #tpu.memory_space<vmem>>
        %dma_wait3A_347 = tpu.memref_squeeze %dma_wait3A_346 : memref<1x128xi32, #tpu.memory_space<vmem>> -> memref<128xi32, #tpu.memory_space<vmem>>
        %dma_wait3A_348 = arith.constant 0 : i32
        %dma_wait3A_349 = tpu.memref_slice %arg3[%scan3A, %dma_wait3A_348] : memref<2x327680xi32, #tpu.memory_space<hbm>> -> memref<1x327680xi32, #tpu.memory_space<hbm>>
        %dma_wait3A_350 = tpu.memref_squeeze %dma_wait3A_349 : memref<1x327680xi32, #tpu.memory_space<hbm>> -> memref<327680xi32, #tpu.memory_space<hbm>>
        %dma_wait3A_351 = tpu.memref_slice %dma_wait3A_350[%add3A_343] : memref<327680xi32, #tpu.memory_space<hbm>> -> memref<128xi32, #tpu.memory_space<hbm>>
        %dma_wait3A_352 = arith.constant 0 : i32
        %dma_wait3A_353 = tpu.memref_slice %arg6[%dma_wait3A_344, %dma_wait3A_352] : memref<2x128xi32, #tpu.memory_space<vmem>> -> memref<1x128xi32, #tpu.memory_space<vmem>>
        %dma_wait3A_354 = tpu.memref_squeeze %dma_wait3A_353 : memref<1x128xi32, #tpu.memory_space<vmem>> -> memref<128xi32, #tpu.memory_space<vmem>>
        %dma_wait3A_355 = arith.constant 0 : i32
        %dma_wait3A_356 = tpu.memref_slice %arg3[%scan3A, %dma_wait3A_355] : memref<2x327680xi32, #tpu.memory_space<hbm>> -> memref<1x327680xi32, #tpu.memory_space<hbm>>
        %dma_wait3A_357 = tpu.memref_squeeze %dma_wait3A_356 : memref<1x327680xi32, #tpu.memory_space<hbm>> -> memref<327680xi32, #tpu.memory_space<hbm>>
        %dma_wait3A_358 = tpu.memref_slice %dma_wait3A_357[%add3A_343] : memref<327680xi32, #tpu.memory_space<hbm>> -> memref<128xi32, #tpu.memory_space<hbm>>
        tpu.wait_dma2 semaphore(%arg13 : memref<!tpu.dma_semaphore, #tpu.memory_space<semaphore_mem>>) src(%dma_wait3A_358 : memref<128xi32, #tpu.memory_space<hbm>>) dst(%dma_wait3A_354 : memref<128xi32, #tpu.memory_space<vmem>>)
        %mul3A_359 = arith.constant 128 : i32
        %mul3A_360 = arith.muli %add3A_340, %mul3A_359 : i32
        %add3A_361 = arith.addi %mul3A_4, %mul3A_360 : i32
        %dma_wait3A_362 = arith.constant 1 : i32
        %dma_wait3A_363 = arith.constant 0 : i32
        %dma_wait3A_364 = tpu.memref_slice %arg6[%dma_wait3A_362, %dma_wait3A_363] : memref<2x128xi32, #tpu.memory_space<vmem>> -> memref<1x128xi32, #tpu.memory_space<vmem>>
        %dma_wait3A_365 = tpu.memref_squeeze %dma_wait3A_364 : memref<1x128xi32, #tpu.memory_space<vmem>> -> memref<128xi32, #tpu.memory_space<vmem>>
        %dma_wait3A_366 = arith.constant 0 : i32
        %dma_wait3A_367 = tpu.memref_slice %arg3[%scan3A_233, %dma_wait3A_366] : memref<2x327680xi32, #tpu.memory_space<hbm>> -> memref<1x327680xi32, #tpu.memory_space<hbm>>
        %dma_wait3A_368 = tpu.memref_squeeze %dma_wait3A_367 : memref<1x327680xi32, #tpu.memory_space<hbm>> -> memref<327680xi32, #tpu.memory_space<hbm>>
        %dma_wait3A_369 = tpu.memref_slice %dma_wait3A_368[%add3A_361] : memref<327680xi32, #tpu.memory_space<hbm>> -> memref<128xi32, #tpu.memory_space<hbm>>
        %dma_wait3A_370 = arith.constant 0 : i32
        %dma_wait3A_371 = tpu.memref_slice %arg6[%dma_wait3A_362, %dma_wait3A_370] : memref<2x128xi32, #tpu.memory_space<vmem>> -> memref<1x128xi32, #tpu.memory_space<vmem>>
        %dma_wait3A_372 = tpu.memref_squeeze %dma_wait3A_371 : memref<1x128xi32, #tpu.memory_space<vmem>> -> memref<128xi32, #tpu.memory_space<vmem>>
        %dma_wait3A_373 = arith.constant 0 : i32
        %dma_wait3A_374 = tpu.memref_slice %arg3[%scan3A_233, %dma_wait3A_373] : memref<2x327680xi32, #tpu.memory_space<hbm>> -> memref<1x327680xi32, #tpu.memory_space<hbm>>
        %dma_wait3A_375 = tpu.memref_squeeze %dma_wait3A_374 : memref<1x327680xi32, #tpu.memory_space<hbm>> -> memref<327680xi32, #tpu.memory_space<hbm>>
        %dma_wait3A_376 = tpu.memref_slice %dma_wait3A_375[%add3A_361] : memref<327680xi32, #tpu.memory_space<hbm>> -> memref<128xi32, #tpu.memory_space<hbm>>
        tpu.wait_dma2 semaphore(%arg13 : memref<!tpu.dma_semaphore, #tpu.memory_space<semaphore_mem>>) src(%dma_wait3A_376 : memref<128xi32, #tpu.memory_space<hbm>>) dst(%dma_wait3A_372 : memref<128xi32, #tpu.memory_space<vmem>>)
        %dma_start3A_377 = arith.constant 0 : i32
        %dma_start3A_378 = arith.constant 0 : i32
        %dma_start3A_379 = tpu.memref_slice %arg6[%dma_start3A_377, %dma_start3A_378] : memref<2x128xi32, #tpu.memory_space<vmem>> -> memref<1x128xi32, #tpu.memory_space<vmem>>
        %dma_start3A_380 = tpu.memref_squeeze %dma_start3A_379 : memref<1x128xi32, #tpu.memory_space<vmem>> -> memref<128xi32, #tpu.memory_space<vmem>>
        %dma_start3A_381 = arith.constant 0 : i32
        %dma_start3A_382 = arith.constant 0 : i32
        %dma_start3A_383 = tpu.memref_slice %arg2[%dma_start3A_381, %dma_start3A_382] : memref<10240x128xf32, #tpu.memory_space<hbm>> -> memref<10240x128xf32, #tpu.memory_space<hbm>>
        tpu.enqueue_indirect_dma source(%dma_start3A_383 : memref<10240x128xf32, #tpu.memory_space<hbm>>) target(%arg10 : memref<128x128xf32, #tpu.memory_space<vmem>>) offsets(%dma_start3A_380 : memref<128xi32, #tpu.memory_space<vmem>>) semaphore(%arg17 : memref<!tpu.dma_semaphore, #tpu.memory_space<semaphore_mem>>)
      } else {
      }
    }
    %scan3A_238 = arith.constant 20 : i32
    %barrier3A_239 = arith.constant 0 : index
    tpu.barrier barrier_id(%barrier3A_239)
    "tpu.region"() ({
      %run_scoped3A = tpu.sem_alloc : memref<!tpu.dma_semaphore, #tpu.memory_space<semaphore_mem>>
      %dma_start3A_240 = arith.constant 0 : i32
      %dma_start3A_241 = tpu.memref_slice %arg4[%arg0, %mul3A_2, %dma_start3A_240] : memref<2x10240x128xf32, #tpu.memory_space<hbm>> -> memref<1x640x128xf32, #tpu.memory_space<hbm>>
      %dma_start3A_242 = tpu.memref_squeeze %dma_start3A_241 : memref<1x640x128xf32, #tpu.memory_space<hbm>> -> memref<640x128xf32, #tpu.memory_space<hbm>>
      %dma_start3A_243 = arith.constant 0 : i32
      %dma_start3A_244 = tpu.memref_slice %arg11[%mul3A_2, %dma_start3A_243] : memref<10240x128xf32, #tpu.memory_space<vmem_shared>> -> memref<640x128xf32, #tpu.memory_space<vmem_shared>>
      tpu.enqueue_dma source(%dma_start3A_244 : memref<640x128xf32, #tpu.memory_space<vmem_shared>>) target(%dma_start3A_242 : memref<640x128xf32, #tpu.memory_space<hbm>>) target_semaphore(%run_scoped3A : memref<!tpu.dma_semaphore, #tpu.memory_space<semaphore_mem>>)
      %dma_wait3A_245 = arith.constant 0 : i32
      %dma_wait3A_246 = tpu.memref_slice %arg4[%arg0, %mul3A_2, %dma_wait3A_245] : memref<2x10240x128xf32, #tpu.memory_space<hbm>> -> memref<1x640x128xf32, #tpu.memory_space<hbm>>
      %dma_wait3A_247 = tpu.memref_squeeze %dma_wait3A_246 : memref<1x640x128xf32, #tpu.memory_space<hbm>> -> memref<640x128xf32, #tpu.memory_space<hbm>>
      %dma_wait3A_248 = arith.constant 0 : i32
      %dma_wait3A_249 = tpu.memref_slice %arg11[%mul3A_2, %dma_wait3A_248] : memref<10240x128xf32, #tpu.memory_space<vmem_shared>> -> memref<640x128xf32, #tpu.memory_space<vmem_shared>>
      tpu.wait_dma2 semaphore(%run_scoped3A : memref<!tpu.dma_semaphore, #tpu.memory_space<semaphore_mem>>) src(%dma_wait3A_249 : memref<640x128xf32, #tpu.memory_space<vmem_shared>>) dst(%dma_wait3A_247 : memref<640x128xf32, #tpu.memory_space<hbm>>)
      tpu.yield
    }) : () -> ()
    return
  }
}

module attributes {stable_mosaic.version = 14 : i64} {
  func.func @body(%arg0: i32, %arg1: memref<1280x128xf32, #tpu.memory_space<vmem>>, %arg2: memref<128x128xf32, #tpu.memory_space<vmem>>, %arg3: memref<2x1280xf32, #tpu.memory_space<vmem>>, %arg4: memref<1280x128xf32, #tpu.memory_space<vmem>>) attributes {dimension_semantics = [#tpu.dimension_semantics<arbitrary>], iteration_bounds = array<i64: 8>, scalar_prefetch = 0 : i64, scratch_operands = 0 : i64, tpu.core_type = #tpu.core_type<tc>, window_params = [{transform_indices = @transform_0, window_bounds = array<i64: 1280, 128>}, {pipeline_mode = #tpu.pipeline_mode<synchronous>, transform_indices = @transform_1, window_bounds = array<i64: 128, 128>}, {transform_indices = @transform_2, window_bounds = array<i64: 2, 1280>}, {transform_indices = @transform_3, window_bounds = array<i64: 1280, 128>}]} {
    %get3A = arith.constant 0 : index
    %get3A_0 = arith.constant 0 : index
    %get3A_1 = vector.load %arg3[%get3A, %get3A_0] : memref<2x1280xf32, #tpu.memory_space<vmem>>, vector<1x1280xf32>
    %get3A_2 = vector.shape_cast %get3A_1 : vector<1x1280xf32> to vector<1280xf32>
    %get3A_3 = arith.constant 1 : index
    %get3A_4 = arith.constant 0 : index
    %get3A_5 = vector.load %arg3[%get3A_3, %get3A_4] : memref<2x1280xf32, #tpu.memory_space<vmem>>, vector<1x1280xf32>
    %get3A_6 = vector.shape_cast %get3A_5 : vector<1x1280xf32> to vector<1280xf32>
    %add3A = arith.addf %get3A_2, %get3A_6 : vector<1280xf32>
    %add3A_7 = arith.constant 1.000000e+00 : f32
    %add3A_8 = vector.broadcast %add3A_7 : f32 to vector<1280xf32>
    %add3A_9 = arith.addf %add3A, %add3A_8 : vector<1280xf32>
    %rsqrt3A = math.rsqrt %add3A_9 : vector<1280xf32>
    %broadcast_in_dim3A = vector.shape_cast %rsqrt3A : vector<1280xf32> to vector<1280x1xf32>
    %get3A_10 = arith.constant 0 : index
    %get3A_11 = arith.constant 0 : index
    %get3A_12 = vector.load %arg1[%get3A_10, %get3A_11] : memref<1280x128xf32, #tpu.memory_space<vmem>>, vector<1280x128xf32>
    %get3A_13 = arith.constant 0 : index
    %get3A_14 = arith.constant 0 : index
    %get3A_15 = vector.load %arg2[%get3A_13, %get3A_14] : memref<128x128xf32, #tpu.memory_space<vmem>>, vector<128x128xf32>
    %dot_general3A = arith.constant dense<0.000000e+00> : vector<1280x128xf32>
    %dot_general3A_16 = tpu.matmul %get3A_12, %get3A_15, %dot_general3A {dimension_numbers = #tpu.dot_dimension_numbers<[1], [0], [0], [1], [0, 0, 1, 1], [], []>, transpose_lhs_hint = false} : vector<1280x128xf32>, vector<128x128xf32>, vector<1280x128xf32> -> vector<1280x128xf32>
    %mul3A = vector.broadcast %broadcast_in_dim3A : vector<1280x1xf32> to vector<1280x128xf32>
    %mul3A_17 = arith.mulf %dot_general3A_16, %mul3A : vector<1280x128xf32>
    %swap3A = arith.constant 0 : index
    %swap3A_18 = arith.constant 0 : index
    %swap3A_19 = vector.load %arg4[%swap3A, %swap3A_18] : memref<1280x128xf32, #tpu.memory_space<vmem>>, vector<1280x128xf32>
    tpu.vector_store %arg4[%swap3A, %swap3A_18], %mul3A_17 {strides = array<i32>} : memref<1280x128xf32, #tpu.memory_space<vmem>>, vector<1280x128xf32>,
    return
  }
  func.func @transform_0(%arg0: i32) -> (i32, i32) {
    %c0_i32 = arith.constant 0 : i32
    %c0_i32_0 = arith.constant 0 : i32
    return %arg0, %c0_i32 : i32, i32
  }
  func.func @transform_1(%arg0: i32) -> (i32, i32) {
    %c0_i32 = arith.constant 0 : i32
    %c0_i32_0 = arith.constant 0 : i32
    %c0_i32_1 = arith.constant 0 : i32
    return %c0_i32, %c0_i32_0 : i32, i32
  }
  func.func @transform_2(%arg0: i32) -> (i32, i32) {
    %c0_i32 = arith.constant 0 : i32
    %c0_i32_0 = arith.constant 0 : i32
    return %c0_i32, %arg0 : i32, i32
  }
  func.func @transform_3(%arg0: i32) -> (i32, i32) {
    %c0_i32 = arith.constant 0 : i32
    %c0_i32_0 = arith.constant 0 : i32
    return %arg0, %c0_i32 : i32, i32
  }
}

module attributes {stable_mosaic.version = 14 : i64} {
  func.func @body(%arg0: i32, %arg1: memref<2x1280x128xf32, #tpu.memory_space<vmem>>, %arg2: memref<1280x128xf32, #tpu.memory_space<vmem>>, %arg3: memref<2x1280xf32, #tpu.memory_space<vmem>>, %arg4: memref<1x128xf32, #tpu.memory_space<vmem>>, %arg5: memref<128x48xf32, #tpu.memory_space<vmem>>, %arg6: memref<1280x48xf32, #tpu.memory_space<vmem>>) attributes {dimension_semantics = [#tpu.dimension_semantics<arbitrary>], iteration_bounds = array<i64: 8>, scalar_prefetch = 0 : i64, scratch_operands = 0 : i64, tpu.core_type = #tpu.core_type<tc>, window_params = [{transform_indices = @transform_0, window_bounds = array<i64: 2, 1280, 128>}, {transform_indices = @transform_1, window_bounds = array<i64: 1280, 128>}, {transform_indices = @transform_2, window_bounds = array<i64: 2, 1280>}, {pipeline_mode = #tpu.pipeline_mode<synchronous>, transform_indices = @transform_3, window_bounds = array<i64: 1, 128>}, {pipeline_mode = #tpu.pipeline_mode<synchronous>, transform_indices = @transform_4, window_bounds = array<i64: 128, 48>}, {transform_indices = @transform_5, window_bounds = array<i64: 1280, 48>}]} {
    %get3A = arith.constant 0 : index
    %get3A_0 = arith.constant 0 : index
    %get3A_1 = vector.load %arg3[%get3A, %get3A_0] : memref<2x1280xf32, #tpu.memory_space<vmem>>, vector<1x1280xf32>
    %get3A_2 = vector.shape_cast %get3A_1 : vector<1x1280xf32> to vector<1280xf32>
    %get3A_3 = arith.constant 1 : index
    %get3A_4 = arith.constant 0 : index
    %get3A_5 = vector.load %arg3[%get3A_3, %get3A_4] : memref<2x1280xf32, #tpu.memory_space<vmem>>, vector<1x1280xf32>
    %get3A_6 = vector.shape_cast %get3A_5 : vector<1x1280xf32> to vector<1280xf32>
    %add3A = arith.addf %get3A_2, %get3A_6 : vector<1280xf32>
    %add3A_7 = arith.constant 1.000000e+00 : f32
    %add3A_8 = vector.broadcast %add3A_7 : f32 to vector<1280xf32>
    %add3A_9 = arith.addf %add3A, %add3A_8 : vector<1280xf32>
    %rsqrt3A = math.rsqrt %add3A_9 : vector<1280xf32>
    %broadcast_in_dim3A = vector.shape_cast %rsqrt3A : vector<1280xf32> to vector<1280x1xf32>
    %get3A_10 = arith.constant 0 : index
    %get3A_11 = arith.constant 0 : index
    %get3A_12 = arith.constant 0 : index
    %get3A_13 = vector.load %arg1[%get3A_10, %get3A_11, %get3A_12] : memref<2x1280x128xf32, #tpu.memory_space<vmem>>, vector<1x1280x128xf32>
    %get3A_14 = vector.shape_cast %get3A_13 : vector<1x1280x128xf32> to vector<1280x128xf32>
    %get3A_15 = arith.constant 1 : index
    %get3A_16 = arith.constant 0 : index
    %get3A_17 = arith.constant 0 : index
    %get3A_18 = vector.load %arg1[%get3A_15, %get3A_16, %get3A_17] : memref<2x1280x128xf32, #tpu.memory_space<vmem>>, vector<1x1280x128xf32>
    %get3A_19 = vector.shape_cast %get3A_18 : vector<1x1280x128xf32> to vector<1280x128xf32>
    %add3A_20 = arith.addf %get3A_14, %get3A_19 : vector<1280x128xf32>
    %get3A_21 = arith.constant 0 : index
    %get3A_22 = arith.constant 0 : index
    %get3A_23 = vector.load %arg2[%get3A_21, %get3A_22] : memref<1280x128xf32, #tpu.memory_space<vmem>>, vector<1280x128xf32>
    %sub3A = arith.subf %add3A_20, %get3A_23 : vector<1280x128xf32>
    %mul3A = vector.broadcast %broadcast_in_dim3A : vector<1280x1xf32> to vector<1280x128xf32>
    %mul3A_24 = arith.mulf %mul3A, %sub3A : vector<1280x128xf32>
    %get3A_25 = arith.constant 0 : index
    %get3A_26 = arith.constant 0 : index
    %get3A_27 = vector.load %arg4[%get3A_25, %get3A_26] : memref<1x128xf32, #tpu.memory_space<vmem>>, vector<1x128xf32>
    %add3A_28 = vector.broadcast %get3A_27 : vector<1x128xf32> to vector<1280x128xf32>
    %add3A_29 = arith.addf %mul3A_24, %add3A_28 : vector<1280x128xf32>
    %max3A = arith.constant 0.000000e+00 : f32
    %max3A_30 = vector.broadcast %max3A : f32 to vector<1280x128xf32>
    %max3A_31 = arith.maximumf %add3A_29, %max3A_30 : vector<1280x128xf32>
    %get3A_32 = arith.constant 0 : index
    %get3A_33 = arith.constant 0 : index
    %get3A_34 = vector.load %arg5[%get3A_32, %get3A_33] : memref<128x48xf32, #tpu.memory_space<vmem>>, vector<128x48xf32>
    %dot_general3A = arith.constant dense<0.000000e+00> : vector<1280x48xf32>
    %dot_general3A_35 = tpu.matmul %max3A_31, %get3A_34, %dot_general3A {dimension_numbers = #tpu.dot_dimension_numbers<[1], [0], [0], [1], [0, 0, 1, 1], [], []>, transpose_lhs_hint = false} : vector<1280x128xf32>, vector<128x48xf32>, vector<1280x48xf32> -> vector<1280x48xf32>
    %mul3A_36 = vector.broadcast %broadcast_in_dim3A : vector<1280x1xf32> to vector<1280x48xf32>
    %mul3A_37 = arith.mulf %dot_general3A_35, %mul3A_36 : vector<1280x48xf32>
    %swap3A = arith.constant 0 : index
    %swap3A_38 = arith.constant 0 : index
    %swap3A_39 = vector.load %arg6[%swap3A, %swap3A_38] : memref<1280x48xf32, #tpu.memory_space<vmem>>, vector<1280x48xf32>
    tpu.vector_store %arg6[%swap3A, %swap3A_38], %mul3A_37 {strides = array<i32>} : memref<1280x48xf32, #tpu.memory_space<vmem>>, vector<1280x48xf32>,
    return
  }
  func.func @transform_0(%arg0: i32) -> (i32, i32, i32) {
    %c0_i32 = arith.constant 0 : i32
    %c0_i32_0 = arith.constant 0 : i32
    %c0_i32_1 = arith.constant 0 : i32
    return %c0_i32, %arg0, %c0_i32_0 : i32, i32, i32
  }
  func.func @transform_1(%arg0: i32) -> (i32, i32) {
    %c0_i32 = arith.constant 0 : i32
    %c0_i32_0 = arith.constant 0 : i32
    return %arg0, %c0_i32 : i32, i32
  }
  func.func @transform_2(%arg0: i32) -> (i32, i32) {
    %c0_i32 = arith.constant 0 : i32
    %c0_i32_0 = arith.constant 0 : i32
    return %c0_i32, %arg0 : i32, i32
  }
  func.func @transform_3(%arg0: i32) -> (i32, i32) {
    %c0_i32 = arith.constant 0 : i32
    %c0_i32_0 = arith.constant 0 : i32
    %c0_i32_1 = arith.constant 0 : i32
    return %c0_i32, %c0_i32_0 : i32, i32
  }
  func.func @transform_4(%arg0: i32) -> (i32, i32) {
    %c0_i32 = arith.constant 0 : i32
    %c0_i32_0 = arith.constant 0 : i32
    %c0_i32_1 = arith.constant 0 : i32
    return %c0_i32, %c0_i32_0 : i32, i32
  }
  func.func @transform_5(%arg0: i32) -> (i32, i32) {
    %c0_i32 = arith.constant 0 : i32
    %c0_i32_0 = arith.constant 0 : i32
    return %arg0, %c0_i32 : i32, i32
  }
}

module attributes {stable_mosaic.version = 14 : i64} {
  func.func @body(%arg0: i32, %arg1: memref<2x2000x48xf32, #tpu.memory_space<vmem>>, %arg2: memref<2000x48xf32, #tpu.memory_space<vmem>>, %arg3: memref<2x1x1x2000xf32, #tpu.memory_space<vmem>>, %arg4: memref<1x48xf32, #tpu.memory_space<vmem>>, %arg5: memref<1x48xf32, #tpu.memory_space<vmem>>, %arg6: memref<1x1x2000xi32, #tpu.memory_space<vmem>>, %arg7: memref<128x48xf32, #tpu.memory_space<vmem>>, %arg8: memref<128x48xf32, #tpu.memory_space<vmem>>, %arg9: memref<128x1xf32, #tpu.memory_space<vmem>>) attributes {dimension_semantics = [#tpu.dimension_semantics<arbitrary>], iteration_bounds = array<i64: 5>, scalar_prefetch = 0 : i64, scratch_operands = 2 : i64, tpu.core_type = #tpu.core_type<tc>, window_params = [{transform_indices = @transform_0, window_bounds = array<i64: 2, 2000, 48>}, {transform_indices = @transform_1, window_bounds = array<i64: 2000, 48>}, {transform_indices = @transform_2, window_bounds = array<i64: 2, 1, 1, 2000>}, {pipeline_mode = #tpu.pipeline_mode<synchronous>, transform_indices = @transform_3, window_bounds = array<i64: 1, 48>}, {pipeline_mode = #tpu.pipeline_mode<synchronous>, transform_indices = @transform_4, window_bounds = array<i64: 1, 48>}, {transform_indices = @transform_5, window_bounds = array<i64: 1, 1, 2000>}, {pipeline_mode = #tpu.pipeline_mode<synchronous>, transform_indices = @transform_6, window_bounds = array<i64: 128, 48>}]} {
    %eq3A = arith.constant 0 : i32
    %eq3A_0 = arith.cmpi eq, %arg0, %eq3A : i32
    %convert_element_type3A = arith.extui %eq3A_0 : i1 to i32
    %cond3A = arith.constant 0 : i32
    %cond3A_1 = arith.cmpi ne, %convert_element_type3A, %cond3A : i32
    scf.if %cond3A_1 {
      %broadcast_in_dim3A_69 = arith.constant 0.000000e+00 : f32
      %broadcast_in_dim3A_70 = vector.broadcast %broadcast_in_dim3A_69 : f32 to vector<128x48xf32>
      %swap3A_71 = arith.constant 0 : index
      %swap3A_72 = arith.constant 0 : index
      %swap3A_73 = vector.load %arg8[%swap3A_71, %swap3A_72] : memref<128x48xf32, #tpu.memory_space<vmem>>, vector<128x48xf32>
      tpu.vector_store %arg8[%swap3A_71, %swap3A_72], %broadcast_in_dim3A_70 {strides = array<i32>} : memref<128x48xf32, #tpu.memory_space<vmem>>, vector<128x48xf32>,
      %broadcast_in_dim3A_74 = arith.constant 0.000000e+00 : f32
      %broadcast_in_dim3A_75 = vector.broadcast %broadcast_in_dim3A_74 : f32 to vector<128x1xf32>
      %swap3A_76 = arith.constant 0 : index
      %swap3A_77 = arith.constant 0 : index
      %swap3A_78 = vector.load %arg9[%swap3A_76, %swap3A_77] : memref<128x1xf32, #tpu.memory_space<vmem>>, vector<128x1xf32>
      tpu.vector_store %arg9[%swap3A_76, %swap3A_77], %broadcast_in_dim3A_75 {strides = array<i32>} : memref<128x1xf32, #tpu.memory_space<vmem>>, vector<128x1xf32>,
    } else {
    }
    %get3A = arith.constant 0 : index
    %get3A_2 = arith.constant 0 : index
    %get3A_3 = arith.constant 0 : index
    %get3A_4 = arith.constant 0 : index
    %get3A_5 = vector.load %arg3[%get3A, %get3A_2, %get3A_3, %get3A_4] : memref<2x1x1x2000xf32, #tpu.memory_space<vmem>>, vector<1x1x1x2000xf32>
    %get3A_6 = vector.shape_cast %get3A_5 : vector<1x1x1x2000xf32> to vector<2000xf32>
    %get3A_7 = arith.constant 1 : index
    %get3A_8 = arith.constant 0 : index
    %get3A_9 = arith.constant 0 : index
    %get3A_10 = arith.constant 0 : index
    %get3A_11 = vector.load %arg3[%get3A_7, %get3A_8, %get3A_9, %get3A_10] : memref<2x1x1x2000xf32, #tpu.memory_space<vmem>>, vector<1x1x1x2000xf32>
    %get3A_12 = vector.shape_cast %get3A_11 : vector<1x1x1x2000xf32> to vector<2000xf32>
    %add3A = arith.addf %get3A_6, %get3A_12 : vector<2000xf32>
    %add3A_13 = arith.constant 1.000000e+00 : f32
    %add3A_14 = vector.broadcast %add3A_13 : f32 to vector<2000xf32>
    %add3A_15 = arith.addf %add3A, %add3A_14 : vector<2000xf32>
    %rsqrt3A = math.rsqrt %add3A_15 : vector<2000xf32>
    %broadcast_in_dim3A = vector.shape_cast %rsqrt3A : vector<2000xf32> to vector<2000x1xf32>
    %get3A_16 = arith.constant 0 : index
    %get3A_17 = arith.constant 0 : index
    %get3A_18 = arith.constant 0 : index
    %get3A_19 = vector.load %arg1[%get3A_16, %get3A_17, %get3A_18] : memref<2x2000x48xf32, #tpu.memory_space<vmem>>, vector<1x2000x48xf32>
    %get3A_20 = vector.shape_cast %get3A_19 : vector<1x2000x48xf32> to vector<2000x48xf32>
    %get3A_21 = arith.constant 1 : index
    %get3A_22 = arith.constant 0 : index
    %get3A_23 = arith.constant 0 : index
    %get3A_24 = vector.load %arg1[%get3A_21, %get3A_22, %get3A_23] : memref<2x2000x48xf32, #tpu.memory_space<vmem>>, vector<1x2000x48xf32>
    %get3A_25 = vector.shape_cast %get3A_24 : vector<1x2000x48xf32> to vector<2000x48xf32>
    %add3A_26 = arith.addf %get3A_20, %get3A_25 : vector<2000x48xf32>
    %get3A_27 = arith.constant 0 : index
    %get3A_28 = arith.constant 0 : index
    %get3A_29 = vector.load %arg2[%get3A_27, %get3A_28] : memref<2000x48xf32, #tpu.memory_space<vmem>>, vector<2000x48xf32>
    %sub3A = arith.subf %add3A_26, %get3A_29 : vector<2000x48xf32>
    %mul3A = vector.broadcast %broadcast_in_dim3A : vector<2000x1xf32> to vector<2000x48xf32>
    %mul3A_30 = arith.mulf %mul3A, %sub3A : vector<2000x48xf32>
    %get3A_31 = arith.constant 0 : index
    %get3A_32 = arith.constant 0 : index
    %get3A_33 = vector.load %arg4[%get3A_31, %get3A_32] : memref<1x48xf32, #tpu.memory_space<vmem>>, vector<1x48xf32>
    %add3A_34 = vector.broadcast %get3A_33 : vector<1x48xf32> to vector<2000x48xf32>
    %add3A_35 = arith.addf %mul3A_30, %add3A_34 : vector<2000x48xf32>
    %get3A_36 = arith.constant 0 : index
    %get3A_37 = arith.constant 0 : index
    %get3A_38 = arith.constant 0 : index
    %get3A_39 = vector.load %arg6[%get3A_36, %get3A_37, %get3A_38] : memref<1x1x2000xi32, #tpu.memory_space<vmem>>, vector<1x1x2000xi32>
    %get3A_40 = vector.shape_cast %get3A_39 : vector<1x1x2000xi32> to vector<2000xi32>
    %broadcast_in_dim3A_41 = vector.shape_cast %get3A_40 : vector<2000xi32> to vector<2000x1xi32>
    %iota3A = tpu.iota {dimensions = array<i32: 1>} : vector<2000x128xi32>
    %eq3A_42 = vector.broadcast %broadcast_in_dim3A_41 : vector<2000x1xi32> to vector<2000x128xi32>
    %eq3A_43 = arith.cmpi eq, %eq3A_42, %iota3A : vector<2000x128xi32>
    %convert_element_type3A_44 = arith.extui %eq3A_43 : vector<2000x128xi1> to vector<2000x128xi32>
    %convert_element_type3A_45 = arith.sitofp %convert_element_type3A_44 : vector<2000x128xi32> to vector<2000x128xf32>
    %get3A_46 = arith.constant 0 : index
    %get3A_47 = arith.constant 0 : index
    %get3A_48 = vector.load %arg8[%get3A_46, %get3A_47] : memref<128x48xf32, #tpu.memory_space<vmem>>, vector<128x48xf32>
    %dot_general3A = arith.constant dense<0.000000e+00> : vector<128x48xf32>
    %dot_general3A_49 = tpu.matmul %convert_element_type3A_45, %add3A_35, %dot_general3A {dimension_numbers = #tpu.dot_dimension_numbers<[0], [0], [1], [1], [0, 1, 1, 1], [], []>, transpose_lhs_hint = false} : vector<2000x128xf32>, vector<2000x48xf32>, vector<128x48xf32> -> vector<128x48xf32>
    %add3A_50 = arith.addf %get3A_48, %dot_general3A_49 : vector<128x48xf32>
    %swap3A = arith.constant 0 : index
    %swap3A_51 = arith.constant 0 : index
    %swap3A_52 = vector.load %arg8[%swap3A, %swap3A_51] : memref<128x48xf32, #tpu.memory_space<vmem>>, vector<128x48xf32>
    tpu.vector_store %arg8[%swap3A, %swap3A_51], %add3A_50 {strides = array<i32>} : memref<128x48xf32, #tpu.memory_space<vmem>>, vector<128x48xf32>,
    %get3A_53 = arith.constant 0 : index
    %get3A_54 = arith.constant 0 : index
    %get3A_55 = vector.load %arg9[%get3A_53, %get3A_54] : memref<128x1xf32, #tpu.memory_space<vmem>>, vector<128x1xf32>
    %broadcast_in_dim3A_56 = arith.constant 1.000000e+00 : f32
    %broadcast_in_dim3A_57 = vector.broadcast %broadcast_in_dim3A_56 : f32 to vector<2000x1xf32>
    %dot_general3A_58 = arith.constant dense<0.000000e+00> : vector<128x1xf32>
    %dot_general3A_59 = tpu.matmul %convert_element_type3A_45, %broadcast_in_dim3A_57, %dot_general3A_58 {dimension_numbers = #tpu.dot_dimension_numbers<[0], [0], [1], [1], [0, 1, 1, 1], [], []>, transpose_lhs_hint = false} : vector<2000x128xf32>, vector<2000x1xf32>, vector<128x1xf32> -> vector<128x1xf32>
    %add3A_60 = arith.addf %get3A_55, %dot_general3A_59 : vector<128x1xf32>
    %swap3A_61 = arith.constant 0 : index
    %swap3A_62 = arith.constant 0 : index
    %swap3A_63 = vector.load %arg9[%swap3A_61, %swap3A_62] : memref<128x1xf32, #tpu.memory_space<vmem>>, vector<128x1xf32>
    tpu.vector_store %arg9[%swap3A_61, %swap3A_62], %add3A_60 {strides = array<i32>} : memref<128x1xf32, #tpu.memory_space<vmem>>, vector<128x1xf32>,
    %eq3A_64 = arith.constant 4 : i32
    %eq3A_65 = arith.cmpi eq, %arg0, %eq3A_64 : i32
    %convert_element_type3A_66 = arith.extui %eq3A_65 : i1 to i32
    %cond3A_67 = arith.constant 0 : i32
    %cond3A_68 = arith.cmpi ne, %convert_element_type3A_66, %cond3A_67 : i32
    scf.if %cond3A_68 {
      %get3A_69 = arith.constant 0 : index
      %get3A_70 = arith.constant 0 : index
      %get3A_71 = vector.load %arg8[%get3A_69, %get3A_70] : memref<128x48xf32, #tpu.memory_space<vmem>>, vector<128x48xf32>
      %get3A_72 = arith.constant 0 : index
      %get3A_73 = arith.constant 0 : index
      %get3A_74 = vector.load %arg9[%get3A_72, %get3A_73] : memref<128x1xf32, #tpu.memory_space<vmem>>, vector<128x1xf32>
      %max3A = arith.constant 1.000000e+00 : f32
      %max3A_75 = vector.broadcast %max3A : f32 to vector<128x1xf32>
      %max3A_76 = arith.maximumf %get3A_74, %max3A_75 : vector<128x1xf32>
      %div3A = vector.broadcast %max3A_76 : vector<128x1xf32> to vector<128x48xf32>
      %div3A_77 = arith.divf %get3A_71, %div3A : vector<128x48xf32>
      %get3A_78 = arith.constant 0 : index
      %get3A_79 = arith.constant 0 : index
      %get3A_80 = vector.load %arg5[%get3A_78, %get3A_79] : memref<1x48xf32, #tpu.memory_space<vmem>>, vector<1x48xf32>
      %add3A_81 = vector.broadcast %get3A_80 : vector<1x48xf32> to vector<128x48xf32>
      %add3A_82 = arith.addf %div3A_77, %add3A_81 : vector<128x48xf32>
      %reduce_max3A = arith.constant dense<0xFF800000> : vector<128xf32>
      %reduce_max3A_83 = vector.multi_reduction <maximumf>, %add3A_82, %reduce_max3A [1] : vector<128x48xf32> to vector<128xf32>
      %broadcast_in_dim3A_84 = vector.shape_cast %reduce_max3A_83 : vector<128xf32> to vector<128x1xf32>
      %sub3A_85 = vector.broadcast %broadcast_in_dim3A_84 : vector<128x1xf32> to vector<128x48xf32>
      %sub3A_86 = arith.subf %add3A_82, %sub3A_85 : vector<128x48xf32>
      %exp3A = math.exp %sub3A_86 : vector<128x48xf32>
      %reduce_sum3A = arith.constant dense<0.000000e+00> : vector<128xf32>
      %reduce_sum3A_87 = vector.multi_reduction <add>, %exp3A, %reduce_sum3A [1] : vector<128x48xf32> to vector<128xf32>
      %broadcast_in_dim3A_88 = vector.shape_cast %reduce_sum3A_87 : vector<128xf32> to vector<128x1xf32>
      %log3A = math.log %broadcast_in_dim3A_88 : vector<128x1xf32>
      %add3A_89 = arith.addf %log3A, %broadcast_in_dim3A_84 : vector<128x1xf32>
      %sub3A_90 = vector.broadcast %add3A_89 : vector<128x1xf32> to vector<128x48xf32>
      %sub3A_91 = arith.subf %add3A_82, %sub3A_90 : vector<128x48xf32>
      %swap3A_92 = arith.constant 0 : index
      %swap3A_93 = arith.constant 0 : index
      %swap3A_94 = vector.load %arg7[%swap3A_92, %swap3A_93] : memref<128x48xf32, #tpu.memory_space<vmem>>, vector<128x48xf32>
      tpu.vector_store %arg7[%swap3A_92, %swap3A_93], %sub3A_91 {strides = array<i32>} : memref<128x48xf32, #tpu.memory_space<vmem>>, vector<128x48xf32>,
    } else {
    }
    return
  }
  func.func @transform_0(%arg0: i32) -> (i32, i32, i32) {
    %c0_i32 = arith.constant 0 : i32
    %c0_i32_0 = arith.constant 0 : i32
    %c0_i32_1 = arith.constant 0 : i32
    return %c0_i32, %arg0, %c0_i32_0 : i32, i32, i32
  }
  func.func @transform_1(%arg0: i32) -> (i32, i32) {
    %c0_i32 = arith.constant 0 : i32
    %c0_i32_0 = arith.constant 0 : i32
    return %arg0, %c0_i32 : i32, i32
  }
  func.func @transform_2(%arg0: i32) -> (i32, i32, i32, i32) {
    %c0_i32 = arith.constant 0 : i32
    %c0_i32_0 = arith.constant 0 : i32
    %c0_i32_1 = arith.constant 0 : i32
    %c0_i32_2 = arith.constant 0 : i32
    return %c0_i32, %arg0, %c0_i32_0, %c0_i32_1 : i32, i32, i32, i32
  }
  func.func @transform_3(%arg0: i32) -> (i32, i32) {
    %c0_i32 = arith.constant 0 : i32
    %c0_i32_0 = arith.constant 0 : i32
    %c0_i32_1 = arith.constant 0 : i32
    return %c0_i32, %c0_i32_0 : i32, i32
  }
  func.func @transform_4(%arg0: i32) -> (i32, i32) {
    %c0_i32 = arith.constant 0 : i32
    %c0_i32_0 = arith.constant 0 : i32
    %c0_i32_1 = arith.constant 0 : i32
    return %c0_i32, %c0_i32_0 : i32, i32
  }
  func.func @transform_5(%arg0: i32) -> (i32, i32, i32) {
    %c0_i32 = arith.constant 0 : i32
    %c0_i32_0 = arith.constant 0 : i32
    %c0_i32_1 = arith.constant 0 : i32
    return %arg0, %c0_i32, %c0_i32_0 : i32, i32, i32
  }
  func.func @transform_6(%arg0: i32) -> (i32, i32) {
    %c0_i32 = arith.constant 0 : i32
    %c0_i32_0 = arith.constant 0 : i32
    %c0_i32_1 = arith.constant 0 : i32
    return %c0_i32, %c0_i32_0 : i32, i32
  }
}

</mosaic_0001>

<sc_bundles>
// kernel: kernel.11.cloned.1.call-start
scs
__scs_entry_jumppad:
0x0: {  	(pc) =	sbr.rel $0x88, $3  }
0x1: {  	(tag) =	ssettag $0x0;
	lr =	simm.s32 $0x1  }
0x2: {  	[smem:$0x3F9A] =	sst lr;
	_ =	strace $0xD0000000  }
0x3: {  	_ = 	snop  }
0x4: {  	_ = 	snop  }
0x5: {  	_ = 	snop  }
0x6: {  	_ = 	snop  }
0x7: {  	_ = 	snop  }
__scs_overlays_trampoline_lowered:
0x8: {  	[smem:$0x3FA9] =	sst s0  }
0x9: {  	[smem:$0x3FAA] =	sst s1  }
0xa: {  	[smem:$0x3FAB] =	sst s2  }
0xb: {  	[smem:$0x3FAC] =	sst s3  }
0xc: {  	[smem:$0x3FAD] =	sst s4  }
0xd: {  	[smem:$0x3FAE] =	sst s5  }
0xe: {  	[smem:$0x3FAF] =	sst s6  }
0xf: {  	[smem:$0x3FB0] =	sst s7  }
0x10: {  	[smem:$0x3FB1] =	sst s8  }
0x11: {  	[smem:$0x3FB2] =	sst s9;
	s0 =	simm.s32 @!p0 $0x0  }
0x12: {  	s1 =	sld [smem:$0x3F98];
	s0 =	simm.s32 @p0 $0x1  }
0x13: {  	[smem:$0x3FB3] =	sst s0;
	s0 =	simm.s32 @!p1 $0x0  }
0x14: {  	s2 =	sld [smem:$0x3F97];
	s0 =	simm.s32 @p1 $0x1  }
0x15: {  	[smem:$0x3FB4] =	sst s0;
	s0 =	simm.s32 @!p2 $0x0  }
0x16: {  	s3 =	sld [smem:$0x3FDB];
	s0 =	simm.s32 @p2 $0x1  }
0x17: {  	s4 =	simm.s32 $0x1BF5;
	[smem:$0x3FB6] =	sst s0  }
0x18: {  	s0 =	sld [smem:$0x3F99];
	_ =	swait.ge [sflag:s4], $0x0  }
0x19: {  	s7 =	sld [smem:$0x3F9A]  }
0x1a: {  	s8 =	sadd.s32 $0xFFFFE003, lr  }
0x1b: {  	s9 =	sadd.s32 $0xFFFFFEF7, lr;
	s5 =	simm.s32 $0xFFFFFFFF;
	p2 =	slt.u32 s8, $0xFFFFF086  }
0x1c: {  	p1 =	slt.u32 s9, $0xF7A;
	s5 =	simm.s32 @!p2 $0x0  }
0x1d: {  	s5 =	simm.s32 @p1 $0x1;
	p0 =	seq.s32 s7, s2  }
0x1e: {  	s7 =	smul.u32 @!p0 $0xF7A, s2;
	p2 =	seq.s32 @!p0 s5, $0x0  }
0x1f: {  	s9 =	smul.u32 $0xF7A, s1;
	s8 =	simm.s32 @!p0 $0x1BF5;
	p2 =	por !p2, p0  }
0x20: {  	[sflag:s8] =	ssyncset.s32 @!p0 $0xFFFFF086;
	s6 =	sadd.s32 @!p0 s3, s7;
	s7 =	simm.s32 @!p0 $0x108  }
0x21: {  	s3 =	sadd.s32 s3, s9;
	s6 =	sadd.s32 @!p0 $0x88, s6;
	s7 =	simm.s32 @p2 $0x1082  }
0x22: {  	[simem:s7], [sflag:s8] =	dma.local @!p0 [hbm:s6], $0xF7A  }
0x23: {  	s9 =	sor.u32 $0xD0000000, s2;
	s6 =	simm.s32 $0x108;
	_ =	swait.ge @!p0 [sflag:s8], $0x0  }
0x24: {  	s3 =	sadd.s32 $0x88, s3;
	s6 =	simm.s32 @!p1 $0x1082;
	[sflag:s4] =	ssyncset.s32 $0xFFFFF086  }
0x25: {  	[simem:s6], [sflag:s4] =	dma.local [hbm:s3], $0xF7A  }
0x26: {  	[smem:$0x3F9A] =	sst s1;
	(tag) =	ssettag s2;
	_ =	strace s9  }
0x27: {  	s1 =	sld [smem:$0x3FAA]  }
0x28: {  	s2 =	sld [smem:$0x3FAB]  }
0x29: {  	s4 =	sld [smem:$0x3FAD]  }
0x2a: {  	p0 =	seq.s32 s5, $0x0;
	s5 =	sld [smem:$0x3FAE]  }
0x2b: {  	s6 =	sld [smem:$0x3FAF]  }
0x2c: {  	s7 =	sld [smem:$0x3FB0]  }
0x2d: {  	s3 =	simm.s32 $0x108;
	s8 =	sld [smem:$0x3FB1]  }
0x2e: {  	s3 =	simm.s32 @!p0 $0x1082;
	s9 =	sld [smem:$0x3FB2]  }
0x2f: {  	lr =	sadd.s32 s0, s3;
	s0 =	sld [smem:$0x3FA9]  }
0x30: {  	s3 =	sld [smem:$0x3FAC]  }
0x31: {  	[smem:$0x3FB5] =	sst s10  }
0x32: {  	s10 =	sld [smem:$0x3FB3];
	_ =	sdelay $0x3  }
0x33: {  	p0 =	seq.s32 s10, $0x1;
	s10 =	sld [smem:$0x3FB5];
	_ =	sdelay $0x3  }
0x34: {  	[smem:$0x3FB5] =	sst s10  }
0x35: {  	s10 =	sld [smem:$0x3FB4];
	_ =	sdelay $0x3  }
0x36: {  	p1 =	seq.s32 s10, $0x1;
	s10 =	sld [smem:$0x3FB5];
	_ =	sdelay $0x3  }
0x37: {  	[smem:$0x3FB5] =	sst s10  }
0x38: {  	s10 =	sld [smem:$0x3FB6]  }
0x39: {  	_ = 	snop;
	(pc) =	sbr.ind lr, $3  }
0x3a: {  	_ = 	snop  }
0x3b: {  	_ = 	snop  }
0x3c: {  	p2 =	seq.s32 s10, $0x1;
	s10 =	sld [smem:$0x3FB5]  }
0x3d: {  	_ =	shalt  }
0x3e: {  	_ =	shalt  }
0x3f: {  	_ =	shalt  }
0x40: {  	_ =	shalt  }
0x41: {  	_ =	shalt  }
0x42: {  	_ =	shalt  }
0x43: {  	_ =	shalt  }
0x44: {  	_ =	shalt  }
0x45: {  	_ =	shalt  }
0x46: {  	_ =	shalt  }
0x47: {  	_ =	shalt  }
0x48: {  	_ =	shalt  }
0x49: {  	_ =	shalt  }
0x4a: {  	_ =	shalt  }
0x4b: {  	_ =	shalt  }
0x4c: {  	_ =	shalt  }
0x4d: {  	_ =	shalt  }
0x4e: {  	_ =	shalt  }
0x4f: {  	_ =	shalt  }
0x50: {  	_ =	shalt  }
0x51: {  	_ =	shalt  }
0x52: {  	_ =	shalt  }
0x53: {  	_ =	shalt  }
0x54: {  	_ =	shalt  }
0x55: {  	_ =	shalt  }
0x56: {  	_ =	shalt  }
0x57: {  	_ =	shalt  }
0x58: {  	_ =	shalt  }
0x59: {  	_ =	shalt  }
0x5a: {  	_ =	shalt  }
0x5b: {  	_ =	shalt  }
0x5c: {  	_ =	shalt  }
0x5d: {  	_ =	shalt  }
0x5e: {  	_ =	shalt  }
0x5f: {  	_ =	shalt  }
0x60: {  	_ =	shalt  }
0x61: {  	_ =	shalt  }
0x62: {  	_ =	shalt  }
0x63: {  	_ =	shalt  }
0x64: {  	_ =	shalt  }
0x65: {  	_ =	shalt  }
0x66: {  	_ =	shalt  }
0x67: {  	_ =	shalt  }
0x68: {  	_ =	shalt  }
0x69: {  	_ =	shalt  }
0x6a: {  	_ =	shalt  }
0x6b: {  	_ =	shalt  }
0x6c: {  	_ =	shalt  }
0x6d: {  	_ =	shalt  }
0x6e: {  	_ =	shalt  }
0x6f: {  	_ =	shalt  }
0x70: {  	_ =	shalt  }
0x71: {  	_ =	shalt  }
0x72: {  	_ =	shalt  }
0x73: {  	_ =	shalt  }
0x74: {  	_ =	shalt  }
0x75: {  	_ =	shalt  }
0x76: {  	_ =	shalt  }
0x77: {  	_ =	shalt  }
0x78: {  	_ =	shalt  }
0x79: {  	_ =	shalt  }
0x7a: {  	_ =	shalt  }
0x7b: {  	_ =	shalt  }
0x7c: {  	_ =	shalt  }
0x7d: {  	_ =	shalt  }
0x7e: {  	_ =	shalt  }
0x7f: {  	_ =	shalt  }
0x80: {  	_ =	shalt  }
0x81: {  	_ =	shalt  }
0x82: {  	_ =	shalt  }
0x83: {  	_ =	shalt  }
0x84: {  	_ =	shalt  }
0x85: {  	_ =	shalt  }
0x86: {  	_ =	shalt  }
0x87: {  	_ =	shalt  }
.Lfunc_end0:
.L_simem_size_0:
called_computation.1_lowered:
.L_overlay_start_0:
0x88: {  	s2 =	sld [smem:$0x3FD9]  }
0x89: {  	s3 =	sld [smem:$0x3FFE];
	_ =	sdelay $0x1  }
0x8a: {  	s1 =	srdreg.scid  }
0x8b: {  	s0 =	sand.u32 $0x1, s1  }
0x8c: {  	s16 =	sshll.u32 s0, $0xA;
	s2 =	sadd.s32 s3, s2  }
0x8d: {  	s2 =	sadd.s32 s2, s16  }
0x8e: {  	[smem:$0x3FC1] =	sst s2  }
0x8f: {  	_ = 	snop  }
0x90: {  	(tm) =	ssettm $0x1  }
0x91: {  	s17 =	sld [smem:$0x3FFB];
	_ =	sdelay $0x3  }
0x92: {  	_ =	strace s17  }
0x93: {  	s2 =	sld [smem:$0x3FFC];
	_ =	sdelay $0x3  }
0x94: {  	_ =	strace s2  }
0x95: {  	s2 =	sld [smem:$0x3FFD];
	_ =	sdelay $0x3  }
0x96: {  	_ =	strace s2  }
0x97: {  	_ =	strace $0x8FFFFFFF  }
0x98: {  	s18 =	sld [smem:$0x3FDB];
	_ =	sdelay $0x1  }
0x99: {  	s19 =	simm.s32 $_scs_section_size  }
0x9a: {  	s4 =	simm.s32 $_size__tile_overlayer_lowered;
	s5 =	simm.s32 $_tile_overlayer_lowered  }
0x9b: {  	s22 =	simm.s32 $0x1BFF;
	s21 =	sshll.u32 s5, $0x1;
	s2 =	sadd.s32 s19, s18  }
0x9c: {  	s6 =	simm.s32 $0x0;
	s20 =	sshll.u32 s4, $0x1;
	s4 =	sadd.s32 s21, s2  }
0x9d: {  	[timem:s6], [sflag:s22] =	dma.local [hbm:s4], s20  }
0x9e: {  	_ =	swait.ge [sflag:s22], s20  }
0x9f: {  	s3 =	ssub.s32 $0x0, s20;
	[sflag:s22] =	ssyncset.done $0x0  }
0xa0: {  	[sflag:s22] =	ssyncadd.s32 s3;
	_ =	sdelay $0x1  }
0xa1: {  	s23 =	simm.s32 $0x1B8B  }
0xa2: {  	_ =	swait.ge [sflag:s23], $0x1  }
0xa3: {  	[sflag:s23] =	ssyncset.done $0x0  }
0xa4: {  	s25 =	simm.s32 $0x1B8E;
	s24 =	sld [smem:$0x3FFE];
	[sflag:s23] =	ssyncadd.s32 $0xFFFFFFFF  }
0xa5: {  	s26 =	simm.s32 $execute0_lowered;
	[smem:$0x3FD2] =	sst s25  }
0xa6: {  	s4 =	sshll.u32 s26, $0x1;
	_ =	strace $0x80000049;
	[dreg:$0x1] =	wrdreg $0xFFFFFFFF  }
0xa7: {  	s28 =	simm.s32 $_size_execute0_lowered;
	s2 =	sadd.s32 s2, s4;
	[dreg:$0x0] =	wrdreg $0x0  }
0xa8: {  	s4 =	sshll.u32 s28, $0x1;
	[dreg:$0x2] =	wrdreg s2  }
0xa9: {  	[dreg:$0x3] =	wrdreg s4  }
0xaa: {  	[dreg:$0x4] =	wrdreg $0xC0  }
0xab: {  	_ =	task [dreg:s6], $0x5FFFF  }
0xac: {  	[dreg:$0x1] =	wrdreg $0xFFFFFFFF  }
0xad: {  	[dreg:$0x0] =	wrdreg $0x60  }
0xae: {  	[dreg:$0x2] =	wrdreg s24  }
0xaf: {  	[dreg:$0x3] =	wrdreg $0x84000  }
0xb0: {  	[dreg:$0x4] =	wrdreg $0x9  }
0xb1: {  	_ =	task.clear_ibuf [dreg:s6], $0x5FFFF;
	_ =	strace $0x90000049  }
0xb2: {  	s29 =	simm.s32 $0x9;
	_ =	strace $0x8000004B  }
0xb3: {  	_ =	swait.ge [sflag:s29], $0x1  }
0xb4: {  	[sflag:s29] =	ssyncadd.s32 $0xFFFFFFFF  }
0xb5: {  	_ =	strace $0x9000004B  }
0xb6: {  	_ =	sfence  }
0xb7: {  	s30 =	sld [smem:$0x0];
	_ =	sdelay $0x2  }
0xb8: {  	s31 =	sshll.u32 s1, $0xD;
	s1 =	sshrl.u32 s1, $0x2  }
0xb9: {  	s3 =	sand.u32 $0x4000, s31;
	s1 =	sadd.s32 s1, s30  }
0xba: {  	s0 =	sor.u32 s3, s0;
	s1 =	sshll.u32 s1, $0x11  }
0xbb: {  	s0 =	sor.u32 s1, s0  }
0xbc: {  	s0 =	sadd.s32 $0x8F2B, s0  }
0xbd: {  	[sflag:s0] =	ssyncadd.remote.s32 $0x1  }
0xbe: {  	_ =	sfence.sel $0xFFFF  }
0xbf: {  	[dreg:$0x0] =	wrdreg $0xFFFFFFFF;
	(pc) =	sbr.abs _section_cstart, $3  }
0xc0: {  	[dreg:$0x1] =	wrdreg $0xFFFFFFFF  }
0xc1: {  	_ =	task.clear_ibuf [dreg:s6], $0x2FFFF;
	_ =	strace $0x9FFFFFFF  }
0xc2: {  	(tm) =	ssettm $0x7FFFFFFF  }
0xc3: {  	_ =	shalt  }
tec
execute0_lowered:
.L_overlay_start_1:
0x0: {  	(tag) =	ssettag $0x1  }
0x1: {  	s0 =	rddreg [dreg:$0x0];
	s1 =	srdreg.scid  }
0x2: {  	s12 =	stileid.u32;
	s2 =	rddreg [dreg:$0x1]  }
0x3: {  	s3 =	simm.s32 $0x0;
	s28 =	simm.s32 $0x7;
	s29 =	simm.s32 $0x80  }
0x4: {  	s30 =	simm.s32 $0x100;
	s31 =	simm.s32 $0x180;
	s1 =	sand.u32 $0x1, s1  }
0x5: {  	s5 =	smul.u32 $0x14000, s12;
	[smem:$0x7FF] =	sst s3;
	s4 =	sadd.s32 $0x21E00, s0  }
0x6: {  	s7 =	sadd.s32 $0xDE00, s0;
	s8 =	sshll.u32 s12, $0x1;
	s14 =	smul.u32 $0x5000, s12  }
0x7: {  	s6 =	smul.u32 $0x140000, s1;
	_ =	strace $0x8000004A;
	s9 =	ssub.s32 $0x2, s1  }
0x8: {  	s8 =	sor.u32 s1, s8;
	s1 =	smul.u32 $0x2800, s1;
	s10 =	sshrl.u32 s9, $0x1  }
0x9: {  	s11 =	sshrl.u32 s5, $0x3;
	s8 =	smul.u32 $0x2800, s8;
	s6 =	sadd.s32 s5, s6  }
0xa: {  	s9 =	ssub.s32 s9, s10;
	s5 =	sadd.s32 s5, s2;
	s10 =	sadd.s32 s4, s11  }
0xb: {  	s11 =	sshll.u32 s12, $0x6;
	s19 =	sadd.s32 s1, s14;
	[dreg:$0x3] =	wrdreg s5  }
0xc: {  	s12 =	simm.s32 $0x400;
	[dreg:$0x4] =	wrdreg s10;
	s13 =	sshrl.u32 s8, $0x3  }
0xd: {  	s14 =	simm.s32 $0x4;
	s24 =	smax.u32 s9, $0x1;
	[dreg:$0x5] =	wrdreg s13  }
0xe: {  	s6 =	sshrl.u32 s6, $0x3;
	s11 =	sor.u32 $0x1C07, s11;
	[dreg:$0x10] =	wrdreg s24  }
0xf: {  	s22 =	sor.u32 $0x380, s19;
	s16 =	sadd.s32 s7, s13;
	[dreg:$0x6] =	wrdreg s11  }
0x10: {  	s6 =	sadd.s32 s6, s0;
	s0 =	sadd.s32 $0x17E00, s0;
	[dreg:$0x8] =	wrdreg s16  }
0x11: {  	s25 =	sor.u32 $0x300, s19;
	s15 =	sor.u32 $0x10, s13;
	[dreg:$0x9] =	wrdreg s0  }
0x12: {  	s26 =	sor.u32 $0x280, s19;
	s18 =	sor.u32 $0x20, s13;
	[dreg:$0x7] =	wrdreg s15  }
0x13: {  	s9 =	simm.s32 $0x2;
	s10 =	sor.u32 $0x30, s13;
	[dreg:$0xb] =	wrdreg s18  }
0x14: {  	s8 =	simm.s32 $0x0;
	s1 =	sshrl.u32 s22, $0x3;
	[dreg:$0xc] =	wrdreg s10  }
0x15: {  	s5 =	sshrl.u32 s26, $0x3;
	s13 =	simm.s32 $0x3;
	[dreg:$0x11] =	wrdreg s1  }
0x16: {  	s17 =	sadd.s32 s7, s15;
	s20 =	sadd.s32 s7, s18;
	[dreg:$0x13] =	wrdreg s5  }
0x17: {  	s21 =	sadd.s32 s7, s10;
	s23 =	sadd.s32 $0x49E00, s6;
	[dreg:$0xa] =	wrdreg s17  }
0x18: {  	s0 =	sor.u32 $0x200, s19;
	s6 =	simm.s32 $0x380;
	[dreg:$0xd] =	wrdreg s20  }
0x19: {  	s10 =	simm.s32 $0x1;
	s15 =	simm.s32 $0x4400;
	[dreg:$0xe] =	wrdreg s21  }
.Ltmp0:
0x1a: {  	s16 =	simm.s32 $0x5;
	[dreg:$0xf] =	wrdreg s23;
	(pc) =	sbr.rel .LBB2_1-.Ltmp0, $4  }
0x1b: {  	s20 =	sadd.s32 s1, s7;
	s1 =	sshrl.u32 s25, $0x3;
	s0 =	sshrl.u32 s0, $0x3  }
0x1c: {  	s25 =	sadd.s32 s5, s7;
	s5 =	simm.s32 $0x300;
	[dreg:$0x12] =	wrdreg s1  }
0x1d: {  	s17 =	simm.s32 $0x6;
	s23 =	sadd.s32 s1, s7;
	[dreg:$0x14] =	wrdreg s0  }
0x1e: {  	s26 =	sadd.s32 s0, s7;
	s1 =	simm.s32 $0x200;
	s0 =	simm.s32 $0x280  }
.LBB2_4:
0x1f: {  	_ =	swait.ge [sflag:s17], $0x4000  }
0x20: {  	[sflag:s17] =	ssyncset.done $0x0  }
0x21: {  	[sflag:s17] =	ssyncadd.s32 $0xFFFFC000  }
0x22: {  	[spmem:s2] =	stream.indirect.scatter.add.f32 [tilespmem:s15], [sflag:$0x7], $0x80, s6, s29, $0xb8;
	[tilespmem:$0x1C400] =	vst v63  }
0x23: {  	_ =	swait.ge [sflag:s28], $0x4000  }
0x24: {  	[sflag:s28] =	ssyncset.done $0x0  }
0x25: {  	[sflag:s28] =	ssyncadd.s32 $0xFFFFC000  }
0x26: {  	[bflag:$0x0] =	sbarrier.arrive $0xFFFF  }
0x27: {  	s11 =	rddreg [dreg:$0x6]  }
0x28: {  	s7 =	rddreg [dreg:$0xf]  }
0x29: {  	s8 =	rddreg [dreg:$0x16]  }
0x2a: {  	[hbm:s7], [sflag:s11] =	dma.local [spmem:s8], $0x2800  }
0x2b: {  	_ =	swait.ge [sflag:s28], $0x2800  }
0x2c: {  	s22 =	rddreg [dreg:$0x15]  }
0x2d: {  	s24 =	rddreg [dreg:$0x10];
	s8 =	sadd.s32 $0x1, s22  }
0x2e: {  	p0 =	sne.s32 s8, s24  }
.Ltmp1:
0x2f: {  	_ = 	snop;
	(pc) =	sbr.rel @!p0 .LBB2_5-.Ltmp1, $3  }
0x30: {  	_ =	sdelay $0x1  }
0x31: {  	[sflag:s28] =	ssyncset.done $0x0  }
0x32: {  	[sflag:s28] =	ssyncadd.s32 $0xFFFFD800  }
.LBB2_1:
0x33: {  	[dreg:$0x15] =	wrdreg s8  }
0x34: {  	s7 =	rddreg [dreg:$0x3]  }
0x35: {  	s24 =	rddreg [dreg:$0x4];
	s22 =	sshrl.u32 s7, $0x3  }
0x36: {  	[dreg:$0x16] =	wrdreg s22  }
0x37: {  	[spmem:s22], [sflag:s11] =	dma.local [hbm:s24], $0x2800  }
0x38: {  	_ =	swait.ge [sflag:s28], $0x2800  }
0x39: {  	[sflag:s28] =	ssyncset.done $0x0  }
0x3a: {  	[sflag:s28] =	ssyncadd.s32 $0xFFFFD800  }
0x3b: {  	[bflag:$0x0] =	sbarrier.arrive $0xFFFF  }
0x3c: {  	s11 =	rddreg [dreg:$0x8]  }
0x3d: {  	s18 =	rddreg [dreg:$0x5]  }
0x3e: {  	s8 =	rddreg [dreg:$0x9]  }
0x3f: {  	[tilespmem:s3], [sflag:$0x1] =	stream.linear.gather [hbm4b:s11+s3], $0x80, $0x38;
	[tilespmem:$0x1C400] =	vst v63  }
0x40: {  	s19 =	rddreg [dreg:$0xa];
	s7 =	sadd.s32 s18, s8  }
0x41: {  	[tilespmem:s29], [sflag:$0x1] =	stream.linear.gather [hbm4b:s7+s3], $0x80, $0x38;
	[tilespmem:$0x1C400] =	vst v63  }
0x42: {  	s21 =	rddreg [dreg:$0x7]  }
0x43: {  	[tilespmem:s30], [sflag:$0x2] =	stream.linear.gather [hbm4b:s19+s3], $0x80, $0x38;
	[tilespmem:$0x1C400] =	vst v63  }
0x44: {  	s22 =	rddreg [dreg:$0xd];
	s7 =	sadd.s32 s21, s8  }
0x45: {  	[tilespmem:s31], [sflag:$0x2] =	stream.linear.gather [hbm4b:s7+s3], $0x80, $0x38;
	[tilespmem:$0x1C400] =	vst v63  }
0x46: {  	s24 =	rddreg [dreg:$0xb]  }
0x47: {  	[tilespmem:s1], [sflag:$0x3] =	stream.linear.gather [hbm4b:s22+s3], $0x80, $0x38;
	[tilespmem:$0x1C400] =	vst v63  }
0x48: {  	s11 =	rddreg [dreg:$0xe];
	s7 =	sadd.s32 s24, s8  }
0x49: {  	[tilespmem:s0], [sflag:$0x3] =	stream.linear.gather [hbm4b:s7+s3], $0x80, $0x38;
	[tilespmem:$0x1C400] =	vst v63  }
0x4a: {  	s18 =	rddreg [dreg:$0xc]  }
0x4b: {  	[tilespmem:s5], [sflag:$0x4] =	stream.linear.gather [hbm4b:s11+s3], $0x80, $0x38;
	[tilespmem:$0x1C400] =	vst v63  }
0x4c: {  	s7 =	sadd.s32 s18, s8  }
0x4d: {  	[tilespmem:s6], [sflag:$0x4] =	stream.linear.gather [hbm4b:s7+s3], $0x80, $0x38;
	[tilespmem:$0x1C400] =	vst v63  }
0x4e: {  	_ =	swait.ge [sflag:s10], $0x80  }
0x4f: {  	[sflag:s10] =	ssyncset.done $0x0  }
0x50: {  	[sflag:s10] =	ssyncadd.s32 $0xFFFFFF80  }
0x51: {  	_ =	swait.ge [sflag:s10], $0x80  }
0x52: {  	[sflag:s10] =	ssyncset.done $0x0  }
0x53: {  	[sflag:s10] =	ssyncadd.s32 $0xFFFFFF80  }
0x54: {  	[tilespmem:s12], [sflag:$0x5] =	stream.indirect.gather [hbm4b:s4+s29], $0x80, s3, s29, $0xb8;
	[tilespmem:$0x1C400] =	vst v63  }
0x55: {  	_ =	swait.ge [sflag:s9], $0x80  }
0x56: {  	[sflag:s9] =	ssyncset.done $0x0  }
0x57: {  	[sflag:s9] =	ssyncadd.s32 $0xFFFFFF80  }
0x58: {  	_ =	swait.ge [sflag:s9], $0x80  }
0x59: {  	s19 =	rddreg [dreg:$0x11]  }
0x5a: {  	s21 =	rddreg [dreg:$0x12]  }
0x5b: {  	s22 =	rddreg [dreg:$0x13]  }
0x5c: {  	[sflag:s9] =	ssyncset.done $0x0;
	s24 =	rddreg [dreg:$0x14]  }
0x5d: {  	[sflag:s9] =	ssyncadd.s32 $0xFFFFFF80;
	s7 =	sadd.s32 s8, s19;
	s21 =	sadd.s32 s8, s21  }
0x5e: {  	s22 =	sadd.s32 s8, s22;
	s24 =	sadd.s32 s8, s24;
	s8 =	simm.s32 $0x0  }
0x5f: {  	[tilespmem:s15], [sflag:$0x6] =	stream.indirect.gather [hbm4b:s4+s29], $0x80, s30, s29, $0xb8;
	[tilespmem:$0x1C400] =	vst v63  }
.LBB2_2:
0x60: {  	_ =	swait.ge [sflag:s16], $0x4000  }
0x61: {  	[sflag:s16] =	ssyncset.done $0x0  }
0x62: {  	[sflag:s16] =	ssyncadd.s32 $0xFFFFC000  }
0x63: {  	[spmem:s2] =	stream.indirect.scatter.add.f32 [tilespmem:s12], [sflag:$0x7], $0x80, s29, s29, $0xb8;
	[tilespmem:$0x1C400] =	vst v63  }
0x64: {  	_ =	swait.ge [sflag:s28], $0x4000  }
0x65: {  	p0 =	seq.s32 s8, $0x4C0;
	[sflag:s28] =	ssyncset.done $0x0  }
0x66: {  	s19 =	sadd.s32 @!p0 s8, s26;
	s11 =	simm.s32 @!p0 $0x0;
	[sflag:s28] =	ssyncadd.s32 $0xFFFFC000  }
0x67: {  	[tilespmem:s11], [sflag:$0x1] =	stream.linear.gather @!p0 [hbm4b:s19+s11], $0x80, $0x38;
	[tilespmem:$0x1C400] =	vst v63  }
0x68: {  	s18 =	simm.s32 @!p0 $0x80;
	s19 =	sadd.s32 @!p0 s8, s24  }
0x69: {  	[tilespmem:s18], [sflag:$0x1] =	stream.linear.gather @!p0 [hbm4b:s19+s11], $0x80, $0x38;
	[tilespmem:$0x1C400] =	vst v63  }
0x6a: {  	_ =	swait.ge [sflag:s13], $0x80  }
0x6b: {  	[sflag:s13] =	ssyncset.done $0x0  }
0x6c: {  	[sflag:s13] =	ssyncadd.s32 $0xFFFFFF80  }
0x6d: {  	_ =	swait.ge [sflag:s13], $0x80  }
0x6e: {  	[sflag:s13] =	ssyncset.done $0x0  }
0x6f: {  	[sflag:s13] =	ssyncadd.s32 $0xFFFFFF80  }
0x70: {  	[tilespmem:s12], [sflag:$0x5] =	stream.indirect.gather [hbm4b:s4+s29], $0x80, s1, s29, $0xb8;
	[tilespmem:$0x1C400] =	vst v63  }
0x71: {  	_ =	swait.ge [sflag:s17], $0x4000  }
0x72: {  	[sflag:s17] =	ssyncset.done $0x0  }
0x73: {  	[sflag:s17] =	ssyncadd.s32 $0xFFFFC000  }
0x74: {  	[spmem:s2] =	stream.indirect.scatter.add.f32 [tilespmem:s15], [sflag:$0x7], $0x80, s31, s29, $0xb8;
	[tilespmem:$0x1C400] =	vst v63  }
0x75: {  	_ =	swait.ge [sflag:s28], $0x4000  }
0x76: {  	[sflag:s28] =	ssyncset.done $0x0  }
0x77: {  	s18 =	sadd.s32 @!p0 s8, s25;
	s19 =	simm.s32 @!p0 $0x100;
	[sflag:s28] =	ssyncadd.s32 $0xFFFFC000  }
0x78: {  	[tilespmem:s19], [sflag:$0x2] =	stream.linear.gather @!p0 [hbm4b:s18+s11], $0x80, $0x38;
	[tilespmem:$0x1C400] =	vst v63  }
0x79: {  	s18 =	sadd.s32 @!p0 s8, s22;
	s19 =	simm.s32 @!p0 $0x180  }
0x7a: {  	[tilespmem:s19], [sflag:$0x2] =	stream.linear.gather @!p0 [hbm4b:s18+s11], $0x80, $0x38;
	[tilespmem:$0x1C400] =	vst v63  }
0x7b: {  	_ =	swait.ge [sflag:s14], $0x80  }
0x7c: {  	[sflag:s14] =	ssyncset.done $0x0  }
0x7d: {  	[sflag:s14] =	ssyncadd.s32 $0xFFFFFF80  }
0x7e: {  	_ =	swait.ge [sflag:s14], $0x80  }
0x7f: {  	[sflag:s14] =	ssyncset.done $0x0  }
0x80: {  	[sflag:s14] =	ssyncadd.s32 $0xFFFFFF80  }
0x81: {  	[tilespmem:s15], [sflag:$0x6] =	stream.indirect.gather [hbm4b:s4+s29], $0x80, s5, s29, $0xb8;
	[tilespmem:$0x1C400] =	vst v63  }
0x82: {  	_ =	swait.ge [sflag:s16], $0x4000  }
0x83: {  	[sflag:s16] =	ssyncset.done $0x0  }
.Ltmp2:
0x84: {  	[sflag:s16] =	ssyncadd.s32 $0xFFFFC000;
	(pc) =	sbr.rel @p0 .LBB2_4-.Ltmp2, $4  }
0x85: {  	[spmem:s2] =	stream.indirect.scatter.add.f32 [tilespmem:s12], [sflag:$0x7], $0x80, s0, s29, $0xb8;
	[tilespmem:$0x1C400] =	vst v63  }
0x86: {  	_ =	swait.ge [sflag:s28], $0x4000  }
0x87: {  	[sflag:s28] =	ssyncset.done $0x0  }
0x88: {  	[sflag:s28] =	ssyncadd.s32 $0xFFFFC000  }
0x89: {  	s11 =	sadd.s32 s8, s23  }
0x8a: {  	[tilespmem:s1], [sflag:$0x3] =	stream.linear.gather [hbm4b:s11+s3], $0x80, $0x38;
	[tilespmem:$0x1C400] =	vst v63  }
0x8b: {  	s19 =	sadd.s32 s8, s21  }
0x8c: {  	[tilespmem:s0], [sflag:$0x3] =	stream.linear.gather [hbm4b:s19+s3], $0x80, $0x38;
	[tilespmem:$0x1C400] =	vst v63  }
0x8d: {  	_ =	swait.ge [sflag:s10], $0x80  }
0x8e: {  	[sflag:s10] =	ssyncset.done $0x0  }
0x8f: {  	[sflag:s10] =	ssyncadd.s32 $0xFFFFFF80  }
0x90: {  	_ =	swait.ge [sflag:s10], $0x80  }
0x91: {  	[sflag:s10] =	ssyncset.done $0x0  }
0x92: {  	[sflag:s10] =	ssyncadd.s32 $0xFFFFFF80  }
0x93: {  	[tilespmem:s12], [sflag:$0x5] =	stream.indirect.gather [hbm4b:s4+s29], $0x80, s3, s29, $0xb8;
	[tilespmem:$0x1C400] =	vst v63  }
0x94: {  	_ =	swait.ge [sflag:s17], $0x4000  }
0x95: {  	[sflag:s17] =	ssyncset.done $0x0  }
0x96: {  	[sflag:s17] =	ssyncadd.s32 $0xFFFFC000  }
0x97: {  	[spmem:s2] =	stream.indirect.scatter.add.f32 [tilespmem:s15], [sflag:$0x7], $0x80, s6, s29, $0xb8;
	[tilespmem:$0x1C400] =	vst v63  }
0x98: {  	_ =	swait.ge [sflag:s28], $0x4000  }
0x99: {  	[sflag:s28] =	ssyncset.done $0x0  }
0x9a: {  	s18 =	sadd.s32 s8, s20;
	[sflag:s28] =	ssyncadd.s32 $0xFFFFC000  }
0x9b: {  	[tilespmem:s5], [sflag:$0x4] =	stream.linear.gather [hbm4b:s18+s3], $0x80, $0x38;
	[tilespmem:$0x1C400] =	vst v63  }
0x9c: {  	s19 =	sadd.s32 s8, s7  }
0x9d: {  	[tilespmem:s6], [sflag:$0x4] =	stream.linear.gather [hbm4b:s19+s3], $0x80, $0x38;
	[tilespmem:$0x1C400] =	vst v63  }
0x9e: {  	_ =	swait.ge [sflag:s9], $0x80  }
0x9f: {  	[sflag:s9] =	ssyncset.done $0x0  }
.Ltmp3:
0xa0: {  	[sflag:s9] =	ssyncadd.s32 $0xFFFFFF80;
	(pc) =	sbr.rel .LBB2_2-.Ltmp3, $4  }
0xa1: {  	_ =	swait.ge [sflag:s9], $0x80  }
0xa2: {  	[sflag:s9] =	ssyncset.done $0x0  }
0xa3: {  	s8 =	sadd.s32 $0x40, s8;
	[sflag:s9] =	ssyncadd.s32 $0xFFFFFF80  }
0xa4: {  	[tilespmem:s15], [sflag:$0x6] =	stream.indirect.gather [hbm4b:s4+s29], $0x80, s30, s29, $0xb8;
	[tilespmem:$0x1C400] =	vst v63  }
.LBB2_5:
0xa5: {  	_ =	sfence.sel $0x180000  }
0xa6: {  	[bflag:$0x0] =	sbarrier.arrive $0xFFFF  }
0xa7: {  	_ =	strace $0x9000004A  }
0xa8: {  	s0 =	stileid.u32;
	[bflag:$0x2] =	sbarrier.arrive $0xFFFF  }
0xa9: {  	p0 =	sne.s32 s0, $0x0;
	s0 =	rddreg [dreg:$0x2]  }
0xaa: {  	s0 =	sadd.s32 @!p0 $0x100000, s0  }
0xab: {  	[sflag:s0] =	ssyncadd.tile.s32 @!p0 $0x1;
	_ =	shalt  }
.Lfunc_end2:
_tile_overlayer_lowered:
.L_overlay_start_2:
0xac: {  	(tag) =	ssettag $0x2  }
0xad: {  	s0 =	rddreg [dreg:$0x0];
	s2 =	stileid.u32  }
0xae: {  	s1 =	rddreg [dreg:$0x1];
	p0 =	sne.s32 s2, $0x0  }
0xaf: {  	s3 =	rddreg [dreg:$0x2];
	[bflag:$0x3] =	sbarrier.arrive $0xFFFF;
	s2 =	simm.s32 @!p0 $0x1C07  }
0xb0: {  	[timem:s3], [sflag:s2] =	dma.local @!p0 [hbm:s0], s1  }
0xb1: {  	s0 =	simm.s32 @!p0 $0x7  }
0xb2: {  	_ =	swait.ge @!p0 [sflag:s0], s1  }
0xb3: {  	s1 =	ssub.s32 @!p0 $0x0, s1;
	[sflag:s0] =	ssyncset.done @!p0 $0x0  }
0xb4: {  	[sflag:s0] =	ssyncadd.s32 @!p0 s1  }
0xb5: {  	[bflag:$0x3] =	sbarrier.arrive $0xFFFF  }
0xb6: {  	_ =	shalt  }

// kernel: kernel.14.cloned.1.call-start
scs
__scs_entry_jumppad:
0x0: {  	(pc) =	sbr.rel $0x88, $3  }
0x1: {  	(tag) =	ssettag $0x0;
	lr =	simm.s32 $0x1  }
0x2: {  	[smem:$0x3F9A] =	sst lr;
	_ =	strace $0xD0000000  }
0x3: {  	_ = 	snop  }
0x4: {  	_ = 	snop  }
0x5: {  	_ = 	snop  }
0x6: {  	_ = 	snop  }
0x7: {  	_ = 	snop  }
__scs_overlays_trampoline_lowered:
0x8: {  	[smem:$0x3FA9] =	sst s0  }
0x9: {  	[smem:$0x3FAA] =	sst s1  }
0xa: {  	[smem:$0x3FAB] =	sst s2  }
0xb: {  	[smem:$0x3FAC] =	sst s3  }
0xc: {  	[smem:$0x3FAD] =	sst s4  }
0xd: {  	[smem:$0x3FAE] =	sst s5  }
0xe: {  	[smem:$0x3FAF] =	sst s6  }
0xf: {  	[smem:$0x3FB0] =	sst s7  }
0x10: {  	[smem:$0x3FB1] =	sst s8  }
0x11: {  	[smem:$0x3FB2] =	sst s9;
	s0 =	simm.s32 @!p0 $0x0  }
0x12: {  	s1 =	sld [smem:$0x3F98];
	s0 =	simm.s32 @p0 $0x1  }
0x13: {  	[smem:$0x3FB3] =	sst s0;
	s0 =	simm.s32 @!p1 $0x0  }
0x14: {  	s2 =	sld [smem:$0x3F97];
	s0 =	simm.s32 @p1 $0x1  }
0x15: {  	[smem:$0x3FB4] =	sst s0;
	s0 =	simm.s32 @!p2 $0x0  }
0x16: {  	s3 =	sld [smem:$0x3FDB];
	s0 =	simm.s32 @p2 $0x1  }
0x17: {  	s4 =	simm.s32 $0x1BF5;
	[smem:$0x3FB6] =	sst s0  }
0x18: {  	s0 =	sld [smem:$0x3F99];
	_ =	swait.ge [sflag:s4], $0x0  }
0x19: {  	s7 =	sld [smem:$0x3F9A]  }
0x1a: {  	s8 =	sadd.s32 $0xFFFFE003, lr  }
0x1b: {  	s9 =	sadd.s32 $0xFFFFFEF7, lr;
	s5 =	simm.s32 $0xFFFFFFFF;
	p2 =	slt.u32 s8, $0xFFFFF086  }
0x1c: {  	p1 =	slt.u32 s9, $0xF7A;
	s5 =	simm.s32 @!p2 $0x0  }
0x1d: {  	s5 =	simm.s32 @p1 $0x1;
	p0 =	seq.s32 s7, s2  }
0x1e: {  	s7 =	smul.u32 @!p0 $0xF7A, s2;
	p2 =	seq.s32 @!p0 s5, $0x0  }
0x1f: {  	s9 =	smul.u32 $0xF7A, s1;
	s8 =	simm.s32 @!p0 $0x1BF5;
	p2 =	por !p2, p0  }
0x20: {  	[sflag:s8] =	ssyncset.s32 @!p0 $0xFFFFF086;
	s6 =	sadd.s32 @!p0 s3, s7;
	s7 =	simm.s32 @!p0 $0x108  }
0x21: {  	s3 =	sadd.s32 s3, s9;
	s6 =	sadd.s32 @!p0 $0x88, s6;
	s7 =	simm.s32 @p2 $0x1082  }
0x22: {  	[simem:s7], [sflag:s8] =	dma.local @!p0 [hbm:s6], $0xF7A  }
0x23: {  	s9 =	sor.u32 $0xD0000000, s2;
	s6 =	simm.s32 $0x108;
	_ =	swait.ge @!p0 [sflag:s8], $0x0  }
0x24: {  	s3 =	sadd.s32 $0x88, s3;
	s6 =	simm.s32 @!p1 $0x1082;
	[sflag:s4] =	ssyncset.s32 $0xFFFFF086  }
0x25: {  	[simem:s6], [sflag:s4] =	dma.local [hbm:s3], $0xF7A  }
0x26: {  	[smem:$0x3F9A] =	sst s1;
	(tag) =	ssettag s2;
	_ =	strace s9  }
0x27: {  	s1 =	sld [smem:$0x3FAA]  }
0x28: {  	s2 =	sld [smem:$0x3FAB]  }
0x29: {  	s4 =	sld [smem:$0x3FAD]  }
0x2a: {  	p0 =	seq.s32 s5, $0x0;
	s5 =	sld [smem:$0x3FAE]  }
0x2b: {  	s6 =	sld [smem:$0x3FAF]  }
0x2c: {  	s7 =	sld [smem:$0x3FB0]  }
0x2d: {  	s3 =	simm.s32 $0x108;
	s8 =	sld [smem:$0x3FB1]  }
0x2e: {  	s3 =	simm.s32 @!p0 $0x1082;
	s9 =	sld [smem:$0x3FB2]  }
0x2f: {  	lr =	sadd.s32 s0, s3;
	s0 =	sld [smem:$0x3FA9]  }
0x30: {  	s3 =	sld [smem:$0x3FAC]  }
0x31: {  	[smem:$0x3FB5] =	sst s10  }
0x32: {  	s10 =	sld [smem:$0x3FB3];
	_ =	sdelay $0x3  }
0x33: {  	p0 =	seq.s32 s10, $0x1;
	s10 =	sld [smem:$0x3FB5];
	_ =	sdelay $0x3  }
0x34: {  	[smem:$0x3FB5] =	sst s10  }
0x35: {  	s10 =	sld [smem:$0x3FB4];
	_ =	sdelay $0x3  }
0x36: {  	p1 =	seq.s32 s10, $0x1;
	s10 =	sld [smem:$0x3FB5];
	_ =	sdelay $0x3  }
0x37: {  	[smem:$0x3FB5] =	sst s10  }
0x38: {  	s10 =	sld [smem:$0x3FB6]  }
0x39: {  	_ = 	snop;
	(pc) =	sbr.ind lr, $3  }
0x3a: {  	_ = 	snop  }
0x3b: {  	_ = 	snop  }
0x3c: {  	p2 =	seq.s32 s10, $0x1;
	s10 =	sld [smem:$0x3FB5]  }
0x3d: {  	_ =	shalt  }
0x3e: {  	_ =	shalt  }
0x3f: {  	_ =	shalt  }
0x40: {  	_ =	shalt  }
0x41: {  	_ =	shalt  }
0x42: {  	_ =	shalt  }
0x43: {  	_ =	shalt  }
0x44: {  	_ =	shalt  }
0x45: {  	_ =	shalt  }
0x46: {  	_ =	shalt  }
0x47: {  	_ =	shalt  }
0x48: {  	_ =	shalt  }
0x49: {  	_ =	shalt  }
0x4a: {  	_ =	shalt  }
0x4b: {  	_ =	shalt  }
0x4c: {  	_ =	shalt  }
0x4d: {  	_ =	shalt  }
0x4e: {  	_ =	shalt  }
0x4f: {  	_ =	shalt  }
0x50: {  	_ =	shalt  }
0x51: {  	_ =	shalt  }
0x52: {  	_ =	shalt  }
0x53: {  	_ =	shalt  }
0x54: {  	_ =	shalt  }
0x55: {  	_ =	shalt  }
0x56: {  	_ =	shalt  }
0x57: {  	_ =	shalt  }
0x58: {  	_ =	shalt  }
0x59: {  	_ =	shalt  }
0x5a: {  	_ =	shalt  }
0x5b: {  	_ =	shalt  }
0x5c: {  	_ =	shalt  }
0x5d: {  	_ =	shalt  }
0x5e: {  	_ =	shalt  }
0x5f: {  	_ =	shalt  }
0x60: {  	_ =	shalt  }
0x61: {  	_ =	shalt  }
0x62: {  	_ =	shalt  }
0x63: {  	_ =	shalt  }
0x64: {  	_ =	shalt  }
0x65: {  	_ =	shalt  }
0x66: {  	_ =	shalt  }
0x67: {  	_ =	shalt  }
0x68: {  	_ =	shalt  }
0x69: {  	_ =	shalt  }
0x6a: {  	_ =	shalt  }
0x6b: {  	_ =	shalt  }
0x6c: {  	_ =	shalt  }
0x6d: {  	_ =	shalt  }
0x6e: {  	_ =	shalt  }
0x6f: {  	_ =	shalt  }
0x70: {  	_ =	shalt  }
0x71: {  	_ =	shalt  }
0x72: {  	_ =	shalt  }
0x73: {  	_ =	shalt  }
0x74: {  	_ =	shalt  }
0x75: {  	_ =	shalt  }
0x76: {  	_ =	shalt  }
0x77: {  	_ =	shalt  }
0x78: {  	_ =	shalt  }
0x79: {  	_ =	shalt  }
0x7a: {  	_ =	shalt  }
0x7b: {  	_ =	shalt  }
0x7c: {  	_ =	shalt  }
0x7d: {  	_ =	shalt  }
0x7e: {  	_ =	shalt  }
0x7f: {  	_ =	shalt  }
0x80: {  	_ =	shalt  }
0x81: {  	_ =	shalt  }
0x82: {  	_ =	shalt  }
0x83: {  	_ =	shalt  }
0x84: {  	_ =	shalt  }
0x85: {  	_ =	shalt  }
0x86: {  	_ =	shalt  }
0x87: {  	_ =	shalt  }
.Lfunc_end0:
.L_simem_size_0:
called_computation.2_lowered:
.L_overlay_start_0:
0x88: {  	s2 =	sld [smem:$0x3FD9]  }
0x89: {  	s3 =	sld [smem:$0x3FFE];
	_ =	sdelay $0x1  }
0x8a: {  	s1 =	srdreg.scid  }
0x8b: {  	s0 =	sand.u32 $0x1, s1  }
0x8c: {  	s16 =	sshll.u32 s0, $0xA;
	s2 =	sadd.s32 s3, s2  }
0x8d: {  	s2 =	sadd.s32 s2, s16  }
0x8e: {  	[smem:$0x3FC1] =	sst s2  }
0x8f: {  	_ = 	snop  }
0x90: {  	(tm) =	ssettm $0x1  }
0x91: {  	s17 =	sld [smem:$0x3FFB];
	_ =	sdelay $0x3  }
0x92: {  	_ =	strace s17  }
0x93: {  	s2 =	sld [smem:$0x3FFC];
	_ =	sdelay $0x3  }
0x94: {  	_ =	strace s2  }
0x95: {  	s2 =	sld [smem:$0x3FFD];
	_ =	sdelay $0x3  }
0x96: {  	_ =	strace s2  }
0x97: {  	_ =	strace $0x8FFFFFFF  }
0x98: {  	s18 =	sld [smem:$0x3FDB];
	_ =	sdelay $0x1  }
0x99: {  	s19 =	simm.s32 $_scs_section_size  }
0x9a: {  	s4 =	simm.s32 $_size__tile_overlayer_lowered;
	s5 =	simm.s32 $_tile_overlayer_lowered  }
0x9b: {  	s22 =	simm.s32 $0x1BFF;
	s21 =	sshll.u32 s5, $0x1;
	s2 =	sadd.s32 s19, s18  }
0x9c: {  	s6 =	simm.s32 $0x0;
	s20 =	sshll.u32 s4, $0x1;
	s4 =	sadd.s32 s21, s2  }
0x9d: {  	[timem:s6], [sflag:s22] =	dma.local [hbm:s4], s20  }
0x9e: {  	_ =	swait.ge [sflag:s22], s20  }
0x9f: {  	s3 =	ssub.s32 $0x0, s20;
	[sflag:s22] =	ssyncset.done $0x0  }
0xa0: {  	[sflag:s22] =	ssyncadd.s32 s3;
	_ =	sdelay $0x1  }
0xa1: {  	s23 =	simm.s32 $0x1B8B  }
0xa2: {  	_ =	swait.ge [sflag:s23], $0x1  }
0xa3: {  	[sflag:s23] =	ssyncset.done $0x0  }
0xa4: {  	s25 =	simm.s32 $0x1B8E;
	s24 =	sld [smem:$0x3FFE];
	[sflag:s23] =	ssyncadd.s32 $0xFFFFFFFF  }
0xa5: {  	s26 =	simm.s32 $execute0_lowered;
	[smem:$0x3FD2] =	sst s25  }
0xa6: {  	s4 =	sshll.u32 s26, $0x1;
	_ =	strace $0x8000004C;
	[dreg:$0x1] =	wrdreg $0xFFFFFFFF  }
0xa7: {  	s28 =	simm.s32 $_size_execute0_lowered;
	s2 =	sadd.s32 s2, s4;
	[dreg:$0x0] =	wrdreg $0x0  }
0xa8: {  	s4 =	sshll.u32 s28, $0x1;
	[dreg:$0x2] =	wrdreg s2  }
0xa9: {  	[dreg:$0x3] =	wrdreg s4  }
0xaa: {  	[dreg:$0x4] =	wrdreg $0xC0  }
0xab: {  	_ =	task [dreg:s6], $0x5FFFF  }
0xac: {  	[dreg:$0x1] =	wrdreg $0xFFFFFFFF  }
0xad: {  	[dreg:$0x0] =	wrdreg $0x60  }
0xae: {  	[dreg:$0x2] =	wrdreg s24  }
0xaf: {  	[dreg:$0x3] =	wrdreg $0x34000  }
0xb0: {  	[dreg:$0x4] =	wrdreg $0x9  }
0xb1: {  	_ =	task.clear_ibuf [dreg:s6], $0x5FFFF;
	_ =	strace $0x9000004C  }
0xb2: {  	s29 =	simm.s32 $0x9;
	_ =	strace $0x8000004E  }
0xb3: {  	_ =	swait.ge [sflag:s29], $0x1  }
0xb4: {  	[sflag:s29] =	ssyncadd.s32 $0xFFFFFFFF  }
0xb5: {  	_ =	strace $0x9000004E  }
0xb6: {  	_ =	sfence  }
0xb7: {  	s30 =	sld [smem:$0x0];
	_ =	sdelay $0x2  }
0xb8: {  	s31 =	sshll.u32 s1, $0xD;
	s1 =	sshrl.u32 s1, $0x2  }
0xb9: {  	s3 =	sand.u32 $0x4000, s31;
	s1 =	sadd.s32 s1, s30  }
0xba: {  	s0 =	sor.u32 s3, s0;
	s1 =	sshll.u32 s1, $0x11  }
0xbb: {  	s0 =	sor.u32 s1, s0  }
0xbc: {  	s0 =	sadd.s32 $0x8F2B, s0  }
0xbd: {  	[sflag:s0] =	ssyncadd.remote.s32 $0x1  }
0xbe: {  	_ =	sfence.sel $0xFFFF  }
0xbf: {  	[dreg:$0x0] =	wrdreg $0xFFFFFFFF;
	(pc) =	sbr.abs _section_cstart, $3  }
0xc0: {  	[dreg:$0x1] =	wrdreg $0xFFFFFFFF  }
0xc1: {  	_ =	task.clear_ibuf [dreg:s6], $0x2FFFF;
	_ =	strace $0x9FFFFFFF  }
0xc2: {  	(tm) =	ssettm $0x7FFFFFFF  }
0xc3: {  	_ =	shalt  }
tec
execute0_lowered:
.L_overlay_start_1:
0x0: {  	(tag) =	ssettag $0x1  }
0x1: {  	s0 =	rddreg [dreg:$0x0];
	s1 =	srdreg.scid  }
0x2: {  	s12 =	stileid.u32;
	s2 =	rddreg [dreg:$0x1]  }
0x3: {  	s3 =	simm.s32 $0x0;
	s28 =	simm.s32 $0x7;
	s29 =	simm.s32 $0x80  }
0x4: {  	s30 =	simm.s32 $0x100;
	s31 =	simm.s32 $0x180;
	s1 =	sand.u32 $0x1, s1  }
0x5: {  	s5 =	smul.u32 $0x7800, s12;
	[smem:$0x7FF] =	sst s3;
	s4 =	sadd.s32 $0x21E00, s0  }
0x6: {  	s7 =	sadd.s32 $0xDE00, s0;
	s8 =	sshll.u32 s12, $0x1;
	s14 =	smul.u32 $0x5000, s12  }
0x7: {  	s6 =	smul.u32 $0x78000, s1;
	_ =	strace $0x8000004D;
	s9 =	ssub.s32 $0x2, s1  }
0x8: {  	s8 =	sor.u32 s1, s8;
	s1 =	smul.u32 $0x2800, s1;
	s10 =	sshrl.u32 s9, $0x1  }
0x9: {  	s11 =	sshrl.u32 s5, $0x3;
	s8 =	smul.u32 $0x2800, s8;
	s6 =	sadd.s32 s5, s6  }
0xa: {  	s9 =	ssub.s32 s9, s10;
	s5 =	sadd.s32 s5, s2;
	s10 =	sadd.s32 s4, s11  }
0xb: {  	s11 =	sshll.u32 s12, $0x6;
	s19 =	sadd.s32 s1, s14;
	[dreg:$0x3] =	wrdreg s5  }
0xc: {  	s12 =	simm.s32 $0x400;
	[dreg:$0x4] =	wrdreg s10;
	s13 =	sshrl.u32 s8, $0x3  }
0xd: {  	s14 =	simm.s32 $0x4;
	s24 =	smax.u32 s9, $0x1;
	[dreg:$0x5] =	wrdreg s13  }
0xe: {  	s6 =	sshrl.u32 s6, $0x3;
	s11 =	sor.u32 $0x1C07, s11;
	[dreg:$0x10] =	wrdreg s24  }
0xf: {  	s22 =	sor.u32 $0x380, s19;
	s16 =	sadd.s32 s7, s13;
	[dreg:$0x6] =	wrdreg s11  }
0x10: {  	s6 =	sadd.s32 s6, s0;
	s0 =	sadd.s32 $0x17E00, s0;
	[dreg:$0x8] =	wrdreg s16  }
0x11: {  	s25 =	sor.u32 $0x300, s19;
	s15 =	sor.u32 $0x10, s13;
	[dreg:$0x9] =	wrdreg s0  }
0x12: {  	s26 =	sor.u32 $0x280, s19;
	s18 =	sor.u32 $0x20, s13;
	[dreg:$0x7] =	wrdreg s15  }
0x13: {  	s9 =	simm.s32 $0x2;
	s10 =	sor.u32 $0x30, s13;
	[dreg:$0xb] =	wrdreg s18  }
0x14: {  	s8 =	simm.s32 $0x0;
	s1 =	sshrl.u32 s22, $0x3;
	[dreg:$0xc] =	wrdreg s10  }
0x15: {  	s5 =	sshrl.u32 s26, $0x3;
	s13 =	simm.s32 $0x3;
	[dreg:$0x11] =	wrdreg s1  }
0x16: {  	s17 =	sadd.s32 s7, s15;
	s20 =	sadd.s32 s7, s18;
	[dreg:$0x13] =	wrdreg s5  }
0x17: {  	s21 =	sadd.s32 s7, s10;
	s23 =	sadd.s32 $0x30E00, s6;
	[dreg:$0xa] =	wrdreg s17  }
0x18: {  	s0 =	sor.u32 $0x200, s19;
	s6 =	simm.s32 $0x380;
	[dreg:$0xd] =	wrdreg s20  }
0x19: {  	s10 =	simm.s32 $0x1;
	s15 =	simm.s32 $0x1C00;
	[dreg:$0xe] =	wrdreg s21  }
.Ltmp0:
0x1a: {  	s16 =	simm.s32 $0x5;
	[dreg:$0xf] =	wrdreg s23;
	(pc) =	sbr.rel .LBB2_1-.Ltmp0, $4  }
0x1b: {  	s20 =	sadd.s32 s1, s7;
	s1 =	sshrl.u32 s25, $0x3;
	s0 =	sshrl.u32 s0, $0x3  }
0x1c: {  	s25 =	sadd.s32 s5, s7;
	s5 =	simm.s32 $0x300;
	[dreg:$0x12] =	wrdreg s1  }
0x1d: {  	s17 =	simm.s32 $0x6;
	s23 =	sadd.s32 s1, s7;
	[dreg:$0x14] =	wrdreg s0  }
0x1e: {  	s26 =	sadd.s32 s0, s7;
	s1 =	simm.s32 $0x200;
	s0 =	simm.s32 $0x280  }
.LBB2_4:
0x1f: {  	_ =	swait.ge [sflag:s17], $0x1800  }
0x20: {  	[sflag:s17] =	ssyncset.done $0x0  }
0x21: {  	[sflag:s17] =	ssyncadd.s32 $0xFFFFE800  }
0x22: {  	[spmem:s2] =	stream.indirect.scatter.add.f32 [tilespmem:s15], [sflag:$0x7], $0x30, s6, s29, $0xb8;
	[tilespmem:$0xAC00] =	vst v63  }
0x23: {  	_ =	swait.ge [sflag:s28], $0x1800  }
0x24: {  	[sflag:s28] =	ssyncset.done $0x0  }
0x25: {  	[sflag:s28] =	ssyncadd.s32 $0xFFFFE800  }
0x26: {  	[bflag:$0x0] =	sbarrier.arrive $0xFFFF  }
0x27: {  	s11 =	rddreg [dreg:$0x6]  }
0x28: {  	s7 =	rddreg [dreg:$0xf]  }
0x29: {  	s8 =	rddreg [dreg:$0x16]  }
0x2a: {  	[hbm:s7], [sflag:s11] =	dma.local [spmem:s8], $0xF00  }
0x2b: {  	_ =	swait.ge [sflag:s28], $0xF00  }
0x2c: {  	s22 =	rddreg [dreg:$0x15]  }
0x2d: {  	s24 =	rddreg [dreg:$0x10];
	s8 =	sadd.s32 $0x1, s22  }
0x2e: {  	p0 =	sne.s32 s8, s24  }
.Ltmp1:
0x2f: {  	_ = 	snop;
	(pc) =	sbr.rel @!p0 .LBB2_5-.Ltmp1, $3  }
0x30: {  	_ =	sdelay $0x1  }
0x31: {  	[sflag:s28] =	ssyncset.done $0x0  }
0x32: {  	[sflag:s28] =	ssyncadd.s32 $0xFFFFF100  }
.LBB2_1:
0x33: {  	[dreg:$0x15] =	wrdreg s8  }
0x34: {  	s7 =	rddreg [dreg:$0x3]  }
0x35: {  	s24 =	rddreg [dreg:$0x4];
	s22 =	sshrl.u32 s7, $0x3  }
0x36: {  	[dreg:$0x16] =	wrdreg s22  }
0x37: {  	[spmem:s22], [sflag:s11] =	dma.local [hbm:s24], $0xF00  }
0x38: {  	_ =	swait.ge [sflag:s28], $0xF00  }
0x39: {  	[sflag:s28] =	ssyncset.done $0x0  }
0x3a: {  	[sflag:s28] =	ssyncadd.s32 $0xFFFFF100  }
0x3b: {  	[bflag:$0x0] =	sbarrier.arrive $0xFFFF  }
0x3c: {  	s11 =	rddreg [dreg:$0x8]  }
0x3d: {  	s18 =	rddreg [dreg:$0x5]  }
0x3e: {  	s8 =	rddreg [dreg:$0x9]  }
0x3f: {  	[tilespmem:s3], [sflag:$0x1] =	stream.linear.gather [hbm4b:s11+s3], $0x80, $0x38;
	[tilespmem:$0xAC00] =	vst v63  }
0x40: {  	s19 =	rddreg [dreg:$0xa];
	s7 =	sadd.s32 s18, s8  }
0x41: {  	[tilespmem:s29], [sflag:$0x1] =	stream.linear.gather [hbm4b:s7+s3], $0x80, $0x38;
	[tilespmem:$0xAC00] =	vst v63  }
0x42: {  	s21 =	rddreg [dreg:$0x7]  }
0x43: {  	[tilespmem:s30], [sflag:$0x2] =	stream.linear.gather [hbm4b:s19+s3], $0x80, $0x38;
	[tilespmem:$0xAC00] =	vst v63  }
0x44: {  	s22 =	rddreg [dreg:$0xd];
	s7 =	sadd.s32 s21, s8  }
0x45: {  	[tilespmem:s31], [sflag:$0x2] =	stream.linear.gather [hbm4b:s7+s3], $0x80, $0x38;
	[tilespmem:$0xAC00] =	vst v63  }
0x46: {  	s24 =	rddreg [dreg:$0xb]  }
0x47: {  	[tilespmem:s1], [sflag:$0x3] =	stream.linear.gather [hbm4b:s22+s3], $0x80, $0x38;
	[tilespmem:$0xAC00] =	vst v63  }
0x48: {  	s11 =	rddreg [dreg:$0xe];
	s7 =	sadd.s32 s24, s8  }
0x49: {  	[tilespmem:s0], [sflag:$0x3] =	stream.linear.gather [hbm4b:s7+s3], $0x80, $0x38;
	[tilespmem:$0xAC00] =	vst v63  }
0x4a: {  	s18 =	rddreg [dreg:$0xc]  }
0x4b: {  	[tilespmem:s5], [sflag:$0x4] =	stream.linear.gather [hbm4b:s11+s3], $0x80, $0x38;
	[tilespmem:$0xAC00] =	vst v63  }
0x4c: {  	s7 =	sadd.s32 s18, s8  }
0x4d: {  	[tilespmem:s6], [sflag:$0x4] =	stream.linear.gather [hbm4b:s7+s3], $0x80, $0x38;
	[tilespmem:$0xAC00] =	vst v63  }
0x4e: {  	_ =	swait.ge [sflag:s10], $0x80  }
0x4f: {  	[sflag:s10] =	ssyncset.done $0x0  }
0x50: {  	[sflag:s10] =	ssyncadd.s32 $0xFFFFFF80  }
0x51: {  	_ =	swait.ge [sflag:s10], $0x80  }
0x52: {  	[sflag:s10] =	ssyncset.done $0x0  }
0x53: {  	[sflag:s10] =	ssyncadd.s32 $0xFFFFFF80  }
0x54: {  	[tilespmem:s12], [sflag:$0x5] =	stream.indirect.gather [hbm4b:s4+s29], $0x30, s3, s29, $0xb8;
	[tilespmem:$0xAC00] =	vst v63  }
0x55: {  	_ =	swait.ge [sflag:s9], $0x80  }
0x56: {  	[sflag:s9] =	ssyncset.done $0x0  }
0x57: {  	[sflag:s9] =	ssyncadd.s32 $0xFFFFFF80  }
0x58: {  	_ =	swait.ge [sflag:s9], $0x80  }
0x59: {  	s19 =	rddreg [dreg:$0x11]  }
0x5a: {  	s21 =	rddreg [dreg:$0x12]  }
0x5b: {  	s22 =	rddreg [dreg:$0x13]  }
0x5c: {  	[sflag:s9] =	ssyncset.done $0x0;
	s24 =	rddreg [dreg:$0x14]  }
0x5d: {  	[sflag:s9] =	ssyncadd.s32 $0xFFFFFF80;
	s7 =	sadd.s32 s8, s19;
	s21 =	sadd.s32 s8, s21  }
0x5e: {  	s22 =	sadd.s32 s8, s22;
	s24 =	sadd.s32 s8, s24;
	s8 =	simm.s32 $0x0  }
0x5f: {  	[tilespmem:s15], [sflag:$0x6] =	stream.indirect.gather [hbm4b:s4+s29], $0x30, s30, s29, $0xb8;
	[tilespmem:$0xAC00] =	vst v63  }
.LBB2_2:
0x60: {  	_ =	swait.ge [sflag:s16], $0x1800  }
0x61: {  	[sflag:s16] =	ssyncset.done $0x0  }
0x62: {  	[sflag:s16] =	ssyncadd.s32 $0xFFFFE800  }
0x63: {  	[spmem:s2] =	stream.indirect.scatter.add.f32 [tilespmem:s12], [sflag:$0x7], $0x30, s29, s29, $0xb8;
	[tilespmem:$0xAC00] =	vst v63  }
0x64: {  	_ =	swait.ge [sflag:s28], $0x1800  }
0x65: {  	p0 =	seq.s32 s8, $0x4C0;
	[sflag:s28] =	ssyncset.done $0x0  }
0x66: {  	s19 =	sadd.s32 @!p0 s8, s26;
	s11 =	simm.s32 @!p0 $0x0;
	[sflag:s28] =	ssyncadd.s32 $0xFFFFE800  }
0x67: {  	[tilespmem:s11], [sflag:$0x1] =	stream.linear.gather @!p0 [hbm4b:s19+s11], $0x80, $0x38;
	[tilespmem:$0xAC00] =	vst v63  }
0x68: {  	s18 =	simm.s32 @!p0 $0x80;
	s19 =	sadd.s32 @!p0 s8, s24  }
0x69: {  	[tilespmem:s18], [sflag:$0x1] =	stream.linear.gather @!p0 [hbm4b:s19+s11], $0x80, $0x38;
	[tilespmem:$0xAC00] =	vst v63  }
0x6a: {  	_ =	swait.ge [sflag:s13], $0x80  }
0x6b: {  	[sflag:s13] =	ssyncset.done $0x0  }
0x6c: {  	[sflag:s13] =	ssyncadd.s32 $0xFFFFFF80  }
0x6d: {  	_ =	swait.ge [sflag:s13], $0x80  }
0x6e: {  	[sflag:s13] =	ssyncset.done $0x0  }
0x6f: {  	[sflag:s13] =	ssyncadd.s32 $0xFFFFFF80  }
0x70: {  	[tilespmem:s12], [sflag:$0x5] =	stream.indirect.gather [hbm4b:s4+s29], $0x30, s1, s29, $0xb8;
	[tilespmem:$0xAC00] =	vst v63  }
0x71: {  	_ =	swait.ge [sflag:s17], $0x1800  }
0x72: {  	[sflag:s17] =	ssyncset.done $0x0  }
0x73: {  	[sflag:s17] =	ssyncadd.s32 $0xFFFFE800  }
0x74: {  	[spmem:s2] =	stream.indirect.scatter.add.f32 [tilespmem:s15], [sflag:$0x7], $0x30, s31, s29, $0xb8;
	[tilespmem:$0xAC00] =	vst v63  }
0x75: {  	_ =	swait.ge [sflag:s28], $0x1800  }
0x76: {  	[sflag:s28] =	ssyncset.done $0x0  }
0x77: {  	s18 =	sadd.s32 @!p0 s8, s25;
	s19 =	simm.s32 @!p0 $0x100;
	[sflag:s28] =	ssyncadd.s32 $0xFFFFE800  }
0x78: {  	[tilespmem:s19], [sflag:$0x2] =	stream.linear.gather @!p0 [hbm4b:s18+s11], $0x80, $0x38;
	[tilespmem:$0xAC00] =	vst v63  }
0x79: {  	s18 =	sadd.s32 @!p0 s8, s22;
	s19 =	simm.s32 @!p0 $0x180  }
0x7a: {  	[tilespmem:s19], [sflag:$0x2] =	stream.linear.gather @!p0 [hbm4b:s18+s11], $0x80, $0x38;
	[tilespmem:$0xAC00] =	vst v63  }
0x7b: {  	_ =	swait.ge [sflag:s14], $0x80  }
0x7c: {  	[sflag:s14] =	ssyncset.done $0x0  }
0x7d: {  	[sflag:s14] =	ssyncadd.s32 $0xFFFFFF80  }
0x7e: {  	_ =	swait.ge [sflag:s14], $0x80  }
0x7f: {  	[sflag:s14] =	ssyncset.done $0x0  }
0x80: {  	[sflag:s14] =	ssyncadd.s32 $0xFFFFFF80  }
0x81: {  	[tilespmem:s15], [sflag:$0x6] =	stream.indirect.gather [hbm4b:s4+s29], $0x30, s5, s29, $0xb8;
	[tilespmem:$0xAC00] =	vst v63  }
0x82: {  	_ =	swait.ge [sflag:s16], $0x1800  }
0x83: {  	[sflag:s16] =	ssyncset.done $0x0  }
.Ltmp2:
0x84: {  	[sflag:s16] =	ssyncadd.s32 $0xFFFFE800;
	(pc) =	sbr.rel @p0 .LBB2_4-.Ltmp2, $4  }
0x85: {  	[spmem:s2] =	stream.indirect.scatter.add.f32 [tilespmem:s12], [sflag:$0x7], $0x30, s0, s29, $0xb8;
	[tilespmem:$0xAC00] =	vst v63  }
0x86: {  	_ =	swait.ge [sflag:s28], $0x1800  }
0x87: {  	[sflag:s28] =	ssyncset.done $0x0  }
0x88: {  	[sflag:s28] =	ssyncadd.s32 $0xFFFFE800  }
0x89: {  	s11 =	sadd.s32 s8, s23  }
0x8a: {  	[tilespmem:s1], [sflag:$0x3] =	stream.linear.gather [hbm4b:s11+s3], $0x80, $0x38;
	[tilespmem:$0xAC00] =	vst v63  }
0x8b: {  	s19 =	sadd.s32 s8, s21  }
0x8c: {  	[tilespmem:s0], [sflag:$0x3] =	stream.linear.gather [hbm4b:s19+s3], $0x80, $0x38;
	[tilespmem:$0xAC00] =	vst v63  }
0x8d: {  	_ =	swait.ge [sflag:s10], $0x80  }
0x8e: {  	[sflag:s10] =	ssyncset.done $0x0  }
0x8f: {  	[sflag:s10] =	ssyncadd.s32 $0xFFFFFF80  }
0x90: {  	_ =	swait.ge [sflag:s10], $0x80  }
0x91: {  	[sflag:s10] =	ssyncset.done $0x0  }
0x92: {  	[sflag:s10] =	ssyncadd.s32 $0xFFFFFF80  }
0x93: {  	[tilespmem:s12], [sflag:$0x5] =	stream.indirect.gather [hbm4b:s4+s29], $0x30, s3, s29, $0xb8;
	[tilespmem:$0xAC00] =	vst v63  }
0x94: {  	_ =	swait.ge [sflag:s17], $0x1800  }
0x95: {  	[sflag:s17] =	ssyncset.done $0x0  }
0x96: {  	[sflag:s17] =	ssyncadd.s32 $0xFFFFE800  }
0x97: {  	[spmem:s2] =	stream.indirect.scatter.add.f32 [tilespmem:s15], [sflag:$0x7], $0x30, s6, s29, $0xb8;
	[tilespmem:$0xAC00] =	vst v63  }
0x98: {  	_ =	swait.ge [sflag:s28], $0x1800  }
0x99: {  	[sflag:s28] =	ssyncset.done $0x0  }
0x9a: {  	s18 =	sadd.s32 s8, s20;
	[sflag:s28] =	ssyncadd.s32 $0xFFFFE800  }
0x9b: {  	[tilespmem:s5], [sflag:$0x4] =	stream.linear.gather [hbm4b:s18+s3], $0x80, $0x38;
	[tilespmem:$0xAC00] =	vst v63  }
0x9c: {  	s19 =	sadd.s32 s8, s7  }
0x9d: {  	[tilespmem:s6], [sflag:$0x4] =	stream.linear.gather [hbm4b:s19+s3], $0x80, $0x38;
	[tilespmem:$0xAC00] =	vst v63  }
0x9e: {  	_ =	swait.ge [sflag:s9], $0x80  }
0x9f: {  	[sflag:s9] =	ssyncset.done $0x0  }
.Ltmp3:
0xa0: {  	[sflag:s9] =	ssyncadd.s32 $0xFFFFFF80;
	(pc) =	sbr.rel .LBB2_2-.Ltmp3, $4  }
0xa1: {  	_ =	swait.ge [sflag:s9], $0x80  }
0xa2: {  	[sflag:s9] =	ssyncset.done $0x0  }
0xa3: {  	s8 =	sadd.s32 $0x40, s8;
	[sflag:s9] =	ssyncadd.s32 $0xFFFFFF80  }
0xa4: {  	[tilespmem:s15], [sflag:$0x6] =	stream.indirect.gather [hbm4b:s4+s29], $0x30, s30, s29, $0xb8;
	[tilespmem:$0xAC00] =	vst v63  }
.LBB2_5:
0xa5: {  	_ =	sfence.sel $0x180000  }
0xa6: {  	[bflag:$0x0] =	sbarrier.arrive $0xFFFF  }
0xa7: {  	_ =	strace $0x9000004D  }
0xa8: {  	s0 =	stileid.u32;
	[bflag:$0x2] =	sbarrier.arrive $0xFFFF  }
0xa9: {  	p0 =	sne.s32 s0, $0x0;
	s0 =	rddreg [dreg:$0x2]  }
0xaa: {  	s0 =	sadd.s32 @!p0 $0x100000, s0  }
0xab: {  	[sflag:s0] =	ssyncadd.tile.s32 @!p0 $0x1;
	_ =	shalt  }
.Lfunc_end2:
_tile_overlayer_lowered:
.L_overlay_start_2:
0xac: {  	(tag) =	ssettag $0x2  }
0xad: {  	s0 =	rddreg [dreg:$0x0];
	s2 =	stileid.u32  }
0xae: {  	s1 =	rddreg [dreg:$0x1];
	p0 =	sne.s32 s2, $0x0  }
0xaf: {  	s3 =	rddreg [dreg:$0x2];
	[bflag:$0x3] =	sbarrier.arrive $0xFFFF;
	s2 =	simm.s32 @!p0 $0x1C07  }
0xb0: {  	[timem:s3], [sflag:s2] =	dma.local @!p0 [hbm:s0], s1  }
0xb1: {  	s0 =	simm.s32 @!p0 $0x7  }
0xb2: {  	_ =	swait.ge @!p0 [sflag:s0], s1  }
0xb3: {  	s1 =	ssub.s32 @!p0 $0x0, s1;
	[sflag:s0] =	ssyncset.done @!p0 $0x0  }
0xb4: {  	[sflag:s0] =	ssyncadd.s32 @!p0 s1  }
0xb5: {  	[bflag:$0x3] =	sbarrier.arrive $0xFFFF  }
0xb6: {  	_ =	shalt  }

// kernel: kernel.8.cloned.1.call-start
scs
__scs_entry_jumppad:
0x0: {  	(pc) =	sbr.rel $0x88, $3  }
0x1: {  	(tag) =	ssettag $0x0;
	lr =	simm.s32 $0x1  }
0x2: {  	[smem:$0x3F9A] =	sst lr;
	_ =	strace $0xD0000000  }
0x3: {  	_ = 	snop  }
0x4: {  	_ = 	snop  }
0x5: {  	_ = 	snop  }
0x6: {  	_ = 	snop  }
0x7: {  	_ = 	snop  }
__scs_overlays_trampoline_lowered:
0x8: {  	[smem:$0x3FA9] =	sst s0  }
0x9: {  	[smem:$0x3FAA] =	sst s1  }
0xa: {  	[smem:$0x3FAB] =	sst s2  }
0xb: {  	[smem:$0x3FAC] =	sst s3  }
0xc: {  	[smem:$0x3FAD] =	sst s4  }
0xd: {  	[smem:$0x3FAE] =	sst s5  }
0xe: {  	[smem:$0x3FAF] =	sst s6  }
0xf: {  	[smem:$0x3FB0] =	sst s7  }
0x10: {  	[smem:$0x3FB1] =	sst s8  }
0x11: {  	[smem:$0x3FB2] =	sst s9;
	s0 =	simm.s32 @!p0 $0x0  }
0x12: {  	s1 =	sld [smem:$0x3F98];
	s0 =	simm.s32 @p0 $0x1  }
0x13: {  	[smem:$0x3FB3] =	sst s0;
	s0 =	simm.s32 @!p1 $0x0  }
0x14: {  	s2 =	sld [smem:$0x3F97];
	s0 =	simm.s32 @p1 $0x1  }
0x15: {  	[smem:$0x3FB4] =	sst s0;
	s0 =	simm.s32 @!p2 $0x0  }
0x16: {  	s3 =	sld [smem:$0x3FDB];
	s0 =	simm.s32 @p2 $0x1  }
0x17: {  	s4 =	simm.s32 $0x1BF5;
	[smem:$0x3FB6] =	sst s0  }
0x18: {  	s0 =	sld [smem:$0x3F99];
	_ =	swait.ge [sflag:s4], $0x0  }
0x19: {  	s7 =	sld [smem:$0x3F9A]  }
0x1a: {  	s8 =	sadd.s32 $0xFFFFE003, lr  }
0x1b: {  	s9 =	sadd.s32 $0xFFFFFEF7, lr;
	s5 =	simm.s32 $0xFFFFFFFF;
	p2 =	slt.u32 s8, $0xFFFFF086  }
0x1c: {  	p1 =	slt.u32 s9, $0xF7A;
	s5 =	simm.s32 @!p2 $0x0  }
0x1d: {  	s5 =	simm.s32 @p1 $0x1;
	p0 =	seq.s32 s7, s2  }
0x1e: {  	s7 =	smul.u32 @!p0 $0xF7A, s2;
	p2 =	seq.s32 @!p0 s5, $0x0  }
0x1f: {  	s9 =	smul.u32 $0xF7A, s1;
	s8 =	simm.s32 @!p0 $0x1BF5;
	p2 =	por !p2, p0  }
0x20: {  	[sflag:s8] =	ssyncset.s32 @!p0 $0xFFFFF086;
	s6 =	sadd.s32 @!p0 s3, s7;
	s7 =	simm.s32 @!p0 $0x108  }
0x21: {  	s3 =	sadd.s32 s3, s9;
	s6 =	sadd.s32 @!p0 $0x88, s6;
	s7 =	simm.s32 @p2 $0x1082  }
0x22: {  	[simem:s7], [sflag:s8] =	dma.local @!p0 [hbm:s6], $0xF7A  }
0x23: {  	s9 =	sor.u32 $0xD0000000, s2;
	s6 =	simm.s32 $0x108;
	_ =	swait.ge @!p0 [sflag:s8], $0x0  }
0x24: {  	s3 =	sadd.s32 $0x88, s3;
	s6 =	simm.s32 @!p1 $0x1082;
	[sflag:s4] =	ssyncset.s32 $0xFFFFF086  }
0x25: {  	[simem:s6], [sflag:s4] =	dma.local [hbm:s3], $0xF7A  }
0x26: {  	[smem:$0x3F9A] =	sst s1;
	(tag) =	ssettag s2;
	_ =	strace s9  }
0x27: {  	s1 =	sld [smem:$0x3FAA]  }
0x28: {  	s2 =	sld [smem:$0x3FAB]  }
0x29: {  	s4 =	sld [smem:$0x3FAD]  }
0x2a: {  	p0 =	seq.s32 s5, $0x0;
	s5 =	sld [smem:$0x3FAE]  }
0x2b: {  	s6 =	sld [smem:$0x3FAF]  }
0x2c: {  	s7 =	sld [smem:$0x3FB0]  }
0x2d: {  	s3 =	simm.s32 $0x108;
	s8 =	sld [smem:$0x3FB1]  }
0x2e: {  	s3 =	simm.s32 @!p0 $0x1082;
	s9 =	sld [smem:$0x3FB2]  }
0x2f: {  	lr =	sadd.s32 s0, s3;
	s0 =	sld [smem:$0x3FA9]  }
0x30: {  	s3 =	sld [smem:$0x3FAC]  }
0x31: {  	[smem:$0x3FB5] =	sst s10  }
0x32: {  	s10 =	sld [smem:$0x3FB3];
	_ =	sdelay $0x3  }
0x33: {  	p0 =	seq.s32 s10, $0x1;
	s10 =	sld [smem:$0x3FB5];
	_ =	sdelay $0x3  }
0x34: {  	[smem:$0x3FB5] =	sst s10  }
0x35: {  	s10 =	sld [smem:$0x3FB4];
	_ =	sdelay $0x3  }
0x36: {  	p1 =	seq.s32 s10, $0x1;
	s10 =	sld [smem:$0x3FB5];
	_ =	sdelay $0x3  }
0x37: {  	[smem:$0x3FB5] =	sst s10  }
0x38: {  	s10 =	sld [smem:$0x3FB6]  }
0x39: {  	_ = 	snop;
	(pc) =	sbr.ind lr, $3  }
0x3a: {  	_ = 	snop  }
0x3b: {  	_ = 	snop  }
0x3c: {  	p2 =	seq.s32 s10, $0x1;
	s10 =	sld [smem:$0x3FB5]  }
0x3d: {  	_ =	shalt  }
0x3e: {  	_ =	shalt  }
0x3f: {  	_ =	shalt  }
0x40: {  	_ =	shalt  }
0x41: {  	_ =	shalt  }
0x42: {  	_ =	shalt  }
0x43: {  	_ =	shalt  }
0x44: {  	_ =	shalt  }
0x45: {  	_ =	shalt  }
0x46: {  	_ =	shalt  }
0x47: {  	_ =	shalt  }
0x48: {  	_ =	shalt  }
0x49: {  	_ =	shalt  }
0x4a: {  	_ =	shalt  }
0x4b: {  	_ =	shalt  }
0x4c: {  	_ =	shalt  }
0x4d: {  	_ =	shalt  }
0x4e: {  	_ =	shalt  }
0x4f: {  	_ =	shalt  }
0x50: {  	_ =	shalt  }
0x51: {  	_ =	shalt  }
0x52: {  	_ =	shalt  }
0x53: {  	_ =	shalt  }
0x54: {  	_ =	shalt  }
0x55: {  	_ =	shalt  }
0x56: {  	_ =	shalt  }
0x57: {  	_ =	shalt  }
0x58: {  	_ =	shalt  }
0x59: {  	_ =	shalt  }
0x5a: {  	_ =	shalt  }
0x5b: {  	_ =	shalt  }
0x5c: {  	_ =	shalt  }
0x5d: {  	_ =	shalt  }
0x5e: {  	_ =	shalt  }
0x5f: {  	_ =	shalt  }
0x60: {  	_ =	shalt  }
0x61: {  	_ =	shalt  }
0x62: {  	_ =	shalt  }
0x63: {  	_ =	shalt  }
0x64: {  	_ =	shalt  }
0x65: {  	_ =	shalt  }
0x66: {  	_ =	shalt  }
0x67: {  	_ =	shalt  }
0x68: {  	_ =	shalt  }
0x69: {  	_ =	shalt  }
0x6a: {  	_ =	shalt  }
0x6b: {  	_ =	shalt  }
0x6c: {  	_ =	shalt  }
0x6d: {  	_ =	shalt  }
0x6e: {  	_ =	shalt  }
0x6f: {  	_ =	shalt  }
0x70: {  	_ =	shalt  }
0x71: {  	_ =	shalt  }
0x72: {  	_ =	shalt  }
0x73: {  	_ =	shalt  }
0x74: {  	_ =	shalt  }
0x75: {  	_ =	shalt  }
0x76: {  	_ =	shalt  }
0x77: {  	_ =	shalt  }
0x78: {  	_ =	shalt  }
0x79: {  	_ =	shalt  }
0x7a: {  	_ =	shalt  }
0x7b: {  	_ =	shalt  }
0x7c: {  	_ =	shalt  }
0x7d: {  	_ =	shalt  }
0x7e: {  	_ =	shalt  }
0x7f: {  	_ =	shalt  }
0x80: {  	_ =	shalt  }
0x81: {  	_ =	shalt  }
0x82: {  	_ =	shalt  }
0x83: {  	_ =	shalt  }
0x84: {  	_ =	shalt  }
0x85: {  	_ =	shalt  }
0x86: {  	_ =	shalt  }
0x87: {  	_ =	shalt  }
.Lfunc_end0:
.L_simem_size_0:
called_computation_lowered:
.L_overlay_start_0:
0x88: {  	s2 =	sld [smem:$0x3FD9]  }
0x89: {  	s3 =	sld [smem:$0x3FFE];
	_ =	sdelay $0x1  }
0x8a: {  	s1 =	srdreg.scid  }
0x8b: {  	s0 =	sand.u32 $0x1, s1  }
0x8c: {  	s16 =	sshll.u32 s0, $0xA;
	s2 =	sadd.s32 s3, s2  }
0x8d: {  	s2 =	sadd.s32 s2, s16  }
0x8e: {  	[smem:$0x3FC1] =	sst s2  }
0x8f: {  	_ = 	snop  }
0x90: {  	(tm) =	ssettm $0x1  }
0x91: {  	s17 =	sld [smem:$0x3FFB];
	_ =	sdelay $0x3  }
0x92: {  	_ =	strace s17  }
0x93: {  	s2 =	sld [smem:$0x3FFC];
	_ =	sdelay $0x3  }
0x94: {  	_ =	strace s2  }
0x95: {  	s2 =	sld [smem:$0x3FFD];
	_ =	sdelay $0x3  }
0x96: {  	_ =	strace s2  }
0x97: {  	_ =	strace $0x8FFFFFFF  }
0x98: {  	s18 =	sld [smem:$0x3FDB];
	_ =	sdelay $0x1  }
0x99: {  	s19 =	simm.s32 $_scs_section_size  }
0x9a: {  	s4 =	simm.s32 $_size__tile_overlayer_lowered;
	s5 =	simm.s32 $_tile_overlayer_lowered  }
0x9b: {  	s22 =	simm.s32 $0x1BFF;
	s21 =	sshll.u32 s5, $0x1;
	s2 =	sadd.s32 s19, s18  }
0x9c: {  	s6 =	simm.s32 $0x0;
	s20 =	sshll.u32 s4, $0x1;
	s4 =	sadd.s32 s21, s2  }
0x9d: {  	[timem:s6], [sflag:s22] =	dma.local [hbm:s4], s20  }
0x9e: {  	_ =	swait.ge [sflag:s22], s20  }
0x9f: {  	s3 =	ssub.s32 $0x0, s20;
	[sflag:s22] =	ssyncset.done $0x0  }
0xa0: {  	[sflag:s22] =	ssyncadd.s32 s3;
	_ =	sdelay $0x1  }
0xa1: {  	s23 =	simm.s32 $0x1B8B  }
0xa2: {  	_ =	swait.ge [sflag:s23], $0x1  }
0xa3: {  	[sflag:s23] =	ssyncset.done $0x0  }
0xa4: {  	s25 =	simm.s32 $0x1B8E;
	s24 =	sld [smem:$0x3FFE];
	[sflag:s23] =	ssyncadd.s32 $0xFFFFFFFF  }
0xa5: {  	s26 =	simm.s32 $execute0_lowered;
	[smem:$0x3FD2] =	sst s25  }
0xa6: {  	s4 =	sshll.u32 s26, $0x1;
	_ =	strace $0x80000046;
	[dreg:$0x1] =	wrdreg $0xFFFFFFFF  }
0xa7: {  	s28 =	simm.s32 $_size_execute0_lowered;
	s2 =	sadd.s32 s2, s4;
	[dreg:$0x0] =	wrdreg $0x0  }
0xa8: {  	s4 =	sshll.u32 s28, $0x1;
	[dreg:$0x2] =	wrdreg s2  }
0xa9: {  	[dreg:$0x3] =	wrdreg s4  }
0xaa: {  	[dreg:$0x4] =	wrdreg $0xC0  }
0xab: {  	_ =	task [dreg:s6], $0x5FFFF  }
0xac: {  	[dreg:$0x1] =	wrdreg $0xFFFFFFFF  }
0xad: {  	[dreg:$0x0] =	wrdreg $0x60  }
0xae: {  	[dreg:$0x2] =	wrdreg s24  }
0xaf: {  	[dreg:$0x3] =	wrdreg $0x2B000  }
0xb0: {  	[dreg:$0x4] =	wrdreg $0x9  }
0xb1: {  	_ =	task.clear_ibuf [dreg:s6], $0x5FFFF;
	_ =	strace $0x90000046  }
0xb2: {  	s29 =	simm.s32 $0x9;
	_ =	strace $0x80000048  }
0xb3: {  	_ =	swait.ge [sflag:s29], $0x1  }
0xb4: {  	[sflag:s29] =	ssyncadd.s32 $0xFFFFFFFF  }
0xb5: {  	_ =	strace $0x90000048  }
0xb6: {  	_ =	sfence  }
0xb7: {  	s30 =	sld [smem:$0x0];
	_ =	sdelay $0x2  }
0xb8: {  	s31 =	sshll.u32 s1, $0xD;
	s1 =	sshrl.u32 s1, $0x2  }
0xb9: {  	s3 =	sand.u32 $0x4000, s31;
	s1 =	sadd.s32 s1, s30  }
0xba: {  	s0 =	sor.u32 s3, s0;
	s1 =	sshll.u32 s1, $0x11  }
0xbb: {  	s0 =	sor.u32 s1, s0  }
0xbc: {  	s0 =	sadd.s32 $0x8F2B, s0  }
0xbd: {  	[sflag:s0] =	ssyncadd.remote.s32 $0x1  }
0xbe: {  	_ =	sfence.sel $0xFFFF  }
0xbf: {  	[dreg:$0x0] =	wrdreg $0xFFFFFFFF;
	(pc) =	sbr.abs _section_cstart, $3  }
0xc0: {  	[dreg:$0x1] =	wrdreg $0xFFFFFFFF  }
0xc1: {  	_ =	task.clear_ibuf [dreg:s6], $0x2FFFF;
	_ =	strace $0x9FFFFFFF  }
0xc2: {  	(tm) =	ssettm $0x7FFFFFFF  }
0xc3: {  	_ =	shalt  }
tec
execute0_lowered:
.L_overlay_start_1:
0x0: {  	(tag) =	ssettag $0x1  }
0x1: {  	s4 =	rddreg [dreg:$0x0]  }
0x2: {  	s2 =	rddreg [dreg:$0x1]  }
0x3: {  	s3 =	srdreg.scid;
	s1 =	stileid.u32  }
0x4: {  	s0 =	rddreg [dreg:$0x2];
	s10 =	simm.s32 $0x80;
	s11 =	simm.s32 $0x2800  }
0x5: {  	s14 =	simm.s32 $0x20;
	s15 =	simm.s32 $0x10;
	s16 =	simm.s32 $0x0  }
0x6: {  	s5 =	sand.u32 $0x1, s3;
	s6 =	sshll.u32 s1, $0x1;
	s7 =	smul.u32 $0x500, s1  }
0x7: {  	s3 =	simm.s32 $0x0;
	s30 =	smul.u32 $0xA00, s1;
	s12 =	sshll.u32 s1, $0x6  }
0x8: {  	s6 =	sor.u32 s5, s6;
	[smem:$0x7FF] =	sst s3;
	s8 =	sshll.u32 s5, $0x7  }
0x9: {  	s5 =	ssub.s32 $0x2, s5;
	s12 =	sor.u32 $0x1C01, s12;
	s6 =	smul.u32 $0x500, s6  }
0xa: {  	_ =	strace $0x80000047;
	s7 =	sor.u32 s8, s7;
	s31 =	sshrl.u32 s5, $0x1  }
0xb: {  	s8 =	sshrl.u32 s30, $0x2;
	s7 =	sshrl.u32 s7, $0x3;
	s9 =	ssub.s32 s5, s31  }
0xc: {  	s5 =	sadd.s32 s8, s2;
	s8 =	simm.s32 $0x1;
	s6 =	sadd.s32 s6, s4  }
0xd: {  	s7 =	sadd.s32 s7, s4;
	s13 =	sshrl.u32 s5, $0x3;
	s4 =	sadd.s32 $0x3400, s6  }
0xe: {  	v0 =	vimm.f32 $0.0e+00;
	v1 =	vimm.f32 $1.000000000e+00;
	s6 =	sadd.s32 $0xD400, s7;
	s7 =	smax.u32 s9, $0x1;
	s9 =	simm.s32 $0x2880  }
.LBB2_1:
0xf: {  	[tilespmem:$0x2880] =	vst v0  }
0x10: {  	[tilespmem:$0x2890] =	vst v0  }
0x11: {  	[tilespmem:$0x28A0] =	vst v0  }
0x12: {  	[tilespmem:$0x28B0] =	vst v0  }
0x13: {  	[tilespmem:$0x28C0] =	vst v0  }
0x14: {  	[tilespmem:$0x28D0] =	vst v0  }
0x15: {  	[tilespmem:$0x28E0] =	vst v0  }
0x16: {  	[tilespmem:$0x28F0] =	vst v0  }
0x17: {  	[tilespmem:$0x2900] =	vst v0  }
0x18: {  	[tilespmem:$0x2910] =	vst v0  }
0x19: {  	[tilespmem:$0x2920] =	vst v0  }
0x1a: {  	[tilespmem:$0x2930] =	vst v0  }
0x1b: {  	[tilespmem:$0x2940] =	vst v0  }
0x1c: {  	[tilespmem:$0x2950] =	vst v0  }
0x1d: {  	[tilespmem:$0x2960] =	vst v0  }
0x1e: {  	[tilespmem:$0x2970] =	vst v0  }
0x1f: {  	[tilespmem:$0x2980] =	vst v0  }
0x20: {  	[tilespmem:$0x2990] =	vst v0  }
0x21: {  	[tilespmem:$0x29A0] =	vst v0  }
0x22: {  	[tilespmem:$0x29B0] =	vst v0  }
0x23: {  	[tilespmem:$0x29C0] =	vst v0  }
0x24: {  	[tilespmem:$0x29D0] =	vst v0  }
0x25: {  	[tilespmem:$0x29E0] =	vst v0  }
0x26: {  	[tilespmem:$0x29F0] =	vst v0  }
0x27: {  	[tilespmem:$0x2A00] =	vst v0  }
0x28: {  	[tilespmem:$0x2A10] =	vst v0  }
0x29: {  	[tilespmem:$0x2A20] =	vst v0  }
0x2a: {  	[tilespmem:$0x2A30] =	vst v0  }
0x2b: {  	[tilespmem:$0x2A40] =	vst v0  }
0x2c: {  	[tilespmem:$0x2A50] =	vst v0  }
0x2d: {  	[tilespmem:$0x2A60] =	vst v0  }
0x2e: {  	[tilespmem:$0x2A70] =	vst v0  }
0x2f: {  	[tilespmem:$0x2A80] =	vst v0  }
0x30: {  	[tilespmem:$0x2A90] =	vst v0  }
0x31: {  	[tilespmem:$0x2AA0] =	vst v0  }
0x32: {  	[tilespmem:$0x2AB0] =	vst v0  }
0x33: {  	[tilespmem:$0x2AC0] =	vst v0  }
0x34: {  	[tilespmem:$0x2AD0] =	vst v0  }
0x35: {  	[tilespmem:$0x2AE0] =	vst v0  }
0x36: {  	[tilespmem:$0x2AF0] =	vst v0  }
0x37: {  	[tilespmem:$0x2800] =	vst v1  }
0x38: {  	[tilespmem:$0x2810] =	vst v1  }
0x39: {  	[tilespmem:$0x2820] =	vst v1  }
0x3a: {  	[tilespmem:$0x2830] =	vst v1  }
0x3b: {  	[tilespmem:$0x2840] =	vst v1  }
0x3c: {  	[tilespmem:$0x2850] =	vst v1  }
0x3d: {  	[tilespmem:$0x2860] =	vst v1  }
0x3e: {  	[tilespmem:$0x2870] =	vst v1  }
0x3f: {  	[tilespmem:s3], [sflag:$0x1] =	stream.linear.gather [hbm4b:s4+s3], $0x2800, $0x38;
	[tilespmem:$0x2D80] =	vst v63  }
0x40: {  	_ =	swait.ge [sflag:s8], $0x2800  }
0x41: {  	[sflag:s8] =	ssyncset.done $0x0  }
0x42: {  	[sflag:s8] =	ssyncadd.s32 $0xFFFFD800  }
0x43: {  	[spmem:s5] =	stream.linear.scatter [tilespmem:s9], [sflag:$0x1], $0x280, $0x38;
	[tilespmem:$0x2D80] =	vst v63  }
0x44: {  	_ =	swait.ge [sflag:s8], $0x280  }
0x45: {  	[sflag:s8] =	ssyncset.done $0x0  }
0x46: {  	[sflag:s8] =	ssyncadd.s32 $0xFFFFFD80  }
0x47: {  	s17 =	simm.s32 $0x0;
	[bflag:$0x0] =	sbarrier.arrive $0xFFFF  }
0x48: {  	[spmem:s2] =	stream.indirect.scatter.add.f32 [tilespmem:s11], [sflag:$0x1], $0x1, s17, s10, $0xb8;
	[tilespmem:$0x2D80] =	vst v63  }
0x49: {  	_ =	swait.ge [sflag:s8], $0x80  }
0x4a: {  	s17 =	simm.s32 $0x200;
	[sflag:s8] =	ssyncset.done $0x0  }
.LBB2_2:
0x4b: {  	s18 =	sshra.s32 s17, $0x2;
	[sflag:s8] =	ssyncadd.s32 $0xFFFFFF80;
	p0 =	sne.s32 s17, $0x9E00  }
0x4c: {  	[spmem:s2] =	stream.indirect.scatter.add.f32 [tilespmem:s11], [sflag:$0x1], $0x1, s18, s10, $0xb8;
	[tilespmem:$0x2D80] =	vst v63  }
.Ltmp0:
0x4d: {  	_ = 	snop;
	(pc) =	sbr.rel @p0 .LBB2_2-.Ltmp0, $4  }
0x4e: {  	_ = 	snop  }
0x4f: {  	s17 =	sadd.s32 $0x200, s17  }
0x50: {  	_ =	swait.ge [sflag:s8], $0x80  }
0x51: {  	[sflag:s8] =	ssyncset.done $0x0  }
0x52: {  	s16 =	sadd.s32 $0x1, s16  }
0x53: {  	[sflag:s8] =	ssyncadd.s32 $0xFFFFFF80;
	p0 =	sne.s32 s16, s7  }
.Ltmp1:
0x54: {  	[bflag:$0x0] =	sbarrier.arrive $0xFFFF;
	(pc) =	sbr.rel @p0 .LBB2_1-.Ltmp1, $4  }
0x55: {  	[hbm:s6@s14], [sflag:s12] =	dma.strided [spmem:s13@s15], $0x50, s8, $0x10   }
0x56: {  	_ =	swait.ge [sflag:s8], $0x50  }
0x57: {  	[sflag:s8] =	ssyncset.done $0x0  }
0x58: {  	[sflag:s8] =	ssyncadd.s32 $0xFFFFFFB0  }
0x59: {  	_ =	sfence.sel $0x180000  }
0x5a: {  	[bflag:$0x0] =	sbarrier.arrive $0xFFFF  }
0x5b: {  	p0 =	sne.s32 s1, $0x0;
	_ =	strace $0x90000047  }
0x5c: {  	s0 =	sadd.s32 @!p0 $0x100000, s0;
	[bflag:$0x2] =	sbarrier.arrive $0xFFFF  }
0x5d: {  	[sflag:s0] =	ssyncadd.tile.s32 @!p0 $0x1;
	_ =	shalt  }
.Lfunc_end2:
_tile_overlayer_lowered:
.L_overlay_start_2:
0x5e: {  	(tag) =	ssettag $0x2  }
0x5f: {  	s0 =	rddreg [dreg:$0x0];
	s2 =	stileid.u32  }
0x60: {  	s1 =	rddreg [dreg:$0x1];
	p0 =	sne.s32 s2, $0x0  }
0x61: {  	s3 =	rddreg [dreg:$0x2];
	[bflag:$0x3] =	sbarrier.arrive $0xFFFF;
	s2 =	simm.s32 @!p0 $0x1C01  }
0x62: {  	[timem:s3], [sflag:s2] =	dma.local @!p0 [hbm:s0], s1  }
0x63: {  	s0 =	simm.s32 @!p0 $0x1  }
0x64: {  	_ =	swait.ge @!p0 [sflag:s0], s1  }
0x65: {  	s1 =	ssub.s32 @!p0 $0x0, s1;
	[sflag:s0] =	ssyncset.done @!p0 $0x0  }
0x66: {  	[sflag:s0] =	ssyncadd.s32 @!p0 s1  }
0x67: {  	[bflag:$0x3] =	sbarrier.arrive $0xFFFF  }
0x68: {  	_ =	shalt  }

</sc_bundles>
